<compile_context>
chip_gen: v7x
topology: tpu7x:2x2x1
jax: 0.10.2.dev20260603
libtpu: 0.0.44.dev20260713+nightly
codegen_flags: <defaults>
</compile_context>

<pallas_src>
import functools

import jax
import jax.numpy as jnp
from jax import lax
from jax.experimental import pallas as pl
from jax.experimental.pallas import tpu as pltpu
from jax.experimental.pallas import tpu_sc as plsc

N_NODES = 10000
N_EDGES = 320000
D = 128
DH = D // 2

NC = 2
NS = 16
B = 128
K = 157
E_PAD = NS * K * B
N_ACC = 10240
ROWS_PER_TILE_OUT = N_ACC // NS
ZROWS = 128

_mesh = plsc.VectorSubcoreMesh(core_axis_name="c", subcore_axis_name="s")


@functools.partial(
    pl.kernel,
    out_type=(
        jax.ShapeDtypeStruct((N_ACC, DH), jnp.float32),
        jax.ShapeDtypeStruct((N_ACC, DH), jnp.float32),
    ),
    mesh=_mesh,
    scratch_types=[
        pltpu.VMEM((K, B), jnp.int32),
        pltpu.VMEM((K, B), jnp.int32),
        pltpu.VMEM((4, B, DH), jnp.float32),
        pltpu.VMEM((ZROWS, DH), jnp.float32),
        pltpu.VMEM_SHARED((N_ACC, DH), jnp.float32),
        pltpu.SemaphoreType.DMA,
        pltpu.SemaphoreType.DMA,
    ],
    compiler_params=pltpu.CompilerParams(use_tc_tiling_on_sc=False),
)
def _sc_aggregate(xl_hbm, xr_hbm, src_hbm, dst_hbm, pa_hbm, pb_hbm,
                  src_v, dst_v, rows_v, zbuf, acc_sh, sem_g, sem_s):
    c = lax.axis_index("c")
    s = lax.axis_index("s")

    pltpu.async_copy(src_hbm.at[s], src_v, sem_g)
    pltpu.async_copy(dst_hbm.at[s], dst_v, sem_g)

    zeros16 = jnp.zeros((16,), jnp.float32)

    def _zrow(i, carry):
        for c8 in range(DH // 16):
            zbuf[i, pl.ds(c8 * 16, 16)] = zeros16
        return carry

    lax.fori_loop(0, ZROWS, _zrow, 0)
    acc_rows_per_tile = N_ACC // NS
    nz = acc_rows_per_tile // ZROWS
    for t in range(nz):
        pltpu.async_copy(
            zbuf, acc_sh.at[pl.ds(s * acc_rows_per_tile + t * ZROWS, ZROWS)],
            sem_s)
    for ref in (src_v, dst_v):
        pltpu.make_async_copy(src_hbm.at[s], ref, sem_g).wait()
    for t in range(nz):
        pltpu.make_async_copy(
            zbuf, acc_sh.at[pl.ds(0, ZROWS)], sem_s).wait()
    plsc.subcore_barrier()

    NBUF = 4

    def _gather(j, buf):
        @pl.when(c == 0)
        def _():
            pltpu.async_copy(xl_hbm.at[src_v.at[j]], rows_v.at[buf], sem_g)

        @pl.when(c == 1)
        def _():
            pltpu.async_copy(xr_hbm.at[src_v.at[j]], rows_v.at[buf], sem_g)

    for j in range(NBUF - 1):
        _gather(j, j)

    def _block(j, carry):
        b = lax.rem(j, NBUF)
        pltpu.make_async_copy(
            xl_hbm.at[src_v.at[j]], rows_v.at[b], sem_g).wait()
        pltpu.async_copy(rows_v.at[b], acc_sh.at[dst_v.at[j]], sem_s,
                         add=True)

        @pl.when(j + NBUF - 1 < K)
        def _():
            @pl.when(j >= 1)
            def _():
                pltpu.make_async_copy(
                    rows_v.at[b], acc_sh.at[pl.ds(0, B)], sem_s).wait()

            _gather(j + NBUF - 1, lax.rem(j + NBUF - 1, NBUF))

        return carry

    lax.fori_loop(0, K, _block, 0)
    for _ in range(NBUF):
        pltpu.make_async_copy(
            rows_v.at[0], acc_sh.at[pl.ds(0, B)], sem_s).wait()
    plsc.subcore_barrier()

    base = s * ROWS_PER_TILE_OUT

    @pl.when(c == 0)
    def _():
        pltpu.sync_copy(acc_sh.at[pl.ds(base, ROWS_PER_TILE_OUT)],
                        pa_hbm.at[pl.ds(base, ROWS_PER_TILE_OUT)])

    @pl.when(c == 1)
    def _():
        pltpu.sync_copy(acc_sh.at[pl.ds(base, ROWS_PER_TILE_OUT)],
                        pb_hbm.at[pl.ds(base, ROWS_PER_TILE_OUT)])


def _mm_body(xe_ref, xo_ref, a_ref, b_ref, w_ref, bias_ref,
             oe_ref, oo_ref, ol_ref, or_ref, *, relu):
    a2 = a_ref[...]
    b2 = b_ref[...]
    aggr_e = jnp.concatenate([a2[:, :DH], b2[:, :DH]], axis=1)
    aggr_o = jnp.concatenate([a2[:, DH:], b2[:, DH:]], axis=1)
    w = w_ref[...]
    bias = bias_ref[...]

    def lin(x, aggr):
        y = jnp.dot(x + aggr, w, preferred_element_type=jnp.float32) + bias
        return jnp.maximum(y, 0.0) if relu else y

    ye = lin(xe_ref[...], aggr_e)
    yo = lin(xo_ref[...], aggr_o)
    oe_ref[...] = ye
    oo_ref[...] = yo
    ol_ref[...] = jnp.concatenate([ye[:, :DH], yo[:, :DH]], axis=1)
    or_ref[...] = jnp.concatenate([ye[:, DH:], yo[:, DH:]], axis=1)


_NP = N_NODES // 2


def _tc_linear(xe, xo, pa2, pb2, W, bias, relu):
    rows = 1000
    blk = pl.BlockSpec((rows, D), lambda i: (i, 0))
    return pl.pallas_call(
        functools.partial(_mm_body, relu=relu),
        grid=(_NP // rows,),
        in_specs=[blk, blk, blk, blk,
                  pl.BlockSpec((D, D), lambda i: (0, 0)),
                  pl.BlockSpec((1, D), lambda i: (0, 0))],
        out_specs=(blk, blk, blk, blk),
        out_shape=tuple(
            jax.ShapeDtypeStruct((_NP, D), jnp.float32) for _ in range(4)),
    )(xe, xo, pa2, pb2, W, bias)


def kernel(x, edge_index, W1, b1, W2, b2, W3, b3):
    ei = edge_index.astype(jnp.int32)
    pad = E_PAD - N_EDGES
    src_p = jnp.concatenate(
        [ei[0], jnp.zeros((pad,), jnp.int32)]).reshape(NS, K, B)
    dst_p = jnp.concatenate(
        [ei[1], jnp.full((pad,), N_NODES, jnp.int32)]).reshape(NS, K, B)

    xe = x[0::2]
    xo = x[1::2]
    hl = x[:, :DH]
    hr = x[:, DH:]
    for W, bias, relu in ((W1, b1, True), (W2, b2, True), (W3, b3, False)):
        pa, pb = _sc_aggregate(hl, hr, src_p, dst_p)
        xe, xo, ol, orr = _tc_linear(
            xe, xo, pa.reshape(N_ACC // 2, D), pb.reshape(N_ACC // 2, D),
            W, bias.reshape(1, D), relu)
        hl = ol.reshape(N_NODES, DH)
        hr = orr.reshape(N_NODES, DH)
    return jnp.concatenate(
        [xe[:, None, :], xo[:, None, :]], axis=1).reshape(N_NODES, D)

# --- scband reference (transcript-rebuilt; emitter-appended) ---
"""Pipeline reference for scband-gin-18038862643738 (READ-ONLY COPY).

The authoritative reference and input builder live on the scoring server;
editing this copy changes nothing except your own understanding.
"""

import jax, jax.numpy as jnp
import numpy as np

N_NODES = 10000
N_EDGES = 320000
D_IN = 128
D_HID = 128
D_OUT = 128
EPS = 0.0  # GIN epsilon, init 0


def setup_inputs(seed: int = 0) -> dict:
    key = jax.random.key(seed)
    k_x, k_e, k_w1, k_w2, k_w3 = jax.random.split(key, 5)
    x = jax.random.normal(k_x, (N_NODES, D_IN), dtype=jnp.float32)
    edge_index = jax.random.randint(k_e, (2, N_EDGES), 0, N_NODES, dtype=jnp.int64)
    # GINConv linear weights (3 layers: in->hid, hid->hid, hid->out)
    W1 = jax.random.normal(k_w1, (D_IN, D_HID), dtype=jnp.float32) * (1.0 / np.sqrt(D_IN))
    b1 = jnp.zeros((D_HID,), dtype=jnp.float32)
    W2 = jax.random.normal(k_w2, (D_HID, D_HID), dtype=jnp.float32) * (1.0 / np.sqrt(D_HID))
    b2 = jnp.zeros((D_HID,), dtype=jnp.float32)
    W3 = jax.random.normal(k_w3, (D_HID, D_OUT), dtype=jnp.float32) * (1.0 / np.sqrt(D_HID))
    b3 = jnp.zeros((D_OUT,), dtype=jnp.float32)
    return {"x": x, "edge_index": edge_index, "W1": W1, "b1": b1, "W2": W2, "b2": b2, "W3": W3, "b3": b3}


def _gin_conv(x, edge_index, W, b):
    # GINConv: out = Linear((1+eps)*x + sum_{j in N(i)} x_j)
    src = edge_index[0]
    dst = edge_index[1]
    msgs = jnp.take(x, src, axis=0)
    aggr = jax.ops.segment_sum(msgs, dst, num_segments=N_NODES)
    h = (1.0 + EPS) * x + aggr
    return h @ W + b


def reference(x, edge_index, W1, b1, W2, b2, W3, b3):
    # layer 1 (+ relu; dropout p=0.0 -> identity)
    h = _gin_conv(x, edge_index, W1, b1)
    h = jax.nn.relu(h)
    # layer 2
    h = _gin_conv(h, edge_index, W2, b2)
    h = jax.nn.relu(h)
    # layer 3 (no activation)
    out = _gin_conv(h, edge_index, W3, b3)
    return out

if __name__ == "__main__":
    import jax
    _d = setup_inputs()
    print(jax.jit(kernel)(*tuple(_d.values())))

</pallas_src>

<mosaic_0001>
#map = affine_map<(d0, d1) -> (0, 0)>
#map1 = affine_map<(d0, d1) -> (0, 0, 0)>
module attributes {stable_mosaic.version = 14 : i64} {
  func.func @_sc_aggregate(%arg0: i32, %arg1: i32, %arg2: memref<10000x64xf32, #tpu.memory_space<hbm>>, %arg3: memref<10000x64xf32, #tpu.memory_space<hbm>>, %arg4: memref<16x157x128xi32, #tpu.memory_space<hbm>>, %arg5: memref<16x157x128xi32, #tpu.memory_space<hbm>>, %arg6: memref<10240x64xf32, #tpu.memory_space<hbm>>, %arg7: memref<10240x64xf32, #tpu.memory_space<hbm>>, %arg8: memref<157x128xi32, #tpu.memory_space<vmem>>, %arg9: memref<157x128xi32, #tpu.memory_space<vmem>>, %arg10: memref<4x128x64xf32, #tpu.memory_space<vmem>>, %arg11: memref<128x64xf32, #tpu.memory_space<vmem>>, %arg12: memref<10240x64xf32, #tpu.memory_space<vmem_shared>>, %arg13: memref<!tpu.dma_semaphore, #tpu.memory_space<semaphore_mem>>, %arg14: memref<!tpu.dma_semaphore, #tpu.memory_space<semaphore_mem>>) attributes {dimension_semantics = [#tpu.dimension_semantics<core_parallel>, #tpu.dimension_semantics<subcore_parallel>], iteration_bounds = array<i64: 2, 16>, scalar_prefetch = 0 : i64, scratch_operands = 7 : i64, tpu.core_type = #tpu.core_type<sc_vector_subcore>, window_params = [{transform_indices = #map}, {transform_indices = #map}, {transform_indices = #map1}, {transform_indices = #map1}, {transform_indices = #map}, {transform_indices = #map}]} {
    %dma_start3A = arith.constant 0 : i32
    %dma_start3A_0 = arith.constant 0 : i32
    %dma_start3A_1 = tpu.memref_slice %arg4[%arg1, %dma_start3A, %dma_start3A_0] : memref<16x157x128xi32, #tpu.memory_space<hbm>> -> memref<1x157x128xi32, #tpu.memory_space<hbm>>
    %dma_start3A_2 = tpu.memref_squeeze %dma_start3A_1 : memref<1x157x128xi32, #tpu.memory_space<hbm>> -> memref<157x128xi32, #tpu.memory_space<hbm>>
    %dma_start3A_3 = arith.constant 0 : i32
    %dma_start3A_4 = arith.constant 0 : i32
    %dma_start3A_5 = tpu.memref_slice %arg4[%arg1, %dma_start3A_3, %dma_start3A_4] : memref<16x157x128xi32, #tpu.memory_space<hbm>> -> memref<1x157x128xi32, #tpu.memory_space<hbm>>
    %dma_start3A_6 = tpu.memref_squeeze %dma_start3A_5 : memref<1x157x128xi32, #tpu.memory_space<hbm>> -> memref<157x128xi32, #tpu.memory_space<hbm>>
    tpu.enqueue_dma source(%dma_start3A_6 : memref<157x128xi32, #tpu.memory_space<hbm>>) target(%arg8 : memref<157x128xi32, #tpu.memory_space<vmem>>) target_semaphore(%arg13 : memref<!tpu.dma_semaphore, #tpu.memory_space<semaphore_mem>>)
    %dma_start3A_7 = arith.constant 0 : i32
    %dma_start3A_8 = arith.constant 0 : i32
    %dma_start3A_9 = tpu.memref_slice %arg5[%arg1, %dma_start3A_7, %dma_start3A_8] : memref<16x157x128xi32, #tpu.memory_space<hbm>> -> memref<1x157x128xi32, #tpu.memory_space<hbm>>
    %dma_start3A_10 = tpu.memref_squeeze %dma_start3A_9 : memref<1x157x128xi32, #tpu.memory_space<hbm>> -> memref<157x128xi32, #tpu.memory_space<hbm>>
    %dma_start3A_11 = arith.constant 0 : i32
    %dma_start3A_12 = arith.constant 0 : i32
    %dma_start3A_13 = tpu.memref_slice %arg5[%arg1, %dma_start3A_11, %dma_start3A_12] : memref<16x157x128xi32, #tpu.memory_space<hbm>> -> memref<1x157x128xi32, #tpu.memory_space<hbm>>
    %dma_start3A_14 = tpu.memref_squeeze %dma_start3A_13 : memref<1x157x128xi32, #tpu.memory_space<hbm>> -> memref<157x128xi32, #tpu.memory_space<hbm>>
    tpu.enqueue_dma source(%dma_start3A_14 : memref<157x128xi32, #tpu.memory_space<hbm>>) target(%arg9 : memref<157x128xi32, #tpu.memory_space<vmem>>) target_semaphore(%arg13 : memref<!tpu.dma_semaphore, #tpu.memory_space<semaphore_mem>>)
    %broadcast_in_dim3A = arith.constant 0.000000e+00 : f32
    %broadcast_in_dim3A_15 = vector.broadcast %broadcast_in_dim3A : f32 to vector<16xf32>
    %scan3A = arith.constant 0 : i32
    %scan3A_16 = arith.constant 0 : i32
    %scan3A_17 = arith.constant 128 : i32
    %scan3A_18 = arith.addi %scan3A_16, %scan3A_17 : i32
    %scan3A_19 = arith.constant 1 : i32
    scf.for %scan3A_210 = %scan3A_16 to %scan3A_18 step %scan3A_19  : i32 {
      %swap3A = arith.index_cast %scan3A_210 : i32 to index
      %swap3A_211 = arith.constant 0 : index
      %swap3A_212 = tpu.vector_load %arg11[%swap3A, %swap3A_211] {strides = array<i32>} : memref<128x64xf32, #tpu.memory_space<vmem>>, vector<1x16xf32>,
      %swap3A_213 = vector.shape_cast %swap3A_212 : vector<1x16xf32> to vector<16xf32>
      %swap3A_214 = vector.shape_cast %broadcast_in_dim3A_15 : vector<16xf32> to vector<1x16xf32>
      tpu.vector_store %arg11[%swap3A, %swap3A_211], %swap3A_214 {strides = array<i32>} : memref<128x64xf32, #tpu.memory_space<vmem>>, vector<1x16xf32>,
      %swap3A_215 = arith.index_cast %scan3A_210 : i32 to index
      %swap3A_216 = arith.constant 16 : index
      %swap3A_217 = tpu.vector_load %arg11[%swap3A_215, %swap3A_216] {strides = array<i32>} : memref<128x64xf32, #tpu.memory_space<vmem>>, vector<1x16xf32>,
      %swap3A_218 = vector.shape_cast %swap3A_217 : vector<1x16xf32> to vector<16xf32>
      %swap3A_219 = vector.shape_cast %broadcast_in_dim3A_15 : vector<16xf32> to vector<1x16xf32>
      tpu.vector_store %arg11[%swap3A_215, %swap3A_216], %swap3A_219 {strides = array<i32>} : memref<128x64xf32, #tpu.memory_space<vmem>>, vector<1x16xf32>,
      %swap3A_220 = arith.index_cast %scan3A_210 : i32 to index
      %swap3A_221 = arith.constant 32 : index
      %swap3A_222 = tpu.vector_load %arg11[%swap3A_220, %swap3A_221] {strides = array<i32>} : memref<128x64xf32, #tpu.memory_space<vmem>>, vector<1x16xf32>,
      %swap3A_223 = vector.shape_cast %swap3A_222 : vector<1x16xf32> to vector<16xf32>
      %swap3A_224 = vector.shape_cast %broadcast_in_dim3A_15 : vector<16xf32> to vector<1x16xf32>
      tpu.vector_store %arg11[%swap3A_220, %swap3A_221], %swap3A_224 {strides = array<i32>} : memref<128x64xf32, #tpu.memory_space<vmem>>, vector<1x16xf32>,
      %swap3A_225 = arith.index_cast %scan3A_210 : i32 to index
      %swap3A_226 = arith.constant 48 : index
      %swap3A_227 = tpu.vector_load %arg11[%swap3A_225, %swap3A_226] {strides = array<i32>} : memref<128x64xf32, #tpu.memory_space<vmem>>, vector<1x16xf32>,
      %swap3A_228 = vector.shape_cast %swap3A_227 : vector<1x16xf32> to vector<16xf32>
      %swap3A_229 = vector.shape_cast %broadcast_in_dim3A_15 : vector<16xf32> to vector<1x16xf32>
      tpu.vector_store %arg11[%swap3A_225, %swap3A_226], %swap3A_229 {strides = array<i32>} : memref<128x64xf32, #tpu.memory_space<vmem>>, vector<1x16xf32>,
    }
    %scan3A_20 = arith.constant 128 : i32
    %mul3A = arith.constant 640 : i32
    %mul3A_21 = arith.muli %arg1, %mul3A : i32
    %add3A = arith.constant 0 : i32
    %add3A_22 = arith.addi %mul3A_21, %add3A : i32
    %dma_start3A_23 = arith.constant 0 : i32
    %dma_start3A_24 = tpu.memref_slice %arg12[%add3A_22, %dma_start3A_23] : memref<10240x64xf32, #tpu.memory_space<vmem_shared>> -> memref<128x64xf32, #tpu.memory_space<vmem_shared>>
    %dma_start3A_25 = arith.constant 0 : i32
    %dma_start3A_26 = tpu.memref_slice %arg12[%add3A_22, %dma_start3A_25] : memref<10240x64xf32, #tpu.memory_space<vmem_shared>> -> memref<128x64xf32, #tpu.memory_space<vmem_shared>>
    tpu.enqueue_dma source(%arg11 : memref<128x64xf32, #tpu.memory_space<vmem>>) target(%dma_start3A_26 : memref<128x64xf32, #tpu.memory_space<vmem_shared>>) target_semaphore(%arg14 : memref<!tpu.dma_semaphore, #tpu.memory_space<semaphore_mem>>)
    %mul3A_27 = arith.constant 640 : i32
    %mul3A_28 = arith.muli %arg1, %mul3A_27 : i32
    %add3A_29 = arith.constant 128 : i32
    %add3A_30 = arith.addi %mul3A_28, %add3A_29 : i32
    %dma_start3A_31 = arith.constant 0 : i32
    %dma_start3A_32 = tpu.memref_slice %arg12[%add3A_30, %dma_start3A_31] : memref<10240x64xf32, #tpu.memory_space<vmem_shared>> -> memref<128x64xf32, #tpu.memory_space<vmem_shared>>
    %dma_start3A_33 = arith.constant 0 : i32
    %dma_start3A_34 = tpu.memref_slice %arg12[%add3A_30, %dma_start3A_33] : memref<10240x64xf32, #tpu.memory_space<vmem_shared>> -> memref<128x64xf32, #tpu.memory_space<vmem_shared>>
    tpu.enqueue_dma source(%arg11 : memref<128x64xf32, #tpu.memory_space<vmem>>) target(%dma_start3A_34 : memref<128x64xf32, #tpu.memory_space<vmem_shared>>) target_semaphore(%arg14 : memref<!tpu.dma_semaphore, #tpu.memory_space<semaphore_mem>>)
    %mul3A_35 = arith.constant 640 : i32
    %mul3A_36 = arith.muli %arg1, %mul3A_35 : i32
    %add3A_37 = arith.constant 256 : i32
    %add3A_38 = arith.addi %mul3A_36, %add3A_37 : i32
    %dma_start3A_39 = arith.constant 0 : i32
    %dma_start3A_40 = tpu.memref_slice %arg12[%add3A_38, %dma_start3A_39] : memref<10240x64xf32, #tpu.memory_space<vmem_shared>> -> memref<128x64xf32, #tpu.memory_space<vmem_shared>>
    %dma_start3A_41 = arith.constant 0 : i32
    %dma_start3A_42 = tpu.memref_slice %arg12[%add3A_38, %dma_start3A_41] : memref<10240x64xf32, #tpu.memory_space<vmem_shared>> -> memref<128x64xf32, #tpu.memory_space<vmem_shared>>
    tpu.enqueue_dma source(%arg11 : memref<128x64xf32, #tpu.memory_space<vmem>>) target(%dma_start3A_42 : memref<128x64xf32, #tpu.memory_space<vmem_shared>>) target_semaphore(%arg14 : memref<!tpu.dma_semaphore, #tpu.memory_space<semaphore_mem>>)
    %mul3A_43 = arith.constant 640 : i32
    %mul3A_44 = arith.muli %arg1, %mul3A_43 : i32
    %add3A_45 = arith.constant 384 : i32
    %add3A_46 = arith.addi %mul3A_44, %add3A_45 : i32
    %dma_start3A_47 = arith.constant 0 : i32
    %dma_start3A_48 = tpu.memref_slice %arg12[%add3A_46, %dma_start3A_47] : memref<10240x64xf32, #tpu.memory_space<vmem_shared>> -> memref<128x64xf32, #tpu.memory_space<vmem_shared>>
    %dma_start3A_49 = arith.constant 0 : i32
    %dma_start3A_50 = tpu.memref_slice %arg12[%add3A_46, %dma_start3A_49] : memref<10240x64xf32, #tpu.memory_space<vmem_shared>> -> memref<128x64xf32, #tpu.memory_space<vmem_shared>>
    tpu.enqueue_dma source(%arg11 : memref<128x64xf32, #tpu.memory_space<vmem>>) target(%dma_start3A_50 : memref<128x64xf32, #tpu.memory_space<vmem_shared>>) target_semaphore(%arg14 : memref<!tpu.dma_semaphore, #tpu.memory_space<semaphore_mem>>)
    %mul3A_51 = arith.constant 640 : i32
    %mul3A_52 = arith.muli %arg1, %mul3A_51 : i32
    %add3A_53 = arith.constant 512 : i32
    %add3A_54 = arith.addi %mul3A_52, %add3A_53 : i32
    %dma_start3A_55 = arith.constant 0 : i32
    %dma_start3A_56 = tpu.memref_slice %arg12[%add3A_54, %dma_start3A_55] : memref<10240x64xf32, #tpu.memory_space<vmem_shared>> -> memref<128x64xf32, #tpu.memory_space<vmem_shared>>
    %dma_start3A_57 = arith.constant 0 : i32
    %dma_start3A_58 = tpu.memref_slice %arg12[%add3A_54, %dma_start3A_57] : memref<10240x64xf32, #tpu.memory_space<vmem_shared>> -> memref<128x64xf32, #tpu.memory_space<vmem_shared>>
    tpu.enqueue_dma source(%arg11 : memref<128x64xf32, #tpu.memory_space<vmem>>) target(%dma_start3A_58 : memref<128x64xf32, #tpu.memory_space<vmem_shared>>) target_semaphore(%arg14 : memref<!tpu.dma_semaphore, #tpu.memory_space<semaphore_mem>>)
    %dma_wait3A = arith.constant 0 : i32
    %dma_wait3A_59 = arith.constant 0 : i32
    %dma_wait3A_60 = tpu.memref_slice %arg4[%arg1, %dma_wait3A, %dma_wait3A_59] : memref<16x157x128xi32, #tpu.memory_space<hbm>> -> memref<1x157x128xi32, #tpu.memory_space<hbm>>
    %dma_wait3A_61 = tpu.memref_squeeze %dma_wait3A_60 : memref<1x157x128xi32, #tpu.memory_space<hbm>> -> memref<157x128xi32, #tpu.memory_space<hbm>>
    %dma_wait3A_62 = arith.constant 0 : i32
    %dma_wait3A_63 = arith.constant 0 : i32
    %dma_wait3A_64 = tpu.memref_slice %arg4[%arg1, %dma_wait3A_62, %dma_wait3A_63] : memref<16x157x128xi32, #tpu.memory_space<hbm>> -> memref<1x157x128xi32, #tpu.memory_space<hbm>>
    %dma_wait3A_65 = tpu.memref_squeeze %dma_wait3A_64 : memref<1x157x128xi32, #tpu.memory_space<hbm>> -> memref<157x128xi32, #tpu.memory_space<hbm>>
    tpu.wait_dma2 semaphore(%arg13 : memref<!tpu.dma_semaphore, #tpu.memory_space<semaphore_mem>>) src(%dma_wait3A_65 : memref<157x128xi32, #tpu.memory_space<hbm>>) dst(%arg8 : memref<157x128xi32, #tpu.memory_space<vmem>>)
    %dma_wait3A_66 = arith.constant 0 : i32
    %dma_wait3A_67 = arith.constant 0 : i32
    %dma_wait3A_68 = tpu.memref_slice %arg4[%arg1, %dma_wait3A_66, %dma_wait3A_67] : memref<16x157x128xi32, #tpu.memory_space<hbm>> -> memref<1x157x128xi32, #tpu.memory_space<hbm>>
    %dma_wait3A_69 = tpu.memref_squeeze %dma_wait3A_68 : memref<1x157x128xi32, #tpu.memory_space<hbm>> -> memref<157x128xi32, #tpu.memory_space<hbm>>
    %dma_wait3A_70 = arith.constant 0 : i32
    %dma_wait3A_71 = arith.constant 0 : i32
    %dma_wait3A_72 = tpu.memref_slice %arg4[%arg1, %dma_wait3A_70, %dma_wait3A_71] : memref<16x157x128xi32, #tpu.memory_space<hbm>> -> memref<1x157x128xi32, #tpu.memory_space<hbm>>
    %dma_wait3A_73 = tpu.memref_squeeze %dma_wait3A_72 : memref<1x157x128xi32, #tpu.memory_space<hbm>> -> memref<157x128xi32, #tpu.memory_space<hbm>>
    tpu.wait_dma2 semaphore(%arg13 : memref<!tpu.dma_semaphore, #tpu.memory_space<semaphore_mem>>) src(%dma_wait3A_73 : memref<157x128xi32, #tpu.memory_space<hbm>>) dst(%arg9 : memref<157x128xi32, #tpu.memory_space<vmem>>)
    %dma_wait3A_74 = arith.constant 0 : i32
    %dma_wait3A_75 = arith.constant 0 : i32
    %dma_wait3A_76 = tpu.memref_slice %arg12[%dma_wait3A_74, %dma_wait3A_75] : memref<10240x64xf32, #tpu.memory_space<vmem_shared>> -> memref<128x64xf32, #tpu.memory_space<vmem_shared>>
    %dma_wait3A_77 = arith.constant 0 : i32
    %dma_wait3A_78 = arith.constant 0 : i32
    %dma_wait3A_79 = tpu.memref_slice %arg12[%dma_wait3A_77, %dma_wait3A_78] : memref<10240x64xf32, #tpu.memory_space<vmem_shared>> -> memref<128x64xf32, #tpu.memory_space<vmem_shared>>
    tpu.wait_dma2 semaphore(%arg14 : memref<!tpu.dma_semaphore, #tpu.memory_space<semaphore_mem>>) src(%arg11 : memref<128x64xf32, #tpu.memory_space<vmem>>) dst(%dma_wait3A_79 : memref<128x64xf32, #tpu.memory_space<vmem_shared>>)
    %dma_wait3A_80 = arith.constant 0 : i32
    %dma_wait3A_81 = arith.constant 0 : i32
    %dma_wait3A_82 = tpu.memref_slice %arg12[%dma_wait3A_80, %dma_wait3A_81] : memref<10240x64xf32, #tpu.memory_space<vmem_shared>> -> memref<128x64xf32, #tpu.memory_space<vmem_shared>>
    %dma_wait3A_83 = arith.constant 0 : i32
    %dma_wait3A_84 = arith.constant 0 : i32
    %dma_wait3A_85 = tpu.memref_slice %arg12[%dma_wait3A_83, %dma_wait3A_84] : memref<10240x64xf32, #tpu.memory_space<vmem_shared>> -> memref<128x64xf32, #tpu.memory_space<vmem_shared>>
    tpu.wait_dma2 semaphore(%arg14 : memref<!tpu.dma_semaphore, #tpu.memory_space<semaphore_mem>>) src(%arg11 : memref<128x64xf32, #tpu.memory_space<vmem>>) dst(%dma_wait3A_85 : memref<128x64xf32, #tpu.memory_space<vmem_shared>>)
    %dma_wait3A_86 = arith.constant 0 : i32
    %dma_wait3A_87 = arith.constant 0 : i32
    %dma_wait3A_88 = tpu.memref_slice %arg12[%dma_wait3A_86, %dma_wait3A_87] : memref<10240x64xf32, #tpu.memory_space<vmem_shared>> -> memref<128x64xf32, #tpu.memory_space<vmem_shared>>
    %dma_wait3A_89 = arith.constant 0 : i32
    %dma_wait3A_90 = arith.constant 0 : i32
    %dma_wait3A_91 = tpu.memref_slice %arg12[%dma_wait3A_89, %dma_wait3A_90] : memref<10240x64xf32, #tpu.memory_space<vmem_shared>> -> memref<128x64xf32, #tpu.memory_space<vmem_shared>>
    tpu.wait_dma2 semaphore(%arg14 : memref<!tpu.dma_semaphore, #tpu.memory_space<semaphore_mem>>) src(%arg11 : memref<128x64xf32, #tpu.memory_space<vmem>>) dst(%dma_wait3A_91 : memref<128x64xf32, #tpu.memory_space<vmem_shared>>)
    %dma_wait3A_92 = arith.constant 0 : i32
    %dma_wait3A_93 = arith.constant 0 : i32
    %dma_wait3A_94 = tpu.memref_slice %arg12[%dma_wait3A_92, %dma_wait3A_93] : memref<10240x64xf32, #tpu.memory_space<vmem_shared>> -> memref<128x64xf32, #tpu.memory_space<vmem_shared>>
    %dma_wait3A_95 = arith.constant 0 : i32
    %dma_wait3A_96 = arith.constant 0 : i32
    %dma_wait3A_97 = tpu.memref_slice %arg12[%dma_wait3A_95, %dma_wait3A_96] : memref<10240x64xf32, #tpu.memory_space<vmem_shared>> -> memref<128x64xf32, #tpu.memory_space<vmem_shared>>
    tpu.wait_dma2 semaphore(%arg14 : memref<!tpu.dma_semaphore, #tpu.memory_space<semaphore_mem>>) src(%arg11 : memref<128x64xf32, #tpu.memory_space<vmem>>) dst(%dma_wait3A_97 : memref<128x64xf32, #tpu.memory_space<vmem_shared>>)
    %dma_wait3A_98 = arith.constant 0 : i32
    %dma_wait3A_99 = arith.constant 0 : i32
    %dma_wait3A_100 = tpu.memref_slice %arg12[%dma_wait3A_98, %dma_wait3A_99] : memref<10240x64xf32, #tpu.memory_space<vmem_shared>> -> memref<128x64xf32, #tpu.memory_space<vmem_shared>>
    %dma_wait3A_101 = arith.constant 0 : i32
    %dma_wait3A_102 = arith.constant 0 : i32
    %dma_wait3A_103 = tpu.memref_slice %arg12[%dma_wait3A_101, %dma_wait3A_102] : memref<10240x64xf32, #tpu.memory_space<vmem_shared>> -> memref<128x64xf32, #tpu.memory_space<vmem_shared>>
    tpu.wait_dma2 semaphore(%arg14 : memref<!tpu.dma_semaphore, #tpu.memory_space<semaphore_mem>>) src(%arg11 : memref<128x64xf32, #tpu.memory_space<vmem>>) dst(%dma_wait3A_103 : memref<128x64xf32, #tpu.memory_space<vmem_shared>>)
    %barrier3A = arith.constant 0 : index
    tpu.barrier barrier_id(%barrier3A)
    %eq3A = arith.constant 0 : i32
    %eq3A_104 = arith.cmpi eq, %arg0, %eq3A : i32
    %convert_element_type3A = arith.extui %eq3A_104 : i1 to i32
    %cond3A = arith.constant 0 : i32
    %cond3A_105 = arith.cmpi ne, %convert_element_type3A, %cond3A : i32
    scf.if %cond3A_105 {
      %dma_start3A_210 = arith.constant 0 : i32
      %dma_start3A_211 = arith.constant 0 : i32
      %dma_start3A_212 = arith.constant 0 : i32
      %dma_start3A_213 = arith.constant 0 : i32
      %dma_start3A_214 = tpu.memref_slice %arg10[%dma_start3A_211, %dma_start3A_212, %dma_start3A_213] : memref<4x128x64xf32, #tpu.memory_space<vmem>> -> memref<1x128x64xf32, #tpu.memory_space<vmem>>
      %dma_start3A_215 = tpu.memref_squeeze %dma_start3A_214 : memref<1x128x64xf32, #tpu.memory_space<vmem>> -> memref<128x64xf32, #tpu.memory_space<vmem>>
      %dma_start3A_216 = arith.constant 0 : i32
      %dma_start3A_217 = tpu.memref_slice %arg8[%dma_start3A_210, %dma_start3A_216] : memref<157x128xi32, #tpu.memory_space<vmem>> -> memref<1x128xi32, #tpu.memory_space<vmem>>
      %dma_start3A_218 = tpu.memref_squeeze %dma_start3A_217 : memref<1x128xi32, #tpu.memory_space<vmem>> -> memref<128xi32, #tpu.memory_space<vmem>>
      %dma_start3A_219 = arith.constant 0 : i32
      %dma_start3A_220 = arith.constant 0 : i32
      %dma_start3A_221 = tpu.memref_slice %arg2[%dma_start3A_219, %dma_start3A_220] : memref<10000x64xf32, #tpu.memory_space<hbm>> -> memref<10000x64xf32, #tpu.memory_space<hbm>>
      tpu.enqueue_indirect_dma source(%dma_start3A_221 : memref<10000x64xf32, #tpu.memory_space<hbm>>) target(%dma_start3A_215 : memref<128x64xf32, #tpu.memory_space<vmem>>) offsets(%dma_start3A_218 : memref<128xi32, #tpu.memory_space<vmem>>) semaphore(%arg13 : memref<!tpu.dma_semaphore, #tpu.memory_space<semaphore_mem>>)
    } else {
    }
    %eq3A_106 = arith.constant 1 : i32
    %eq3A_107 = arith.cmpi eq, %arg0, %eq3A_106 : i32
    %convert_element_type3A_108 = arith.extui %eq3A_107 : i1 to i32
    %cond3A_109 = arith.constant 0 : i32
    %cond3A_110 = arith.cmpi ne, %convert_element_type3A_108, %cond3A_109 : i32
    scf.if %cond3A_110 {
      %dma_start3A_210 = arith.constant 0 : i32
      %dma_start3A_211 = arith.constant 0 : i32
      %dma_start3A_212 = arith.constant 0 : i32
      %dma_start3A_213 = arith.constant 0 : i32
      %dma_start3A_214 = tpu.memref_slice %arg10[%dma_start3A_211, %dma_start3A_212, %dma_start3A_213] : memref<4x128x64xf32, #tpu.memory_space<vmem>> -> memref<1x128x64xf32, #tpu.memory_space<vmem>>
      %dma_start3A_215 = tpu.memref_squeeze %dma_start3A_214 : memref<1x128x64xf32, #tpu.memory_space<vmem>> -> memref<128x64xf32, #tpu.memory_space<vmem>>
      %dma_start3A_216 = arith.constant 0 : i32
      %dma_start3A_217 = tpu.memref_slice %arg8[%dma_start3A_210, %dma_start3A_216] : memref<157x128xi32, #tpu.memory_space<vmem>> -> memref<1x128xi32, #tpu.memory_space<vmem>>
      %dma_start3A_218 = tpu.memref_squeeze %dma_start3A_217 : memref<1x128xi32, #tpu.memory_space<vmem>> -> memref<128xi32, #tpu.memory_space<vmem>>
      %dma_start3A_219 = arith.constant 0 : i32
      %dma_start3A_220 = arith.constant 0 : i32
      %dma_start3A_221 = tpu.memref_slice %arg3[%dma_start3A_219, %dma_start3A_220] : memref<10000x64xf32, #tpu.memory_space<hbm>> -> memref<10000x64xf32, #tpu.memory_space<hbm>>
      tpu.enqueue_indirect_dma source(%dma_start3A_221 : memref<10000x64xf32, #tpu.memory_space<hbm>>) target(%dma_start3A_215 : memref<128x64xf32, #tpu.memory_space<vmem>>) offsets(%dma_start3A_218 : memref<128xi32, #tpu.memory_space<vmem>>) semaphore(%arg13 : memref<!tpu.dma_semaphore, #tpu.memory_space<semaphore_mem>>)
    } else {
    }
    %eq3A_111 = arith.constant 0 : i32
    %eq3A_112 = arith.cmpi eq, %arg0, %eq3A_111 : i32
    %convert_element_type3A_113 = arith.extui %eq3A_112 : i1 to i32
    %cond3A_114 = arith.constant 0 : i32
    %cond3A_115 = arith.cmpi ne, %convert_element_type3A_113, %cond3A_114 : i32
    scf.if %cond3A_115 {
      %dma_start3A_210 = arith.constant 1 : i32
      %dma_start3A_211 = arith.constant 1 : i32
      %dma_start3A_212 = arith.constant 0 : i32
      %dma_start3A_213 = arith.constant 0 : i32
      %dma_start3A_214 = tpu.memref_slice %arg10[%dma_start3A_211, %dma_start3A_212, %dma_start3A_213] : memref<4x128x64xf32, #tpu.memory_space<vmem>> -> memref<1x128x64xf32, #tpu.memory_space<vmem>>
      %dma_start3A_215 = tpu.memref_squeeze %dma_start3A_214 : memref<1x128x64xf32, #tpu.memory_space<vmem>> -> memref<128x64xf32, #tpu.memory_space<vmem>>
      %dma_start3A_216 = arith.constant 0 : i32
      %dma_start3A_217 = tpu.memref_slice %arg8[%dma_start3A_210, %dma_start3A_216] : memref<157x128xi32, #tpu.memory_space<vmem>> -> memref<1x128xi32, #tpu.memory_space<vmem>>
      %dma_start3A_218 = tpu.memref_squeeze %dma_start3A_217 : memref<1x128xi32, #tpu.memory_space<vmem>> -> memref<128xi32, #tpu.memory_space<vmem>>
      %dma_start3A_219 = arith.constant 0 : i32
      %dma_start3A_220 = arith.constant 0 : i32
      %dma_start3A_221 = tpu.memref_slice %arg2[%dma_start3A_219, %dma_start3A_220] : memref<10000x64xf32, #tpu.memory_space<hbm>> -> memref<10000x64xf32, #tpu.memory_space<hbm>>
      tpu.enqueue_indirect_dma source(%dma_start3A_221 : memref<10000x64xf32, #tpu.memory_space<hbm>>) target(%dma_start3A_215 : memref<128x64xf32, #tpu.memory_space<vmem>>) offsets(%dma_start3A_218 : memref<128xi32, #tpu.memory_space<vmem>>) semaphore(%arg13 : memref<!tpu.dma_semaphore, #tpu.memory_space<semaphore_mem>>)
    } else {
    }
    %eq3A_116 = arith.constant 1 : i32
    %eq3A_117 = arith.cmpi eq, %arg0, %eq3A_116 : i32
    %convert_element_type3A_118 = arith.extui %eq3A_117 : i1 to i32
    %cond3A_119 = arith.constant 0 : i32
    %cond3A_120 = arith.cmpi ne, %convert_element_type3A_118, %cond3A_119 : i32
    scf.if %cond3A_120 {
      %dma_start3A_210 = arith.constant 1 : i32
      %dma_start3A_211 = arith.constant 1 : i32
      %dma_start3A_212 = arith.constant 0 : i32
      %dma_start3A_213 = arith.constant 0 : i32
      %dma_start3A_214 = tpu.memref_slice %arg10[%dma_start3A_211, %dma_start3A_212, %dma_start3A_213] : memref<4x128x64xf32, #tpu.memory_space<vmem>> -> memref<1x128x64xf32, #tpu.memory_space<vmem>>
      %dma_start3A_215 = tpu.memref_squeeze %dma_start3A_214 : memref<1x128x64xf32, #tpu.memory_space<vmem>> -> memref<128x64xf32, #tpu.memory_space<vmem>>
      %dma_start3A_216 = arith.constant 0 : i32
      %dma_start3A_217 = tpu.memref_slice %arg8[%dma_start3A_210, %dma_start3A_216] : memref<157x128xi32, #tpu.memory_space<vmem>> -> memref<1x128xi32, #tpu.memory_space<vmem>>
      %dma_start3A_218 = tpu.memref_squeeze %dma_start3A_217 : memref<1x128xi32, #tpu.memory_space<vmem>> -> memref<128xi32, #tpu.memory_space<vmem>>
      %dma_start3A_219 = arith.constant 0 : i32
      %dma_start3A_220 = arith.constant 0 : i32
      %dma_start3A_221 = tpu.memref_slice %arg3[%dma_start3A_219, %dma_start3A_220] : memref<10000x64xf32, #tpu.memory_space<hbm>> -> memref<10000x64xf32, #tpu.memory_space<hbm>>
      tpu.enqueue_indirect_dma source(%dma_start3A_221 : memref<10000x64xf32, #tpu.memory_space<hbm>>) target(%dma_start3A_215 : memref<128x64xf32, #tpu.memory_space<vmem>>) offsets(%dma_start3A_218 : memref<128xi32, #tpu.memory_space<vmem>>) semaphore(%arg13 : memref<!tpu.dma_semaphore, #tpu.memory_space<semaphore_mem>>)
    } else {
    }
    %eq3A_121 = arith.constant 0 : i32
    %eq3A_122 = arith.cmpi eq, %arg0, %eq3A_121 : i32
    %convert_element_type3A_123 = arith.extui %eq3A_122 : i1 to i32
    %cond3A_124 = arith.constant 0 : i32
    %cond3A_125 = arith.cmpi ne, %convert_element_type3A_123, %cond3A_124 : i32
    scf.if %cond3A_125 {
      %dma_start3A_210 = arith.constant 2 : i32
      %dma_start3A_211 = arith.constant 2 : i32
      %dma_start3A_212 = arith.constant 0 : i32
      %dma_start3A_213 = arith.constant 0 : i32
      %dma_start3A_214 = tpu.memref_slice %arg10[%dma_start3A_211, %dma_start3A_212, %dma_start3A_213] : memref<4x128x64xf32, #tpu.memory_space<vmem>> -> memref<1x128x64xf32, #tpu.memory_space<vmem>>
      %dma_start3A_215 = tpu.memref_squeeze %dma_start3A_214 : memref<1x128x64xf32, #tpu.memory_space<vmem>> -> memref<128x64xf32, #tpu.memory_space<vmem>>
      %dma_start3A_216 = arith.constant 0 : i32
      %dma_start3A_217 = tpu.memref_slice %arg8[%dma_start3A_210, %dma_start3A_216] : memref<157x128xi32, #tpu.memory_space<vmem>> -> memref<1x128xi32, #tpu.memory_space<vmem>>
      %dma_start3A_218 = tpu.memref_squeeze %dma_start3A_217 : memref<1x128xi32, #tpu.memory_space<vmem>> -> memref<128xi32, #tpu.memory_space<vmem>>
      %dma_start3A_219 = arith.constant 0 : i32
      %dma_start3A_220 = arith.constant 0 : i32
      %dma_start3A_221 = tpu.memref_slice %arg2[%dma_start3A_219, %dma_start3A_220] : memref<10000x64xf32, #tpu.memory_space<hbm>> -> memref<10000x64xf32, #tpu.memory_space<hbm>>
      tpu.enqueue_indirect_dma source(%dma_start3A_221 : memref<10000x64xf32, #tpu.memory_space<hbm>>) target(%dma_start3A_215 : memref<128x64xf32, #tpu.memory_space<vmem>>) offsets(%dma_start3A_218 : memref<128xi32, #tpu.memory_space<vmem>>) semaphore(%arg13 : memref<!tpu.dma_semaphore, #tpu.memory_space<semaphore_mem>>)
    } else {
    }
    %eq3A_126 = arith.constant 1 : i32
    %eq3A_127 = arith.cmpi eq, %arg0, %eq3A_126 : i32
    %convert_element_type3A_128 = arith.extui %eq3A_127 : i1 to i32
    %cond3A_129 = arith.constant 0 : i32
    %cond3A_130 = arith.cmpi ne, %convert_element_type3A_128, %cond3A_129 : i32
    scf.if %cond3A_130 {
      %dma_start3A_210 = arith.constant 2 : i32
      %dma_start3A_211 = arith.constant 2 : i32
      %dma_start3A_212 = arith.constant 0 : i32
      %dma_start3A_213 = arith.constant 0 : i32
      %dma_start3A_214 = tpu.memref_slice %arg10[%dma_start3A_211, %dma_start3A_212, %dma_start3A_213] : memref<4x128x64xf32, #tpu.memory_space<vmem>> -> memref<1x128x64xf32, #tpu.memory_space<vmem>>
      %dma_start3A_215 = tpu.memref_squeeze %dma_start3A_214 : memref<1x128x64xf32, #tpu.memory_space<vmem>> -> memref<128x64xf32, #tpu.memory_space<vmem>>
      %dma_start3A_216 = arith.constant 0 : i32
      %dma_start3A_217 = tpu.memref_slice %arg8[%dma_start3A_210, %dma_start3A_216] : memref<157x128xi32, #tpu.memory_space<vmem>> -> memref<1x128xi32, #tpu.memory_space<vmem>>
      %dma_start3A_218 = tpu.memref_squeeze %dma_start3A_217 : memref<1x128xi32, #tpu.memory_space<vmem>> -> memref<128xi32, #tpu.memory_space<vmem>>
      %dma_start3A_219 = arith.constant 0 : i32
      %dma_start3A_220 = arith.constant 0 : i32
      %dma_start3A_221 = tpu.memref_slice %arg3[%dma_start3A_219, %dma_start3A_220] : memref<10000x64xf32, #tpu.memory_space<hbm>> -> memref<10000x64xf32, #tpu.memory_space<hbm>>
      tpu.enqueue_indirect_dma source(%dma_start3A_221 : memref<10000x64xf32, #tpu.memory_space<hbm>>) target(%dma_start3A_215 : memref<128x64xf32, #tpu.memory_space<vmem>>) offsets(%dma_start3A_218 : memref<128xi32, #tpu.memory_space<vmem>>) semaphore(%arg13 : memref<!tpu.dma_semaphore, #tpu.memory_space<semaphore_mem>>)
    } else {
    }
    %scan3A_131 = arith.constant 0 : i32
    %scan3A_132 = arith.constant 0 : i32
    %scan3A_133 = arith.constant 157 : i32
    %scan3A_134 = arith.addi %scan3A_132, %scan3A_133 : i32
    %scan3A_135 = arith.constant 1 : i32
    scf.for %scan3A_210 = %scan3A_132 to %scan3A_134 step %scan3A_135  : i32 {
      %rem3A = arith.constant 4 : i32
      %rem3A_211 = arith.remsi %scan3A_210, %rem3A : i32
      %dma_wait3A_212 = arith.constant 0 : i32
      %dma_wait3A_213 = arith.constant 0 : i32
      %dma_wait3A_214 = tpu.memref_slice %arg10[%rem3A_211, %dma_wait3A_212, %dma_wait3A_213] : memref<4x128x64xf32, #tpu.memory_space<vmem>> -> memref<1x128x64xf32, #tpu.memory_space<vmem>>
      %dma_wait3A_215 = tpu.memref_squeeze %dma_wait3A_214 : memref<1x128x64xf32, #tpu.memory_space<vmem>> -> memref<128x64xf32, #tpu.memory_space<vmem>>
      %dma_wait3A_216 = arith.constant 0 : i32
      %dma_wait3A_217 = tpu.memref_slice %arg8[%scan3A_210, %dma_wait3A_216] : memref<157x128xi32, #tpu.memory_space<vmem>> -> memref<1x128xi32, #tpu.memory_space<vmem>>
      %dma_wait3A_218 = tpu.memref_squeeze %dma_wait3A_217 : memref<1x128xi32, #tpu.memory_space<vmem>> -> memref<128xi32, #tpu.memory_space<vmem>>
      %dma_wait3A_219 = arith.constant 0 : i32
      %dma_wait3A_220 = arith.constant 0 : i32
      %dma_wait3A_221 = tpu.memref_slice %arg2[%dma_wait3A_219, %dma_wait3A_220] : memref<10000x64xf32, #tpu.memory_space<hbm>> -> memref<10000x64xf32, #tpu.memory_space<hbm>>
      tpu.wait_indirect_dma semaphore(%arg13 : memref<!tpu.dma_semaphore, #tpu.memory_space<semaphore_mem>>) src(%dma_wait3A_221 : memref<10000x64xf32, #tpu.memory_space<hbm>>) dst(%dma_wait3A_215 : memref<128x64xf32, #tpu.memory_space<vmem>>)
      %dma_start3A_222 = arith.constant 0 : i32
      %dma_start3A_223 = arith.constant 0 : i32
      %dma_start3A_224 = tpu.memref_slice %arg10[%rem3A_211, %dma_start3A_222, %dma_start3A_223] : memref<4x128x64xf32, #tpu.memory_space<vmem>> -> memref<1x128x64xf32, #tpu.memory_space<vmem>>
      %dma_start3A_225 = tpu.memref_squeeze %dma_start3A_224 : memref<1x128x64xf32, #tpu.memory_space<vmem>> -> memref<128x64xf32, #tpu.memory_space<vmem>>
      %dma_start3A_226 = arith.constant 0 : i32
      %dma_start3A_227 = tpu.memref_slice %arg9[%scan3A_210, %dma_start3A_226] : memref<157x128xi32, #tpu.memory_space<vmem>> -> memref<1x128xi32, #tpu.memory_space<vmem>>
      %dma_start3A_228 = tpu.memref_squeeze %dma_start3A_227 : memref<1x128xi32, #tpu.memory_space<vmem>> -> memref<128xi32, #tpu.memory_space<vmem>>
      %dma_start3A_229 = arith.constant 0 : i32
      %dma_start3A_230 = arith.constant 0 : i32
      %dma_start3A_231 = tpu.memref_slice %arg12[%dma_start3A_229, %dma_start3A_230] : memref<10240x64xf32, #tpu.memory_space<vmem_shared>> -> memref<10240x64xf32, #tpu.memory_space<vmem_shared>>
      tpu.enqueue_indirect_dma source(%dma_start3A_225 : memref<128x64xf32, #tpu.memory_space<vmem>>) target(%dma_start3A_231 : memref<10240x64xf32, #tpu.memory_space<vmem_shared>>) offsets(%dma_start3A_228 : memref<128xi32, #tpu.memory_space<vmem>>) semaphore(%arg14 : memref<!tpu.dma_semaphore, #tpu.memory_space<semaphore_mem>>) {add = true}
      %add3A_232 = arith.constant 4 : i32
      %add3A_233 = arith.addi %scan3A_210, %add3A_232 : i32
      %sub3A = arith.constant 1 : i32
      %sub3A_234 = arith.subi %add3A_233, %sub3A : i32
      %lt3A = arith.constant 157 : i32
      %lt3A_235 = arith.cmpi slt, %sub3A_234, %lt3A : i32
      %convert_element_type3A_236 = arith.extui %lt3A_235 : i1 to i32
      %cond3A_237 = arith.constant 0 : i32
      %cond3A_238 = arith.cmpi ne, %convert_element_type3A_236, %cond3A_237 : i32
      scf.if %cond3A_238 {
        %ge3A = arith.constant 1 : i32
        %ge3A_239 = arith.cmpi sge, %scan3A_210, %ge3A : i32
        %convert_element_type3A_240 = arith.extui %ge3A_239 : i1 to i32
        %cond3A_241 = arith.constant 0 : i32
        %cond3A_242 = arith.cmpi ne, %convert_element_type3A_240, %cond3A_241 : i32
        scf.if %cond3A_242 {
          %dma_wait3A_263 = arith.constant 0 : i32
          %dma_wait3A_264 = arith.constant 0 : i32
          %dma_wait3A_265 = tpu.memref_slice %arg10[%rem3A_211, %dma_wait3A_263, %dma_wait3A_264] : memref<4x128x64xf32, #tpu.memory_space<vmem>> -> memref<1x128x64xf32, #tpu.memory_space<vmem>>
          %dma_wait3A_266 = tpu.memref_squeeze %dma_wait3A_265 : memref<1x128x64xf32, #tpu.memory_space<vmem>> -> memref<128x64xf32, #tpu.memory_space<vmem>>
          %dma_wait3A_267 = arith.constant 0 : i32
          %dma_wait3A_268 = arith.constant 0 : i32
          %dma_wait3A_269 = tpu.memref_slice %arg12[%dma_wait3A_267, %dma_wait3A_268] : memref<10240x64xf32, #tpu.memory_space<vmem_shared>> -> memref<128x64xf32, #tpu.memory_space<vmem_shared>>
          %dma_wait3A_270 = arith.constant 0 : i32
          %dma_wait3A_271 = arith.constant 0 : i32
          %dma_wait3A_272 = tpu.memref_slice %arg12[%dma_wait3A_270, %dma_wait3A_271] : memref<10240x64xf32, #tpu.memory_space<vmem_shared>> -> memref<128x64xf32, #tpu.memory_space<vmem_shared>>
          %dma_wait3A_273 = arith.constant 0 : i32
          %dma_wait3A_274 = arith.constant 0 : i32
          %dma_wait3A_275 = tpu.memref_slice %arg10[%rem3A_211, %dma_wait3A_273, %dma_wait3A_274] : memref<4x128x64xf32, #tpu.memory_space<vmem>> -> memref<1x128x64xf32, #tpu.memory_space<vmem>>
          %dma_wait3A_276 = tpu.memref_squeeze %dma_wait3A_275 : memref<1x128x64xf32, #tpu.memory_space<vmem>> -> memref<128x64xf32, #tpu.memory_space<vmem>>
          tpu.wait_dma2 semaphore(%arg14 : memref<!tpu.dma_semaphore, #tpu.memory_space<semaphore_mem>>) src(%dma_wait3A_276 : memref<128x64xf32, #tpu.memory_space<vmem>>) dst(%dma_wait3A_272 : memref<128x64xf32, #tpu.memory_space<vmem_shared>>)
        } else {
        }
        %add3A_243 = arith.constant 4 : i32
        %add3A_244 = arith.addi %scan3A_210, %add3A_243 : i32
        %sub3A_245 = arith.constant 1 : i32
        %sub3A_246 = arith.subi %add3A_244, %sub3A_245 : i32
        %add3A_247 = arith.constant 4 : i32
        %add3A_248 = arith.addi %scan3A_210, %add3A_247 : i32
        %sub3A_249 = arith.constant 1 : i32
        %sub3A_250 = arith.subi %add3A_248, %sub3A_249 : i32
        %rem3A_251 = arith.constant 4 : i32
        %rem3A_252 = arith.remsi %sub3A_250, %rem3A_251 : i32
        %eq3A_253 = arith.constant 0 : i32
        %eq3A_254 = arith.cmpi eq, %arg0, %eq3A_253 : i32
        %convert_element_type3A_255 = arith.extui %eq3A_254 : i1 to i32
        %cond3A_256 = arith.constant 0 : i32
        %cond3A_257 = arith.cmpi ne, %convert_element_type3A_255, %cond3A_256 : i32
        scf.if %cond3A_257 {
          %dma_start3A_263 = arith.constant 0 : i32
          %dma_start3A_264 = arith.constant 0 : i32
          %dma_start3A_265 = tpu.memref_slice %arg10[%rem3A_252, %dma_start3A_263, %dma_start3A_264] : memref<4x128x64xf32, #tpu.memory_space<vmem>> -> memref<1x128x64xf32, #tpu.memory_space<vmem>>
          %dma_start3A_266 = tpu.memref_squeeze %dma_start3A_265 : memref<1x128x64xf32, #tpu.memory_space<vmem>> -> memref<128x64xf32, #tpu.memory_space<vmem>>
          %dma_start3A_267 = arith.constant 0 : i32
          %dma_start3A_268 = tpu.memref_slice %arg8[%sub3A_246, %dma_start3A_267] : memref<157x128xi32, #tpu.memory_space<vmem>> -> memref<1x128xi32, #tpu.memory_space<vmem>>
          %dma_start3A_269 = tpu.memref_squeeze %dma_start3A_268 : memref<1x128xi32, #tpu.memory_space<vmem>> -> memref<128xi32, #tpu.memory_space<vmem>>
          %dma_start3A_270 = arith.constant 0 : i32
          %dma_start3A_271 = arith.constant 0 : i32
          %dma_start3A_272 = tpu.memref_slice %arg2[%dma_start3A_270, %dma_start3A_271] : memref<10000x64xf32, #tpu.memory_space<hbm>> -> memref<10000x64xf32, #tpu.memory_space<hbm>>
          tpu.enqueue_indirect_dma source(%dma_start3A_272 : memref<10000x64xf32, #tpu.memory_space<hbm>>) target(%dma_start3A_266 : memref<128x64xf32, #tpu.memory_space<vmem>>) offsets(%dma_start3A_269 : memref<128xi32, #tpu.memory_space<vmem>>) semaphore(%arg13 : memref<!tpu.dma_semaphore, #tpu.memory_space<semaphore_mem>>)
        } else {
        }
        %eq3A_258 = arith.constant 1 : i32
        %eq3A_259 = arith.cmpi eq, %arg0, %eq3A_258 : i32
        %convert_element_type3A_260 = arith.extui %eq3A_259 : i1 to i32
        %cond3A_261 = arith.constant 0 : i32
        %cond3A_262 = arith.cmpi ne, %convert_element_type3A_260, %cond3A_261 : i32
        scf.if %cond3A_262 {
          %dma_start3A_263 = arith.constant 0 : i32
          %dma_start3A_264 = arith.constant 0 : i32
          %dma_start3A_265 = tpu.memref_slice %arg10[%rem3A_252, %dma_start3A_263, %dma_start3A_264] : memref<4x128x64xf32, #tpu.memory_space<vmem>> -> memref<1x128x64xf32, #tpu.memory_space<vmem>>
          %dma_start3A_266 = tpu.memref_squeeze %dma_start3A_265 : memref<1x128x64xf32, #tpu.memory_space<vmem>> -> memref<128x64xf32, #tpu.memory_space<vmem>>
          %dma_start3A_267 = arith.constant 0 : i32
          %dma_start3A_268 = tpu.memref_slice %arg8[%sub3A_246, %dma_start3A_267] : memref<157x128xi32, #tpu.memory_space<vmem>> -> memref<1x128xi32, #tpu.memory_space<vmem>>
          %dma_start3A_269 = tpu.memref_squeeze %dma_start3A_268 : memref<1x128xi32, #tpu.memory_space<vmem>> -> memref<128xi32, #tpu.memory_space<vmem>>
          %dma_start3A_270 = arith.constant 0 : i32
          %dma_start3A_271 = arith.constant 0 : i32
          %dma_start3A_272 = tpu.memref_slice %arg3[%dma_start3A_270, %dma_start3A_271] : memref<10000x64xf32, #tpu.memory_space<hbm>> -> memref<10000x64xf32, #tpu.memory_space<hbm>>
          tpu.enqueue_indirect_dma source(%dma_start3A_272 : memref<10000x64xf32, #tpu.memory_space<hbm>>) target(%dma_start3A_266 : memref<128x64xf32, #tpu.memory_space<vmem>>) offsets(%dma_start3A_269 : memref<128xi32, #tpu.memory_space<vmem>>) semaphore(%arg13 : memref<!tpu.dma_semaphore, #tpu.memory_space<semaphore_mem>>)
        } else {
        }
      } else {
      }
    }
    %scan3A_136 = arith.constant 157 : i32
    %dma_wait3A_137 = arith.constant 0 : i32
    %dma_wait3A_138 = arith.constant 0 : i32
    %dma_wait3A_139 = arith.constant 0 : i32
    %dma_wait3A_140 = tpu.memref_slice %arg10[%dma_wait3A_137, %dma_wait3A_138, %dma_wait3A_139] : memref<4x128x64xf32, #tpu.memory_space<vmem>> -> memref<1x128x64xf32, #tpu.memory_space<vmem>>
    %dma_wait3A_141 = tpu.memref_squeeze %dma_wait3A_140 : memref<1x128x64xf32, #tpu.memory_space<vmem>> -> memref<128x64xf32, #tpu.memory_space<vmem>>
    %dma_wait3A_142 = arith.constant 0 : i32
    %dma_wait3A_143 = arith.constant 0 : i32
    %dma_wait3A_144 = tpu.memref_slice %arg12[%dma_wait3A_142, %dma_wait3A_143] : memref<10240x64xf32, #tpu.memory_space<vmem_shared>> -> memref<128x64xf32, #tpu.memory_space<vmem_shared>>
    %dma_wait3A_145 = arith.constant 0 : i32
    %dma_wait3A_146 = arith.constant 0 : i32
    %dma_wait3A_147 = tpu.memref_slice %arg12[%dma_wait3A_145, %dma_wait3A_146] : memref<10240x64xf32, #tpu.memory_space<vmem_shared>> -> memref<128x64xf32, #tpu.memory_space<vmem_shared>>
    %dma_wait3A_148 = arith.constant 0 : i32
    %dma_wait3A_149 = arith.constant 0 : i32
    %dma_wait3A_150 = tpu.memref_slice %arg10[%dma_wait3A_137, %dma_wait3A_148, %dma_wait3A_149] : memref<4x128x64xf32, #tpu.memory_space<vmem>> -> memref<1x128x64xf32, #tpu.memory_space<vmem>>
    %dma_wait3A_151 = tpu.memref_squeeze %dma_wait3A_150 : memref<1x128x64xf32, #tpu.memory_space<vmem>> -> memref<128x64xf32, #tpu.memory_space<vmem>>
    tpu.wait_dma2 semaphore(%arg14 : memref<!tpu.dma_semaphore, #tpu.memory_space<semaphore_mem>>) src(%dma_wait3A_151 : memref<128x64xf32, #tpu.memory_space<vmem>>) dst(%dma_wait3A_147 : memref<128x64xf32, #tpu.memory_space<vmem_shared>>)
    %dma_wait3A_152 = arith.constant 0 : i32
    %dma_wait3A_153 = arith.constant 0 : i32
    %dma_wait3A_154 = arith.constant 0 : i32
    %dma_wait3A_155 = tpu.memref_slice %arg10[%dma_wait3A_152, %dma_wait3A_153, %dma_wait3A_154] : memref<4x128x64xf32, #tpu.memory_space<vmem>> -> memref<1x128x64xf32, #tpu.memory_space<vmem>>
    %dma_wait3A_156 = tpu.memref_squeeze %dma_wait3A_155 : memref<1x128x64xf32, #tpu.memory_space<vmem>> -> memref<128x64xf32, #tpu.memory_space<vmem>>
    %dma_wait3A_157 = arith.constant 0 : i32
    %dma_wait3A_158 = arith.constant 0 : i32
    %dma_wait3A_159 = tpu.memref_slice %arg12[%dma_wait3A_157, %dma_wait3A_158] : memref<10240x64xf32, #tpu.memory_space<vmem_shared>> -> memref<128x64xf32, #tpu.memory_space<vmem_shared>>
    %dma_wait3A_160 = arith.constant 0 : i32
    %dma_wait3A_161 = arith.constant 0 : i32
    %dma_wait3A_162 = tpu.memref_slice %arg12[%dma_wait3A_160, %dma_wait3A_161] : memref<10240x64xf32, #tpu.memory_space<vmem_shared>> -> memref<128x64xf32, #tpu.memory_space<vmem_shared>>
    %dma_wait3A_163 = arith.constant 0 : i32
    %dma_wait3A_164 = arith.constant 0 : i32
    %dma_wait3A_165 = tpu.memref_slice %arg10[%dma_wait3A_152, %dma_wait3A_163, %dma_wait3A_164] : memref<4x128x64xf32, #tpu.memory_space<vmem>> -> memref<1x128x64xf32, #tpu.memory_space<vmem>>
    %dma_wait3A_166 = tpu.memref_squeeze %dma_wait3A_165 : memref<1x128x64xf32, #tpu.memory_space<vmem>> -> memref<128x64xf32, #tpu.memory_space<vmem>>
    tpu.wait_dma2 semaphore(%arg14 : memref<!tpu.dma_semaphore, #tpu.memory_space<semaphore_mem>>) src(%dma_wait3A_166 : memref<128x64xf32, #tpu.memory_space<vmem>>) dst(%dma_wait3A_162 : memref<128x64xf32, #tpu.memory_space<vmem_shared>>)
    %dma_wait3A_167 = arith.constant 0 : i32
    %dma_wait3A_168 = arith.constant 0 : i32
    %dma_wait3A_169 = arith.constant 0 : i32
    %dma_wait3A_170 = tpu.memref_slice %arg10[%dma_wait3A_167, %dma_wait3A_168, %dma_wait3A_169] : memref<4x128x64xf32, #tpu.memory_space<vmem>> -> memref<1x128x64xf32, #tpu.memory_space<vmem>>
    %dma_wait3A_171 = tpu.memref_squeeze %dma_wait3A_170 : memref<1x128x64xf32, #tpu.memory_space<vmem>> -> memref<128x64xf32, #tpu.memory_space<vmem>>
    %dma_wait3A_172 = arith.constant 0 : i32
    %dma_wait3A_173 = arith.constant 0 : i32
    %dma_wait3A_174 = tpu.memref_slice %arg12[%dma_wait3A_172, %dma_wait3A_173] : memref<10240x64xf32, #tpu.memory_space<vmem_shared>> -> memref<128x64xf32, #tpu.memory_space<vmem_shared>>
    %dma_wait3A_175 = arith.constant 0 : i32
    %dma_wait3A_176 = arith.constant 0 : i32
    %dma_wait3A_177 = tpu.memref_slice %arg12[%dma_wait3A_175, %dma_wait3A_176] : memref<10240x64xf32, #tpu.memory_space<vmem_shared>> -> memref<128x64xf32, #tpu.memory_space<vmem_shared>>
    %dma_wait3A_178 = arith.constant 0 : i32
    %dma_wait3A_179 = arith.constant 0 : i32
    %dma_wait3A_180 = tpu.memref_slice %arg10[%dma_wait3A_167, %dma_wait3A_178, %dma_wait3A_179] : memref<4x128x64xf32, #tpu.memory_space<vmem>> -> memref<1x128x64xf32, #tpu.memory_space<vmem>>
    %dma_wait3A_181 = tpu.memref_squeeze %dma_wait3A_180 : memref<1x128x64xf32, #tpu.memory_space<vmem>> -> memref<128x64xf32, #tpu.memory_space<vmem>>
    tpu.wait_dma2 semaphore(%arg14 : memref<!tpu.dma_semaphore, #tpu.memory_space<semaphore_mem>>) src(%dma_wait3A_181 : memref<128x64xf32, #tpu.memory_space<vmem>>) dst(%dma_wait3A_177 : memref<128x64xf32, #tpu.memory_space<vmem_shared>>)
    %dma_wait3A_182 = arith.constant 0 : i32
    %dma_wait3A_183 = arith.constant 0 : i32
    %dma_wait3A_184 = arith.constant 0 : i32
    %dma_wait3A_185 = tpu.memref_slice %arg10[%dma_wait3A_182, %dma_wait3A_183, %dma_wait3A_184] : memref<4x128x64xf32, #tpu.memory_space<vmem>> -> memref<1x128x64xf32, #tpu.memory_space<vmem>>
    %dma_wait3A_186 = tpu.memref_squeeze %dma_wait3A_185 : memref<1x128x64xf32, #tpu.memory_space<vmem>> -> memref<128x64xf32, #tpu.memory_space<vmem>>
    %dma_wait3A_187 = arith.constant 0 : i32
    %dma_wait3A_188 = arith.constant 0 : i32
    %dma_wait3A_189 = tpu.memref_slice %arg12[%dma_wait3A_187, %dma_wait3A_188] : memref<10240x64xf32, #tpu.memory_space<vmem_shared>> -> memref<128x64xf32, #tpu.memory_space<vmem_shared>>
    %dma_wait3A_190 = arith.constant 0 : i32
    %dma_wait3A_191 = arith.constant 0 : i32
    %dma_wait3A_192 = tpu.memref_slice %arg12[%dma_wait3A_190, %dma_wait3A_191] : memref<10240x64xf32, #tpu.memory_space<vmem_shared>> -> memref<128x64xf32, #tpu.memory_space<vmem_shared>>
    %dma_wait3A_193 = arith.constant 0 : i32
    %dma_wait3A_194 = arith.constant 0 : i32
    %dma_wait3A_195 = tpu.memref_slice %arg10[%dma_wait3A_182, %dma_wait3A_193, %dma_wait3A_194] : memref<4x128x64xf32, #tpu.memory_space<vmem>> -> memref<1x128x64xf32, #tpu.memory_space<vmem>>
    %dma_wait3A_196 = tpu.memref_squeeze %dma_wait3A_195 : memref<1x128x64xf32, #tpu.memory_space<vmem>> -> memref<128x64xf32, #tpu.memory_space<vmem>>
    tpu.wait_dma2 semaphore(%arg14 : memref<!tpu.dma_semaphore, #tpu.memory_space<semaphore_mem>>) src(%dma_wait3A_196 : memref<128x64xf32, #tpu.memory_space<vmem>>) dst(%dma_wait3A_192 : memref<128x64xf32, #tpu.memory_space<vmem_shared>>)
    %barrier3A_197 = arith.constant 0 : index
    tpu.barrier barrier_id(%barrier3A_197)
    %mul3A_198 = arith.constant 640 : i32
    %mul3A_199 = arith.muli %arg1, %mul3A_198 : i32
    %eq3A_200 = arith.constant 0 : i32
    %eq3A_201 = arith.cmpi eq, %arg0, %eq3A_200 : i32
    %convert_element_type3A_202 = arith.extui %eq3A_201 : i1 to i32
    %cond3A_203 = arith.constant 0 : i32
    %cond3A_204 = arith.cmpi ne, %convert_element_type3A_202, %cond3A_203 : i32
    scf.if %cond3A_204 {
      "tpu.region"() ({
        %run_scoped3A = tpu.sem_alloc : memref<!tpu.dma_semaphore, #tpu.memory_space<semaphore_mem>>
        %dma_start3A_210 = arith.constant 0 : i32
        %dma_start3A_211 = tpu.memref_slice %arg6[%mul3A_199, %dma_start3A_210] : memref<10240x64xf32, #tpu.memory_space<hbm>> -> memref<640x64xf32, #tpu.memory_space<hbm>>
        %dma_start3A_212 = arith.constant 0 : i32
        %dma_start3A_213 = tpu.memref_slice %arg12[%mul3A_199, %dma_start3A_212] : memref<10240x64xf32, #tpu.memory_space<vmem_shared>> -> memref<640x64xf32, #tpu.memory_space<vmem_shared>>
        tpu.enqueue_dma source(%dma_start3A_213 : memref<640x64xf32, #tpu.memory_space<vmem_shared>>) target(%dma_start3A_211 : memref<640x64xf32, #tpu.memory_space<hbm>>) target_semaphore(%run_scoped3A : memref<!tpu.dma_semaphore, #tpu.memory_space<semaphore_mem>>)
        %dma_wait3A_214 = arith.constant 0 : i32
        %dma_wait3A_215 = tpu.memref_slice %arg6[%mul3A_199, %dma_wait3A_214] : memref<10240x64xf32, #tpu.memory_space<hbm>> -> memref<640x64xf32, #tpu.memory_space<hbm>>
        %dma_wait3A_216 = arith.constant 0 : i32
        %dma_wait3A_217 = tpu.memref_slice %arg12[%mul3A_199, %dma_wait3A_216] : memref<10240x64xf32, #tpu.memory_space<vmem_shared>> -> memref<640x64xf32, #tpu.memory_space<vmem_shared>>
        tpu.wait_dma2 semaphore(%run_scoped3A : memref<!tpu.dma_semaphore, #tpu.memory_space<semaphore_mem>>) src(%dma_wait3A_217 : memref<640x64xf32, #tpu.memory_space<vmem_shared>>) dst(%dma_wait3A_215 : memref<640x64xf32, #tpu.memory_space<hbm>>)
        tpu.yield
      }) : () -> ()
    } else {
    }
    %eq3A_205 = arith.constant 1 : i32
    %eq3A_206 = arith.cmpi eq, %arg0, %eq3A_205 : i32
    %convert_element_type3A_207 = arith.extui %eq3A_206 : i1 to i32
    %cond3A_208 = arith.constant 0 : i32
    %cond3A_209 = arith.cmpi ne, %convert_element_type3A_207, %cond3A_208 : i32
    scf.if %cond3A_209 {
      "tpu.region"() ({
        %run_scoped3A = tpu.sem_alloc : memref<!tpu.dma_semaphore, #tpu.memory_space<semaphore_mem>>
        %dma_start3A_210 = arith.constant 0 : i32
        %dma_start3A_211 = tpu.memref_slice %arg7[%mul3A_199, %dma_start3A_210] : memref<10240x64xf32, #tpu.memory_space<hbm>> -> memref<640x64xf32, #tpu.memory_space<hbm>>
        %dma_start3A_212 = arith.constant 0 : i32
        %dma_start3A_213 = tpu.memref_slice %arg12[%mul3A_199, %dma_start3A_212] : memref<10240x64xf32, #tpu.memory_space<vmem_shared>> -> memref<640x64xf32, #tpu.memory_space<vmem_shared>>
        tpu.enqueue_dma source(%dma_start3A_213 : memref<640x64xf32, #tpu.memory_space<vmem_shared>>) target(%dma_start3A_211 : memref<640x64xf32, #tpu.memory_space<hbm>>) target_semaphore(%run_scoped3A : memref<!tpu.dma_semaphore, #tpu.memory_space<semaphore_mem>>)
        %dma_wait3A_214 = arith.constant 0 : i32
        %dma_wait3A_215 = tpu.memref_slice %arg7[%mul3A_199, %dma_wait3A_214] : memref<10240x64xf32, #tpu.memory_space<hbm>> -> memref<640x64xf32, #tpu.memory_space<hbm>>
        %dma_wait3A_216 = arith.constant 0 : i32
        %dma_wait3A_217 = tpu.memref_slice %arg12[%mul3A_199, %dma_wait3A_216] : memref<10240x64xf32, #tpu.memory_space<vmem_shared>> -> memref<640x64xf32, #tpu.memory_space<vmem_shared>>
        tpu.wait_dma2 semaphore(%run_scoped3A : memref<!tpu.dma_semaphore, #tpu.memory_space<semaphore_mem>>) src(%dma_wait3A_217 : memref<640x64xf32, #tpu.memory_space<vmem_shared>>) dst(%dma_wait3A_215 : memref<640x64xf32, #tpu.memory_space<hbm>>)
        tpu.yield
      }) : () -> ()
    } else {
    }
    return
  }
}

#map = affine_map<(d0, d1) -> (0, 0)>
#map1 = affine_map<(d0, d1) -> (0, 0, 0)>
module attributes {stable_mosaic.version = 14 : i64} {
  func.func @_sc_aggregate(%arg0: i32, %arg1: i32, %arg2: memref<10000x64xf32, #tpu.memory_space<hbm>>, %arg3: memref<10000x64xf32, #tpu.memory_space<hbm>>, %arg4: memref<16x157x128xi32, #tpu.memory_space<hbm>>, %arg5: memref<16x157x128xi32, #tpu.memory_space<hbm>>, %arg6: memref<10240x64xf32, #tpu.memory_space<hbm>>, %arg7: memref<10240x64xf32, #tpu.memory_space<hbm>>, %arg8: memref<157x128xi32, #tpu.memory_space<vmem>>, %arg9: memref<157x128xi32, #tpu.memory_space<vmem>>, %arg10: memref<4x128x64xf32, #tpu.memory_space<vmem>>, %arg11: memref<128x64xf32, #tpu.memory_space<vmem>>, %arg12: memref<10240x64xf32, #tpu.memory_space<vmem_shared>>, %arg13: memref<!tpu.dma_semaphore, #tpu.memory_space<semaphore_mem>>, %arg14: memref<!tpu.dma_semaphore, #tpu.memory_space<semaphore_mem>>) attributes {dimension_semantics = [#tpu.dimension_semantics<core_parallel>, #tpu.dimension_semantics<subcore_parallel>], iteration_bounds = array<i64: 2, 16>, scalar_prefetch = 0 : i64, scratch_operands = 7 : i64, tpu.core_type = #tpu.core_type<sc_vector_subcore>, window_params = [{transform_indices = #map}, {transform_indices = #map}, {transform_indices = #map1}, {transform_indices = #map1}, {transform_indices = #map}, {transform_indices = #map}]} {
    %dma_start3A = arith.constant 0 : i32
    %dma_start3A_0 = arith.constant 0 : i32
    %dma_start3A_1 = tpu.memref_slice %arg4[%arg1, %dma_start3A, %dma_start3A_0] : memref<16x157x128xi32, #tpu.memory_space<hbm>> -> memref<1x157x128xi32, #tpu.memory_space<hbm>>
    %dma_start3A_2 = tpu.memref_squeeze %dma_start3A_1 : memref<1x157x128xi32, #tpu.memory_space<hbm>> -> memref<157x128xi32, #tpu.memory_space<hbm>>
    %dma_start3A_3 = arith.constant 0 : i32
    %dma_start3A_4 = arith.constant 0 : i32
    %dma_start3A_5 = tpu.memref_slice %arg4[%arg1, %dma_start3A_3, %dma_start3A_4] : memref<16x157x128xi32, #tpu.memory_space<hbm>> -> memref<1x157x128xi32, #tpu.memory_space<hbm>>
    %dma_start3A_6 = tpu.memref_squeeze %dma_start3A_5 : memref<1x157x128xi32, #tpu.memory_space<hbm>> -> memref<157x128xi32, #tpu.memory_space<hbm>>
    tpu.enqueue_dma source(%dma_start3A_6 : memref<157x128xi32, #tpu.memory_space<hbm>>) target(%arg8 : memref<157x128xi32, #tpu.memory_space<vmem>>) target_semaphore(%arg13 : memref<!tpu.dma_semaphore, #tpu.memory_space<semaphore_mem>>)
    %dma_start3A_7 = arith.constant 0 : i32
    %dma_start3A_8 = arith.constant 0 : i32
    %dma_start3A_9 = tpu.memref_slice %arg5[%arg1, %dma_start3A_7, %dma_start3A_8] : memref<16x157x128xi32, #tpu.memory_space<hbm>> -> memref<1x157x128xi32, #tpu.memory_space<hbm>>
    %dma_start3A_10 = tpu.memref_squeeze %dma_start3A_9 : memref<1x157x128xi32, #tpu.memory_space<hbm>> -> memref<157x128xi32, #tpu.memory_space<hbm>>
    %dma_start3A_11 = arith.constant 0 : i32
    %dma_start3A_12 = arith.constant 0 : i32
    %dma_start3A_13 = tpu.memref_slice %arg5[%arg1, %dma_start3A_11, %dma_start3A_12] : memref<16x157x128xi32, #tpu.memory_space<hbm>> -> memref<1x157x128xi32, #tpu.memory_space<hbm>>
    %dma_start3A_14 = tpu.memref_squeeze %dma_start3A_13 : memref<1x157x128xi32, #tpu.memory_space<hbm>> -> memref<157x128xi32, #tpu.memory_space<hbm>>
    tpu.enqueue_dma source(%dma_start3A_14 : memref<157x128xi32, #tpu.memory_space<hbm>>) target(%arg9 : memref<157x128xi32, #tpu.memory_space<vmem>>) target_semaphore(%arg13 : memref<!tpu.dma_semaphore, #tpu.memory_space<semaphore_mem>>)
    %broadcast_in_dim3A = arith.constant 0.000000e+00 : f32
    %broadcast_in_dim3A_15 = vector.broadcast %broadcast_in_dim3A : f32 to vector<16xf32>
    %scan3A = arith.constant 0 : i32
    %scan3A_16 = arith.constant 0 : i32
    %scan3A_17 = arith.constant 128 : i32
    %scan3A_18 = arith.addi %scan3A_16, %scan3A_17 : i32
    %scan3A_19 = arith.constant 1 : i32
    scf.for %scan3A_210 = %scan3A_16 to %scan3A_18 step %scan3A_19  : i32 {
      %swap3A = arith.index_cast %scan3A_210 : i32 to index
      %swap3A_211 = arith.constant 0 : index
      %swap3A_212 = tpu.vector_load %arg11[%swap3A, %swap3A_211] {strides = array<i32>} : memref<128x64xf32, #tpu.memory_space<vmem>>, vector<1x16xf32>,
      %swap3A_213 = vector.shape_cast %swap3A_212 : vector<1x16xf32> to vector<16xf32>
      %swap3A_214 = vector.shape_cast %broadcast_in_dim3A_15 : vector<16xf32> to vector<1x16xf32>
      tpu.vector_store %arg11[%swap3A, %swap3A_211], %swap3A_214 {strides = array<i32>} : memref<128x64xf32, #tpu.memory_space<vmem>>, vector<1x16xf32>,
      %swap3A_215 = arith.index_cast %scan3A_210 : i32 to index
      %swap3A_216 = arith.constant 16 : index
      %swap3A_217 = tpu.vector_load %arg11[%swap3A_215, %swap3A_216] {strides = array<i32>} : memref<128x64xf32, #tpu.memory_space<vmem>>, vector<1x16xf32>,
      %swap3A_218 = vector.shape_cast %swap3A_217 : vector<1x16xf32> to vector<16xf32>
      %swap3A_219 = vector.shape_cast %broadcast_in_dim3A_15 : vector<16xf32> to vector<1x16xf32>
      tpu.vector_store %arg11[%swap3A_215, %swap3A_216], %swap3A_219 {strides = array<i32>} : memref<128x64xf32, #tpu.memory_space<vmem>>, vector<1x16xf32>,
      %swap3A_220 = arith.index_cast %scan3A_210 : i32 to index
      %swap3A_221 = arith.constant 32 : index
      %swap3A_222 = tpu.vector_load %arg11[%swap3A_220, %swap3A_221] {strides = array<i32>} : memref<128x64xf32, #tpu.memory_space<vmem>>, vector<1x16xf32>,
      %swap3A_223 = vector.shape_cast %swap3A_222 : vector<1x16xf32> to vector<16xf32>
      %swap3A_224 = vector.shape_cast %broadcast_in_dim3A_15 : vector<16xf32> to vector<1x16xf32>
      tpu.vector_store %arg11[%swap3A_220, %swap3A_221], %swap3A_224 {strides = array<i32>} : memref<128x64xf32, #tpu.memory_space<vmem>>, vector<1x16xf32>,
      %swap3A_225 = arith.index_cast %scan3A_210 : i32 to index
      %swap3A_226 = arith.constant 48 : index
      %swap3A_227 = tpu.vector_load %arg11[%swap3A_225, %swap3A_226] {strides = array<i32>} : memref<128x64xf32, #tpu.memory_space<vmem>>, vector<1x16xf32>,
      %swap3A_228 = vector.shape_cast %swap3A_227 : vector<1x16xf32> to vector<16xf32>
      %swap3A_229 = vector.shape_cast %broadcast_in_dim3A_15 : vector<16xf32> to vector<1x16xf32>
      tpu.vector_store %arg11[%swap3A_225, %swap3A_226], %swap3A_229 {strides = array<i32>} : memref<128x64xf32, #tpu.memory_space<vmem>>, vector<1x16xf32>,
    }
    %scan3A_20 = arith.constant 128 : i32
    %mul3A = arith.constant 640 : i32
    %mul3A_21 = arith.muli %arg1, %mul3A : i32
    %add3A = arith.constant 0 : i32
    %add3A_22 = arith.addi %mul3A_21, %add3A : i32
    %dma_start3A_23 = arith.constant 0 : i32
    %dma_start3A_24 = tpu.memref_slice %arg12[%add3A_22, %dma_start3A_23] : memref<10240x64xf32, #tpu.memory_space<vmem_shared>> -> memref<128x64xf32, #tpu.memory_space<vmem_shared>>
    %dma_start3A_25 = arith.constant 0 : i32
    %dma_start3A_26 = tpu.memref_slice %arg12[%add3A_22, %dma_start3A_25] : memref<10240x64xf32, #tpu.memory_space<vmem_shared>> -> memref<128x64xf32, #tpu.memory_space<vmem_shared>>
    tpu.enqueue_dma source(%arg11 : memref<128x64xf32, #tpu.memory_space<vmem>>) target(%dma_start3A_26 : memref<128x64xf32, #tpu.memory_space<vmem_shared>>) target_semaphore(%arg14 : memref<!tpu.dma_semaphore, #tpu.memory_space<semaphore_mem>>)
    %mul3A_27 = arith.constant 640 : i32
    %mul3A_28 = arith.muli %arg1, %mul3A_27 : i32
    %add3A_29 = arith.constant 128 : i32
    %add3A_30 = arith.addi %mul3A_28, %add3A_29 : i32
    %dma_start3A_31 = arith.constant 0 : i32
    %dma_start3A_32 = tpu.memref_slice %arg12[%add3A_30, %dma_start3A_31] : memref<10240x64xf32, #tpu.memory_space<vmem_shared>> -> memref<128x64xf32, #tpu.memory_space<vmem_shared>>
    %dma_start3A_33 = arith.constant 0 : i32
    %dma_start3A_34 = tpu.memref_slice %arg12[%add3A_30, %dma_start3A_33] : memref<10240x64xf32, #tpu.memory_space<vmem_shared>> -> memref<128x64xf32, #tpu.memory_space<vmem_shared>>
    tpu.enqueue_dma source(%arg11 : memref<128x64xf32, #tpu.memory_space<vmem>>) target(%dma_start3A_34 : memref<128x64xf32, #tpu.memory_space<vmem_shared>>) target_semaphore(%arg14 : memref<!tpu.dma_semaphore, #tpu.memory_space<semaphore_mem>>)
    %mul3A_35 = arith.constant 640 : i32
    %mul3A_36 = arith.muli %arg1, %mul3A_35 : i32
    %add3A_37 = arith.constant 256 : i32
    %add3A_38 = arith.addi %mul3A_36, %add3A_37 : i32
    %dma_start3A_39 = arith.constant 0 : i32
    %dma_start3A_40 = tpu.memref_slice %arg12[%add3A_38, %dma_start3A_39] : memref<10240x64xf32, #tpu.memory_space<vmem_shared>> -> memref<128x64xf32, #tpu.memory_space<vmem_shared>>
    %dma_start3A_41 = arith.constant 0 : i32
    %dma_start3A_42 = tpu.memref_slice %arg12[%add3A_38, %dma_start3A_41] : memref<10240x64xf32, #tpu.memory_space<vmem_shared>> -> memref<128x64xf32, #tpu.memory_space<vmem_shared>>
    tpu.enqueue_dma source(%arg11 : memref<128x64xf32, #tpu.memory_space<vmem>>) target(%dma_start3A_42 : memref<128x64xf32, #tpu.memory_space<vmem_shared>>) target_semaphore(%arg14 : memref<!tpu.dma_semaphore, #tpu.memory_space<semaphore_mem>>)
    %mul3A_43 = arith.constant 640 : i32
    %mul3A_44 = arith.muli %arg1, %mul3A_43 : i32
    %add3A_45 = arith.constant 384 : i32
    %add3A_46 = arith.addi %mul3A_44, %add3A_45 : i32
    %dma_start3A_47 = arith.constant 0 : i32
    %dma_start3A_48 = tpu.memref_slice %arg12[%add3A_46, %dma_start3A_47] : memref<10240x64xf32, #tpu.memory_space<vmem_shared>> -> memref<128x64xf32, #tpu.memory_space<vmem_shared>>
    %dma_start3A_49 = arith.constant 0 : i32
    %dma_start3A_50 = tpu.memref_slice %arg12[%add3A_46, %dma_start3A_49] : memref<10240x64xf32, #tpu.memory_space<vmem_shared>> -> memref<128x64xf32, #tpu.memory_space<vmem_shared>>
    tpu.enqueue_dma source(%arg11 : memref<128x64xf32, #tpu.memory_space<vmem>>) target(%dma_start3A_50 : memref<128x64xf32, #tpu.memory_space<vmem_shared>>) target_semaphore(%arg14 : memref<!tpu.dma_semaphore, #tpu.memory_space<semaphore_mem>>)
    %mul3A_51 = arith.constant 640 : i32
    %mul3A_52 = arith.muli %arg1, %mul3A_51 : i32
    %add3A_53 = arith.constant 512 : i32
    %add3A_54 = arith.addi %mul3A_52, %add3A_53 : i32
    %dma_start3A_55 = arith.constant 0 : i32
    %dma_start3A_56 = tpu.memref_slice %arg12[%add3A_54, %dma_start3A_55] : memref<10240x64xf32, #tpu.memory_space<vmem_shared>> -> memref<128x64xf32, #tpu.memory_space<vmem_shared>>
    %dma_start3A_57 = arith.constant 0 : i32
    %dma_start3A_58 = tpu.memref_slice %arg12[%add3A_54, %dma_start3A_57] : memref<10240x64xf32, #tpu.memory_space<vmem_shared>> -> memref<128x64xf32, #tpu.memory_space<vmem_shared>>
    tpu.enqueue_dma source(%arg11 : memref<128x64xf32, #tpu.memory_space<vmem>>) target(%dma_start3A_58 : memref<128x64xf32, #tpu.memory_space<vmem_shared>>) target_semaphore(%arg14 : memref<!tpu.dma_semaphore, #tpu.memory_space<semaphore_mem>>)
    %dma_wait3A = arith.constant 0 : i32
    %dma_wait3A_59 = arith.constant 0 : i32
    %dma_wait3A_60 = tpu.memref_slice %arg4[%arg1, %dma_wait3A, %dma_wait3A_59] : memref<16x157x128xi32, #tpu.memory_space<hbm>> -> memref<1x157x128xi32, #tpu.memory_space<hbm>>
    %dma_wait3A_61 = tpu.memref_squeeze %dma_wait3A_60 : memref<1x157x128xi32, #tpu.memory_space<hbm>> -> memref<157x128xi32, #tpu.memory_space<hbm>>
    %dma_wait3A_62 = arith.constant 0 : i32
    %dma_wait3A_63 = arith.constant 0 : i32
    %dma_wait3A_64 = tpu.memref_slice %arg4[%arg1, %dma_wait3A_62, %dma_wait3A_63] : memref<16x157x128xi32, #tpu.memory_space<hbm>> -> memref<1x157x128xi32, #tpu.memory_space<hbm>>
    %dma_wait3A_65 = tpu.memref_squeeze %dma_wait3A_64 : memref<1x157x128xi32, #tpu.memory_space<hbm>> -> memref<157x128xi32, #tpu.memory_space<hbm>>
    tpu.wait_dma2 semaphore(%arg13 : memref<!tpu.dma_semaphore, #tpu.memory_space<semaphore_mem>>) src(%dma_wait3A_65 : memref<157x128xi32, #tpu.memory_space<hbm>>) dst(%arg8 : memref<157x128xi32, #tpu.memory_space<vmem>>)
    %dma_wait3A_66 = arith.constant 0 : i32
    %dma_wait3A_67 = arith.constant 0 : i32
    %dma_wait3A_68 = tpu.memref_slice %arg4[%arg1, %dma_wait3A_66, %dma_wait3A_67] : memref<16x157x128xi32, #tpu.memory_space<hbm>> -> memref<1x157x128xi32, #tpu.memory_space<hbm>>
    %dma_wait3A_69 = tpu.memref_squeeze %dma_wait3A_68 : memref<1x157x128xi32, #tpu.memory_space<hbm>> -> memref<157x128xi32, #tpu.memory_space<hbm>>
    %dma_wait3A_70 = arith.constant 0 : i32
    %dma_wait3A_71 = arith.constant 0 : i32
    %dma_wait3A_72 = tpu.memref_slice %arg4[%arg1, %dma_wait3A_70, %dma_wait3A_71] : memref<16x157x128xi32, #tpu.memory_space<hbm>> -> memref<1x157x128xi32, #tpu.memory_space<hbm>>
    %dma_wait3A_73 = tpu.memref_squeeze %dma_wait3A_72 : memref<1x157x128xi32, #tpu.memory_space<hbm>> -> memref<157x128xi32, #tpu.memory_space<hbm>>
    tpu.wait_dma2 semaphore(%arg13 : memref<!tpu.dma_semaphore, #tpu.memory_space<semaphore_mem>>) src(%dma_wait3A_73 : memref<157x128xi32, #tpu.memory_space<hbm>>) dst(%arg9 : memref<157x128xi32, #tpu.memory_space<vmem>>)
    %dma_wait3A_74 = arith.constant 0 : i32
    %dma_wait3A_75 = arith.constant 0 : i32
    %dma_wait3A_76 = tpu.memref_slice %arg12[%dma_wait3A_74, %dma_wait3A_75] : memref<10240x64xf32, #tpu.memory_space<vmem_shared>> -> memref<128x64xf32, #tpu.memory_space<vmem_shared>>
    %dma_wait3A_77 = arith.constant 0 : i32
    %dma_wait3A_78 = arith.constant 0 : i32
    %dma_wait3A_79 = tpu.memref_slice %arg12[%dma_wait3A_77, %dma_wait3A_78] : memref<10240x64xf32, #tpu.memory_space<vmem_shared>> -> memref<128x64xf32, #tpu.memory_space<vmem_shared>>
    tpu.wait_dma2 semaphore(%arg14 : memref<!tpu.dma_semaphore, #tpu.memory_space<semaphore_mem>>) src(%arg11 : memref<128x64xf32, #tpu.memory_space<vmem>>) dst(%dma_wait3A_79 : memref<128x64xf32, #tpu.memory_space<vmem_shared>>)
    %dma_wait3A_80 = arith.constant 0 : i32
    %dma_wait3A_81 = arith.constant 0 : i32
    %dma_wait3A_82 = tpu.memref_slice %arg12[%dma_wait3A_80, %dma_wait3A_81] : memref<10240x64xf32, #tpu.memory_space<vmem_shared>> -> memref<128x64xf32, #tpu.memory_space<vmem_shared>>
    %dma_wait3A_83 = arith.constant 0 : i32
    %dma_wait3A_84 = arith.constant 0 : i32
    %dma_wait3A_85 = tpu.memref_slice %arg12[%dma_wait3A_83, %dma_wait3A_84] : memref<10240x64xf32, #tpu.memory_space<vmem_shared>> -> memref<128x64xf32, #tpu.memory_space<vmem_shared>>
    tpu.wait_dma2 semaphore(%arg14 : memref<!tpu.dma_semaphore, #tpu.memory_space<semaphore_mem>>) src(%arg11 : memref<128x64xf32, #tpu.memory_space<vmem>>) dst(%dma_wait3A_85 : memref<128x64xf32, #tpu.memory_space<vmem_shared>>)
    %dma_wait3A_86 = arith.constant 0 : i32
    %dma_wait3A_87 = arith.constant 0 : i32
    %dma_wait3A_88 = tpu.memref_slice %arg12[%dma_wait3A_86, %dma_wait3A_87] : memref<10240x64xf32, #tpu.memory_space<vmem_shared>> -> memref<128x64xf32, #tpu.memory_space<vmem_shared>>
    %dma_wait3A_89 = arith.constant 0 : i32
    %dma_wait3A_90 = arith.constant 0 : i32
    %dma_wait3A_91 = tpu.memref_slice %arg12[%dma_wait3A_89, %dma_wait3A_90] : memref<10240x64xf32, #tpu.memory_space<vmem_shared>> -> memref<128x64xf32, #tpu.memory_space<vmem_shared>>
    tpu.wait_dma2 semaphore(%arg14 : memref<!tpu.dma_semaphore, #tpu.memory_space<semaphore_mem>>) src(%arg11 : memref<128x64xf32, #tpu.memory_space<vmem>>) dst(%dma_wait3A_91 : memref<128x64xf32, #tpu.memory_space<vmem_shared>>)
    %dma_wait3A_92 = arith.constant 0 : i32
    %dma_wait3A_93 = arith.constant 0 : i32
    %dma_wait3A_94 = tpu.memref_slice %arg12[%dma_wait3A_92, %dma_wait3A_93] : memref<10240x64xf32, #tpu.memory_space<vmem_shared>> -> memref<128x64xf32, #tpu.memory_space<vmem_shared>>
    %dma_wait3A_95 = arith.constant 0 : i32
    %dma_wait3A_96 = arith.constant 0 : i32
    %dma_wait3A_97 = tpu.memref_slice %arg12[%dma_wait3A_95, %dma_wait3A_96] : memref<10240x64xf32, #tpu.memory_space<vmem_shared>> -> memref<128x64xf32, #tpu.memory_space<vmem_shared>>
    tpu.wait_dma2 semaphore(%arg14 : memref<!tpu.dma_semaphore, #tpu.memory_space<semaphore_mem>>) src(%arg11 : memref<128x64xf32, #tpu.memory_space<vmem>>) dst(%dma_wait3A_97 : memref<128x64xf32, #tpu.memory_space<vmem_shared>>)
    %dma_wait3A_98 = arith.constant 0 : i32
    %dma_wait3A_99 = arith.constant 0 : i32
    %dma_wait3A_100 = tpu.memref_slice %arg12[%dma_wait3A_98, %dma_wait3A_99] : memref<10240x64xf32, #tpu.memory_space<vmem_shared>> -> memref<128x64xf32, #tpu.memory_space<vmem_shared>>
    %dma_wait3A_101 = arith.constant 0 : i32
    %dma_wait3A_102 = arith.constant 0 : i32
    %dma_wait3A_103 = tpu.memref_slice %arg12[%dma_wait3A_101, %dma_wait3A_102] : memref<10240x64xf32, #tpu.memory_space<vmem_shared>> -> memref<128x64xf32, #tpu.memory_space<vmem_shared>>
    tpu.wait_dma2 semaphore(%arg14 : memref<!tpu.dma_semaphore, #tpu.memory_space<semaphore_mem>>) src(%arg11 : memref<128x64xf32, #tpu.memory_space<vmem>>) dst(%dma_wait3A_103 : memref<128x64xf32, #tpu.memory_space<vmem_shared>>)
    %barrier3A = arith.constant 0 : index
    tpu.barrier barrier_id(%barrier3A)
    %eq3A = arith.constant 0 : i32
    %eq3A_104 = arith.cmpi eq, %arg0, %eq3A : i32
    %convert_element_type3A = arith.extui %eq3A_104 : i1 to i32
    %cond3A = arith.constant 0 : i32
    %cond3A_105 = arith.cmpi ne, %convert_element_type3A, %cond3A : i32
    scf.if %cond3A_105 {
      %dma_start3A_210 = arith.constant 0 : i32
      %dma_start3A_211 = arith.constant 0 : i32
      %dma_start3A_212 = arith.constant 0 : i32
      %dma_start3A_213 = arith.constant 0 : i32
      %dma_start3A_214 = tpu.memref_slice %arg10[%dma_start3A_211, %dma_start3A_212, %dma_start3A_213] : memref<4x128x64xf32, #tpu.memory_space<vmem>> -> memref<1x128x64xf32, #tpu.memory_space<vmem>>
      %dma_start3A_215 = tpu.memref_squeeze %dma_start3A_214 : memref<1x128x64xf32, #tpu.memory_space<vmem>> -> memref<128x64xf32, #tpu.memory_space<vmem>>
      %dma_start3A_216 = arith.constant 0 : i32
      %dma_start3A_217 = tpu.memref_slice %arg8[%dma_start3A_210, %dma_start3A_216] : memref<157x128xi32, #tpu.memory_space<vmem>> -> memref<1x128xi32, #tpu.memory_space<vmem>>
      %dma_start3A_218 = tpu.memref_squeeze %dma_start3A_217 : memref<1x128xi32, #tpu.memory_space<vmem>> -> memref<128xi32, #tpu.memory_space<vmem>>
      %dma_start3A_219 = arith.constant 0 : i32
      %dma_start3A_220 = arith.constant 0 : i32
      %dma_start3A_221 = tpu.memref_slice %arg2[%dma_start3A_219, %dma_start3A_220] : memref<10000x64xf32, #tpu.memory_space<hbm>> -> memref<10000x64xf32, #tpu.memory_space<hbm>>
      tpu.enqueue_indirect_dma source(%dma_start3A_221 : memref<10000x64xf32, #tpu.memory_space<hbm>>) target(%dma_start3A_215 : memref<128x64xf32, #tpu.memory_space<vmem>>) offsets(%dma_start3A_218 : memref<128xi32, #tpu.memory_space<vmem>>) semaphore(%arg13 : memref<!tpu.dma_semaphore, #tpu.memory_space<semaphore_mem>>)
    } else {
    }
    %eq3A_106 = arith.constant 1 : i32
    %eq3A_107 = arith.cmpi eq, %arg0, %eq3A_106 : i32
    %convert_element_type3A_108 = arith.extui %eq3A_107 : i1 to i32
    %cond3A_109 = arith.constant 0 : i32
    %cond3A_110 = arith.cmpi ne, %convert_element_type3A_108, %cond3A_109 : i32
    scf.if %cond3A_110 {
      %dma_start3A_210 = arith.constant 0 : i32
      %dma_start3A_211 = arith.constant 0 : i32
      %dma_start3A_212 = arith.constant 0 : i32
      %dma_start3A_213 = arith.constant 0 : i32
      %dma_start3A_214 = tpu.memref_slice %arg10[%dma_start3A_211, %dma_start3A_212, %dma_start3A_213] : memref<4x128x64xf32, #tpu.memory_space<vmem>> -> memref<1x128x64xf32, #tpu.memory_space<vmem>>
      %dma_start3A_215 = tpu.memref_squeeze %dma_start3A_214 : memref<1x128x64xf32, #tpu.memory_space<vmem>> -> memref<128x64xf32, #tpu.memory_space<vmem>>
      %dma_start3A_216 = arith.constant 0 : i32
      %dma_start3A_217 = tpu.memref_slice %arg8[%dma_start3A_210, %dma_start3A_216] : memref<157x128xi32, #tpu.memory_space<vmem>> -> memref<1x128xi32, #tpu.memory_space<vmem>>
      %dma_start3A_218 = tpu.memref_squeeze %dma_start3A_217 : memref<1x128xi32, #tpu.memory_space<vmem>> -> memref<128xi32, #tpu.memory_space<vmem>>
      %dma_start3A_219 = arith.constant 0 : i32
      %dma_start3A_220 = arith.constant 0 : i32
      %dma_start3A_221 = tpu.memref_slice %arg3[%dma_start3A_219, %dma_start3A_220] : memref<10000x64xf32, #tpu.memory_space<hbm>> -> memref<10000x64xf32, #tpu.memory_space<hbm>>
      tpu.enqueue_indirect_dma source(%dma_start3A_221 : memref<10000x64xf32, #tpu.memory_space<hbm>>) target(%dma_start3A_215 : memref<128x64xf32, #tpu.memory_space<vmem>>) offsets(%dma_start3A_218 : memref<128xi32, #tpu.memory_space<vmem>>) semaphore(%arg13 : memref<!tpu.dma_semaphore, #tpu.memory_space<semaphore_mem>>)
    } else {
    }
    %eq3A_111 = arith.constant 0 : i32
    %eq3A_112 = arith.cmpi eq, %arg0, %eq3A_111 : i32
    %convert_element_type3A_113 = arith.extui %eq3A_112 : i1 to i32
    %cond3A_114 = arith.constant 0 : i32
    %cond3A_115 = arith.cmpi ne, %convert_element_type3A_113, %cond3A_114 : i32
    scf.if %cond3A_115 {
      %dma_start3A_210 = arith.constant 1 : i32
      %dma_start3A_211 = arith.constant 1 : i32
      %dma_start3A_212 = arith.constant 0 : i32
      %dma_start3A_213 = arith.constant 0 : i32
      %dma_start3A_214 = tpu.memref_slice %arg10[%dma_start3A_211, %dma_start3A_212, %dma_start3A_213] : memref<4x128x64xf32, #tpu.memory_space<vmem>> -> memref<1x128x64xf32, #tpu.memory_space<vmem>>
      %dma_start3A_215 = tpu.memref_squeeze %dma_start3A_214 : memref<1x128x64xf32, #tpu.memory_space<vmem>> -> memref<128x64xf32, #tpu.memory_space<vmem>>
      %dma_start3A_216 = arith.constant 0 : i32
      %dma_start3A_217 = tpu.memref_slice %arg8[%dma_start3A_210, %dma_start3A_216] : memref<157x128xi32, #tpu.memory_space<vmem>> -> memref<1x128xi32, #tpu.memory_space<vmem>>
      %dma_start3A_218 = tpu.memref_squeeze %dma_start3A_217 : memref<1x128xi32, #tpu.memory_space<vmem>> -> memref<128xi32, #tpu.memory_space<vmem>>
      %dma_start3A_219 = arith.constant 0 : i32
      %dma_start3A_220 = arith.constant 0 : i32
      %dma_start3A_221 = tpu.memref_slice %arg2[%dma_start3A_219, %dma_start3A_220] : memref<10000x64xf32, #tpu.memory_space<hbm>> -> memref<10000x64xf32, #tpu.memory_space<hbm>>
      tpu.enqueue_indirect_dma source(%dma_start3A_221 : memref<10000x64xf32, #tpu.memory_space<hbm>>) target(%dma_start3A_215 : memref<128x64xf32, #tpu.memory_space<vmem>>) offsets(%dma_start3A_218 : memref<128xi32, #tpu.memory_space<vmem>>) semaphore(%arg13 : memref<!tpu.dma_semaphore, #tpu.memory_space<semaphore_mem>>)
    } else {
    }
    %eq3A_116 = arith.constant 1 : i32
    %eq3A_117 = arith.cmpi eq, %arg0, %eq3A_116 : i32
    %convert_element_type3A_118 = arith.extui %eq3A_117 : i1 to i32
    %cond3A_119 = arith.constant 0 : i32
    %cond3A_120 = arith.cmpi ne, %convert_element_type3A_118, %cond3A_119 : i32
    scf.if %cond3A_120 {
      %dma_start3A_210 = arith.constant 1 : i32
      %dma_start3A_211 = arith.constant 1 : i32
      %dma_start3A_212 = arith.constant 0 : i32
      %dma_start3A_213 = arith.constant 0 : i32
      %dma_start3A_214 = tpu.memref_slice %arg10[%dma_start3A_211, %dma_start3A_212, %dma_start3A_213] : memref<4x128x64xf32, #tpu.memory_space<vmem>> -> memref<1x128x64xf32, #tpu.memory_space<vmem>>
      %dma_start3A_215 = tpu.memref_squeeze %dma_start3A_214 : memref<1x128x64xf32, #tpu.memory_space<vmem>> -> memref<128x64xf32, #tpu.memory_space<vmem>>
      %dma_start3A_216 = arith.constant 0 : i32
      %dma_start3A_217 = tpu.memref_slice %arg8[%dma_start3A_210, %dma_start3A_216] : memref<157x128xi32, #tpu.memory_space<vmem>> -> memref<1x128xi32, #tpu.memory_space<vmem>>
      %dma_start3A_218 = tpu.memref_squeeze %dma_start3A_217 : memref<1x128xi32, #tpu.memory_space<vmem>> -> memref<128xi32, #tpu.memory_space<vmem>>
      %dma_start3A_219 = arith.constant 0 : i32
      %dma_start3A_220 = arith.constant 0 : i32
      %dma_start3A_221 = tpu.memref_slice %arg3[%dma_start3A_219, %dma_start3A_220] : memref<10000x64xf32, #tpu.memory_space<hbm>> -> memref<10000x64xf32, #tpu.memory_space<hbm>>
      tpu.enqueue_indirect_dma source(%dma_start3A_221 : memref<10000x64xf32, #tpu.memory_space<hbm>>) target(%dma_start3A_215 : memref<128x64xf32, #tpu.memory_space<vmem>>) offsets(%dma_start3A_218 : memref<128xi32, #tpu.memory_space<vmem>>) semaphore(%arg13 : memref<!tpu.dma_semaphore, #tpu.memory_space<semaphore_mem>>)
    } else {
    }
    %eq3A_121 = arith.constant 0 : i32
    %eq3A_122 = arith.cmpi eq, %arg0, %eq3A_121 : i32
    %convert_element_type3A_123 = arith.extui %eq3A_122 : i1 to i32
    %cond3A_124 = arith.constant 0 : i32
    %cond3A_125 = arith.cmpi ne, %convert_element_type3A_123, %cond3A_124 : i32
    scf.if %cond3A_125 {
      %dma_start3A_210 = arith.constant 2 : i32
      %dma_start3A_211 = arith.constant 2 : i32
      %dma_start3A_212 = arith.constant 0 : i32
      %dma_start3A_213 = arith.constant 0 : i32
      %dma_start3A_214 = tpu.memref_slice %arg10[%dma_start3A_211, %dma_start3A_212, %dma_start3A_213] : memref<4x128x64xf32, #tpu.memory_space<vmem>> -> memref<1x128x64xf32, #tpu.memory_space<vmem>>
      %dma_start3A_215 = tpu.memref_squeeze %dma_start3A_214 : memref<1x128x64xf32, #tpu.memory_space<vmem>> -> memref<128x64xf32, #tpu.memory_space<vmem>>
      %dma_start3A_216 = arith.constant 0 : i32
      %dma_start3A_217 = tpu.memref_slice %arg8[%dma_start3A_210, %dma_start3A_216] : memref<157x128xi32, #tpu.memory_space<vmem>> -> memref<1x128xi32, #tpu.memory_space<vmem>>
      %dma_start3A_218 = tpu.memref_squeeze %dma_start3A_217 : memref<1x128xi32, #tpu.memory_space<vmem>> -> memref<128xi32, #tpu.memory_space<vmem>>
      %dma_start3A_219 = arith.constant 0 : i32
      %dma_start3A_220 = arith.constant 0 : i32
      %dma_start3A_221 = tpu.memref_slice %arg2[%dma_start3A_219, %dma_start3A_220] : memref<10000x64xf32, #tpu.memory_space<hbm>> -> memref<10000x64xf32, #tpu.memory_space<hbm>>
      tpu.enqueue_indirect_dma source(%dma_start3A_221 : memref<10000x64xf32, #tpu.memory_space<hbm>>) target(%dma_start3A_215 : memref<128x64xf32, #tpu.memory_space<vmem>>) offsets(%dma_start3A_218 : memref<128xi32, #tpu.memory_space<vmem>>) semaphore(%arg13 : memref<!tpu.dma_semaphore, #tpu.memory_space<semaphore_mem>>)
    } else {
    }
    %eq3A_126 = arith.constant 1 : i32
    %eq3A_127 = arith.cmpi eq, %arg0, %eq3A_126 : i32
    %convert_element_type3A_128 = arith.extui %eq3A_127 : i1 to i32
    %cond3A_129 = arith.constant 0 : i32
    %cond3A_130 = arith.cmpi ne, %convert_element_type3A_128, %cond3A_129 : i32
    scf.if %cond3A_130 {
      %dma_start3A_210 = arith.constant 2 : i32
      %dma_start3A_211 = arith.constant 2 : i32
      %dma_start3A_212 = arith.constant 0 : i32
      %dma_start3A_213 = arith.constant 0 : i32
      %dma_start3A_214 = tpu.memref_slice %arg10[%dma_start3A_211, %dma_start3A_212, %dma_start3A_213] : memref<4x128x64xf32, #tpu.memory_space<vmem>> -> memref<1x128x64xf32, #tpu.memory_space<vmem>>
      %dma_start3A_215 = tpu.memref_squeeze %dma_start3A_214 : memref<1x128x64xf32, #tpu.memory_space<vmem>> -> memref<128x64xf32, #tpu.memory_space<vmem>>
      %dma_start3A_216 = arith.constant 0 : i32
      %dma_start3A_217 = tpu.memref_slice %arg8[%dma_start3A_210, %dma_start3A_216] : memref<157x128xi32, #tpu.memory_space<vmem>> -> memref<1x128xi32, #tpu.memory_space<vmem>>
      %dma_start3A_218 = tpu.memref_squeeze %dma_start3A_217 : memref<1x128xi32, #tpu.memory_space<vmem>> -> memref<128xi32, #tpu.memory_space<vmem>>
      %dma_start3A_219 = arith.constant 0 : i32
      %dma_start3A_220 = arith.constant 0 : i32
      %dma_start3A_221 = tpu.memref_slice %arg3[%dma_start3A_219, %dma_start3A_220] : memref<10000x64xf32, #tpu.memory_space<hbm>> -> memref<10000x64xf32, #tpu.memory_space<hbm>>
      tpu.enqueue_indirect_dma source(%dma_start3A_221 : memref<10000x64xf32, #tpu.memory_space<hbm>>) target(%dma_start3A_215 : memref<128x64xf32, #tpu.memory_space<vmem>>) offsets(%dma_start3A_218 : memref<128xi32, #tpu.memory_space<vmem>>) semaphore(%arg13 : memref<!tpu.dma_semaphore, #tpu.memory_space<semaphore_mem>>)
    } else {
    }
    %scan3A_131 = arith.constant 0 : i32
    %scan3A_132 = arith.constant 0 : i32
    %scan3A_133 = arith.constant 157 : i32
    %scan3A_134 = arith.addi %scan3A_132, %scan3A_133 : i32
    %scan3A_135 = arith.constant 1 : i32
    scf.for %scan3A_210 = %scan3A_132 to %scan3A_134 step %scan3A_135  : i32 {
      %rem3A = arith.constant 4 : i32
      %rem3A_211 = arith.remsi %scan3A_210, %rem3A : i32
      %dma_wait3A_212 = arith.constant 0 : i32
      %dma_wait3A_213 = arith.constant 0 : i32
      %dma_wait3A_214 = tpu.memref_slice %arg10[%rem3A_211, %dma_wait3A_212, %dma_wait3A_213] : memref<4x128x64xf32, #tpu.memory_space<vmem>> -> memref<1x128x64xf32, #tpu.memory_space<vmem>>
      %dma_wait3A_215 = tpu.memref_squeeze %dma_wait3A_214 : memref<1x128x64xf32, #tpu.memory_space<vmem>> -> memref<128x64xf32, #tpu.memory_space<vmem>>
      %dma_wait3A_216 = arith.constant 0 : i32
      %dma_wait3A_217 = tpu.memref_slice %arg8[%scan3A_210, %dma_wait3A_216] : memref<157x128xi32, #tpu.memory_space<vmem>> -> memref<1x128xi32, #tpu.memory_space<vmem>>
      %dma_wait3A_218 = tpu.memref_squeeze %dma_wait3A_217 : memref<1x128xi32, #tpu.memory_space<vmem>> -> memref<128xi32, #tpu.memory_space<vmem>>
      %dma_wait3A_219 = arith.constant 0 : i32
      %dma_wait3A_220 = arith.constant 0 : i32
      %dma_wait3A_221 = tpu.memref_slice %arg2[%dma_wait3A_219, %dma_wait3A_220] : memref<10000x64xf32, #tpu.memory_space<hbm>> -> memref<10000x64xf32, #tpu.memory_space<hbm>>
      tpu.wait_indirect_dma semaphore(%arg13 : memref<!tpu.dma_semaphore, #tpu.memory_space<semaphore_mem>>) src(%dma_wait3A_221 : memref<10000x64xf32, #tpu.memory_space<hbm>>) dst(%dma_wait3A_215 : memref<128x64xf32, #tpu.memory_space<vmem>>)
      %dma_start3A_222 = arith.constant 0 : i32
      %dma_start3A_223 = arith.constant 0 : i32
      %dma_start3A_224 = tpu.memref_slice %arg10[%rem3A_211, %dma_start3A_222, %dma_start3A_223] : memref<4x128x64xf32, #tpu.memory_space<vmem>> -> memref<1x128x64xf32, #tpu.memory_space<vmem>>
      %dma_start3A_225 = tpu.memref_squeeze %dma_start3A_224 : memref<1x128x64xf32, #tpu.memory_space<vmem>> -> memref<128x64xf32, #tpu.memory_space<vmem>>
      %dma_start3A_226 = arith.constant 0 : i32
      %dma_start3A_227 = tpu.memref_slice %arg9[%scan3A_210, %dma_start3A_226] : memref<157x128xi32, #tpu.memory_space<vmem>> -> memref<1x128xi32, #tpu.memory_space<vmem>>
      %dma_start3A_228 = tpu.memref_squeeze %dma_start3A_227 : memref<1x128xi32, #tpu.memory_space<vmem>> -> memref<128xi32, #tpu.memory_space<vmem>>
      %dma_start3A_229 = arith.constant 0 : i32
      %dma_start3A_230 = arith.constant 0 : i32
      %dma_start3A_231 = tpu.memref_slice %arg12[%dma_start3A_229, %dma_start3A_230] : memref<10240x64xf32, #tpu.memory_space<vmem_shared>> -> memref<10240x64xf32, #tpu.memory_space<vmem_shared>>
      tpu.enqueue_indirect_dma source(%dma_start3A_225 : memref<128x64xf32, #tpu.memory_space<vmem>>) target(%dma_start3A_231 : memref<10240x64xf32, #tpu.memory_space<vmem_shared>>) offsets(%dma_start3A_228 : memref<128xi32, #tpu.memory_space<vmem>>) semaphore(%arg14 : memref<!tpu.dma_semaphore, #tpu.memory_space<semaphore_mem>>) {add = true}
      %add3A_232 = arith.constant 4 : i32
      %add3A_233 = arith.addi %scan3A_210, %add3A_232 : i32
      %sub3A = arith.constant 1 : i32
      %sub3A_234 = arith.subi %add3A_233, %sub3A : i32
      %lt3A = arith.constant 157 : i32
      %lt3A_235 = arith.cmpi slt, %sub3A_234, %lt3A : i32
      %convert_element_type3A_236 = arith.extui %lt3A_235 : i1 to i32
      %cond3A_237 = arith.constant 0 : i32
      %cond3A_238 = arith.cmpi ne, %convert_element_type3A_236, %cond3A_237 : i32
      scf.if %cond3A_238 {
        %ge3A = arith.constant 1 : i32
        %ge3A_239 = arith.cmpi sge, %scan3A_210, %ge3A : i32
        %convert_element_type3A_240 = arith.extui %ge3A_239 : i1 to i32
        %cond3A_241 = arith.constant 0 : i32
        %cond3A_242 = arith.cmpi ne, %convert_element_type3A_240, %cond3A_241 : i32
        scf.if %cond3A_242 {
          %dma_wait3A_263 = arith.constant 0 : i32
          %dma_wait3A_264 = arith.constant 0 : i32
          %dma_wait3A_265 = tpu.memref_slice %arg10[%rem3A_211, %dma_wait3A_263, %dma_wait3A_264] : memref<4x128x64xf32, #tpu.memory_space<vmem>> -> memref<1x128x64xf32, #tpu.memory_space<vmem>>
          %dma_wait3A_266 = tpu.memref_squeeze %dma_wait3A_265 : memref<1x128x64xf32, #tpu.memory_space<vmem>> -> memref<128x64xf32, #tpu.memory_space<vmem>>
          %dma_wait3A_267 = arith.constant 0 : i32
          %dma_wait3A_268 = arith.constant 0 : i32
          %dma_wait3A_269 = tpu.memref_slice %arg12[%dma_wait3A_267, %dma_wait3A_268] : memref<10240x64xf32, #tpu.memory_space<vmem_shared>> -> memref<128x64xf32, #tpu.memory_space<vmem_shared>>
          %dma_wait3A_270 = arith.constant 0 : i32
          %dma_wait3A_271 = arith.constant 0 : i32
          %dma_wait3A_272 = tpu.memref_slice %arg12[%dma_wait3A_270, %dma_wait3A_271] : memref<10240x64xf32, #tpu.memory_space<vmem_shared>> -> memref<128x64xf32, #tpu.memory_space<vmem_shared>>
          %dma_wait3A_273 = arith.constant 0 : i32
          %dma_wait3A_274 = arith.constant 0 : i32
          %dma_wait3A_275 = tpu.memref_slice %arg10[%rem3A_211, %dma_wait3A_273, %dma_wait3A_274] : memref<4x128x64xf32, #tpu.memory_space<vmem>> -> memref<1x128x64xf32, #tpu.memory_space<vmem>>
          %dma_wait3A_276 = tpu.memref_squeeze %dma_wait3A_275 : memref<1x128x64xf32, #tpu.memory_space<vmem>> -> memref<128x64xf32, #tpu.memory_space<vmem>>
          tpu.wait_dma2 semaphore(%arg14 : memref<!tpu.dma_semaphore, #tpu.memory_space<semaphore_mem>>) src(%dma_wait3A_276 : memref<128x64xf32, #tpu.memory_space<vmem>>) dst(%dma_wait3A_272 : memref<128x64xf32, #tpu.memory_space<vmem_shared>>)
        } else {
        }
        %add3A_243 = arith.constant 4 : i32
        %add3A_244 = arith.addi %scan3A_210, %add3A_243 : i32
        %sub3A_245 = arith.constant 1 : i32
        %sub3A_246 = arith.subi %add3A_244, %sub3A_245 : i32
        %add3A_247 = arith.constant 4 : i32
        %add3A_248 = arith.addi %scan3A_210, %add3A_247 : i32
        %sub3A_249 = arith.constant 1 : i32
        %sub3A_250 = arith.subi %add3A_248, %sub3A_249 : i32
        %rem3A_251 = arith.constant 4 : i32
        %rem3A_252 = arith.remsi %sub3A_250, %rem3A_251 : i32
        %eq3A_253 = arith.constant 0 : i32
        %eq3A_254 = arith.cmpi eq, %arg0, %eq3A_253 : i32
        %convert_element_type3A_255 = arith.extui %eq3A_254 : i1 to i32
        %cond3A_256 = arith.constant 0 : i32
        %cond3A_257 = arith.cmpi ne, %convert_element_type3A_255, %cond3A_256 : i32
        scf.if %cond3A_257 {
          %dma_start3A_263 = arith.constant 0 : i32
          %dma_start3A_264 = arith.constant 0 : i32
          %dma_start3A_265 = tpu.memref_slice %arg10[%rem3A_252, %dma_start3A_263, %dma_start3A_264] : memref<4x128x64xf32, #tpu.memory_space<vmem>> -> memref<1x128x64xf32, #tpu.memory_space<vmem>>
          %dma_start3A_266 = tpu.memref_squeeze %dma_start3A_265 : memref<1x128x64xf32, #tpu.memory_space<vmem>> -> memref<128x64xf32, #tpu.memory_space<vmem>>
          %dma_start3A_267 = arith.constant 0 : i32
          %dma_start3A_268 = tpu.memref_slice %arg8[%sub3A_246, %dma_start3A_267] : memref<157x128xi32, #tpu.memory_space<vmem>> -> memref<1x128xi32, #tpu.memory_space<vmem>>
          %dma_start3A_269 = tpu.memref_squeeze %dma_start3A_268 : memref<1x128xi32, #tpu.memory_space<vmem>> -> memref<128xi32, #tpu.memory_space<vmem>>
          %dma_start3A_270 = arith.constant 0 : i32
          %dma_start3A_271 = arith.constant 0 : i32
          %dma_start3A_272 = tpu.memref_slice %arg2[%dma_start3A_270, %dma_start3A_271] : memref<10000x64xf32, #tpu.memory_space<hbm>> -> memref<10000x64xf32, #tpu.memory_space<hbm>>
          tpu.enqueue_indirect_dma source(%dma_start3A_272 : memref<10000x64xf32, #tpu.memory_space<hbm>>) target(%dma_start3A_266 : memref<128x64xf32, #tpu.memory_space<vmem>>) offsets(%dma_start3A_269 : memref<128xi32, #tpu.memory_space<vmem>>) semaphore(%arg13 : memref<!tpu.dma_semaphore, #tpu.memory_space<semaphore_mem>>)
        } else {
        }
        %eq3A_258 = arith.constant 1 : i32
        %eq3A_259 = arith.cmpi eq, %arg0, %eq3A_258 : i32
        %convert_element_type3A_260 = arith.extui %eq3A_259 : i1 to i32
        %cond3A_261 = arith.constant 0 : i32
        %cond3A_262 = arith.cmpi ne, %convert_element_type3A_260, %cond3A_261 : i32
        scf.if %cond3A_262 {
          %dma_start3A_263 = arith.constant 0 : i32
          %dma_start3A_264 = arith.constant 0 : i32
          %dma_start3A_265 = tpu.memref_slice %arg10[%rem3A_252, %dma_start3A_263, %dma_start3A_264] : memref<4x128x64xf32, #tpu.memory_space<vmem>> -> memref<1x128x64xf32, #tpu.memory_space<vmem>>
          %dma_start3A_266 = tpu.memref_squeeze %dma_start3A_265 : memref<1x128x64xf32, #tpu.memory_space<vmem>> -> memref<128x64xf32, #tpu.memory_space<vmem>>
          %dma_start3A_267 = arith.constant 0 : i32
          %dma_start3A_268 = tpu.memref_slice %arg8[%sub3A_246, %dma_start3A_267] : memref<157x128xi32, #tpu.memory_space<vmem>> -> memref<1x128xi32, #tpu.memory_space<vmem>>
          %dma_start3A_269 = tpu.memref_squeeze %dma_start3A_268 : memref<1x128xi32, #tpu.memory_space<vmem>> -> memref<128xi32, #tpu.memory_space<vmem>>
          %dma_start3A_270 = arith.constant 0 : i32
          %dma_start3A_271 = arith.constant 0 : i32
          %dma_start3A_272 = tpu.memref_slice %arg3[%dma_start3A_270, %dma_start3A_271] : memref<10000x64xf32, #tpu.memory_space<hbm>> -> memref<10000x64xf32, #tpu.memory_space<hbm>>
          tpu.enqueue_indirect_dma source(%dma_start3A_272 : memref<10000x64xf32, #tpu.memory_space<hbm>>) target(%dma_start3A_266 : memref<128x64xf32, #tpu.memory_space<vmem>>) offsets(%dma_start3A_269 : memref<128xi32, #tpu.memory_space<vmem>>) semaphore(%arg13 : memref<!tpu.dma_semaphore, #tpu.memory_space<semaphore_mem>>)
        } else {
        }
      } else {
      }
    }
    %scan3A_136 = arith.constant 157 : i32
    %dma_wait3A_137 = arith.constant 0 : i32
    %dma_wait3A_138 = arith.constant 0 : i32
    %dma_wait3A_139 = arith.constant 0 : i32
    %dma_wait3A_140 = tpu.memref_slice %arg10[%dma_wait3A_137, %dma_wait3A_138, %dma_wait3A_139] : memref<4x128x64xf32, #tpu.memory_space<vmem>> -> memref<1x128x64xf32, #tpu.memory_space<vmem>>
    %dma_wait3A_141 = tpu.memref_squeeze %dma_wait3A_140 : memref<1x128x64xf32, #tpu.memory_space<vmem>> -> memref<128x64xf32, #tpu.memory_space<vmem>>
    %dma_wait3A_142 = arith.constant 0 : i32
    %dma_wait3A_143 = arith.constant 0 : i32
    %dma_wait3A_144 = tpu.memref_slice %arg12[%dma_wait3A_142, %dma_wait3A_143] : memref<10240x64xf32, #tpu.memory_space<vmem_shared>> -> memref<128x64xf32, #tpu.memory_space<vmem_shared>>
    %dma_wait3A_145 = arith.constant 0 : i32
    %dma_wait3A_146 = arith.constant 0 : i32
    %dma_wait3A_147 = tpu.memref_slice %arg12[%dma_wait3A_145, %dma_wait3A_146] : memref<10240x64xf32, #tpu.memory_space<vmem_shared>> -> memref<128x64xf32, #tpu.memory_space<vmem_shared>>
    %dma_wait3A_148 = arith.constant 0 : i32
    %dma_wait3A_149 = arith.constant 0 : i32
    %dma_wait3A_150 = tpu.memref_slice %arg10[%dma_wait3A_137, %dma_wait3A_148, %dma_wait3A_149] : memref<4x128x64xf32, #tpu.memory_space<vmem>> -> memref<1x128x64xf32, #tpu.memory_space<vmem>>
    %dma_wait3A_151 = tpu.memref_squeeze %dma_wait3A_150 : memref<1x128x64xf32, #tpu.memory_space<vmem>> -> memref<128x64xf32, #tpu.memory_space<vmem>>
    tpu.wait_dma2 semaphore(%arg14 : memref<!tpu.dma_semaphore, #tpu.memory_space<semaphore_mem>>) src(%dma_wait3A_151 : memref<128x64xf32, #tpu.memory_space<vmem>>) dst(%dma_wait3A_147 : memref<128x64xf32, #tpu.memory_space<vmem_shared>>)
    %dma_wait3A_152 = arith.constant 0 : i32
    %dma_wait3A_153 = arith.constant 0 : i32
    %dma_wait3A_154 = arith.constant 0 : i32
    %dma_wait3A_155 = tpu.memref_slice %arg10[%dma_wait3A_152, %dma_wait3A_153, %dma_wait3A_154] : memref<4x128x64xf32, #tpu.memory_space<vmem>> -> memref<1x128x64xf32, #tpu.memory_space<vmem>>
    %dma_wait3A_156 = tpu.memref_squeeze %dma_wait3A_155 : memref<1x128x64xf32, #tpu.memory_space<vmem>> -> memref<128x64xf32, #tpu.memory_space<vmem>>
    %dma_wait3A_157 = arith.constant 0 : i32
    %dma_wait3A_158 = arith.constant 0 : i32
    %dma_wait3A_159 = tpu.memref_slice %arg12[%dma_wait3A_157, %dma_wait3A_158] : memref<10240x64xf32, #tpu.memory_space<vmem_shared>> -> memref<128x64xf32, #tpu.memory_space<vmem_shared>>
    %dma_wait3A_160 = arith.constant 0 : i32
    %dma_wait3A_161 = arith.constant 0 : i32
    %dma_wait3A_162 = tpu.memref_slice %arg12[%dma_wait3A_160, %dma_wait3A_161] : memref<10240x64xf32, #tpu.memory_space<vmem_shared>> -> memref<128x64xf32, #tpu.memory_space<vmem_shared>>
    %dma_wait3A_163 = arith.constant 0 : i32
    %dma_wait3A_164 = arith.constant 0 : i32
    %dma_wait3A_165 = tpu.memref_slice %arg10[%dma_wait3A_152, %dma_wait3A_163, %dma_wait3A_164] : memref<4x128x64xf32, #tpu.memory_space<vmem>> -> memref<1x128x64xf32, #tpu.memory_space<vmem>>
    %dma_wait3A_166 = tpu.memref_squeeze %dma_wait3A_165 : memref<1x128x64xf32, #tpu.memory_space<vmem>> -> memref<128x64xf32, #tpu.memory_space<vmem>>
    tpu.wait_dma2 semaphore(%arg14 : memref<!tpu.dma_semaphore, #tpu.memory_space<semaphore_mem>>) src(%dma_wait3A_166 : memref<128x64xf32, #tpu.memory_space<vmem>>) dst(%dma_wait3A_162 : memref<128x64xf32, #tpu.memory_space<vmem_shared>>)
    %dma_wait3A_167 = arith.constant 0 : i32
    %dma_wait3A_168 = arith.constant 0 : i32
    %dma_wait3A_169 = arith.constant 0 : i32
    %dma_wait3A_170 = tpu.memref_slice %arg10[%dma_wait3A_167, %dma_wait3A_168, %dma_wait3A_169] : memref<4x128x64xf32, #tpu.memory_space<vmem>> -> memref<1x128x64xf32, #tpu.memory_space<vmem>>
    %dma_wait3A_171 = tpu.memref_squeeze %dma_wait3A_170 : memref<1x128x64xf32, #tpu.memory_space<vmem>> -> memref<128x64xf32, #tpu.memory_space<vmem>>
    %dma_wait3A_172 = arith.constant 0 : i32
    %dma_wait3A_173 = arith.constant 0 : i32
    %dma_wait3A_174 = tpu.memref_slice %arg12[%dma_wait3A_172, %dma_wait3A_173] : memref<10240x64xf32, #tpu.memory_space<vmem_shared>> -> memref<128x64xf32, #tpu.memory_space<vmem_shared>>
    %dma_wait3A_175 = arith.constant 0 : i32
    %dma_wait3A_176 = arith.constant 0 : i32
    %dma_wait3A_177 = tpu.memref_slice %arg12[%dma_wait3A_175, %dma_wait3A_176] : memref<10240x64xf32, #tpu.memory_space<vmem_shared>> -> memref<128x64xf32, #tpu.memory_space<vmem_shared>>
    %dma_wait3A_178 = arith.constant 0 : i32
    %dma_wait3A_179 = arith.constant 0 : i32
    %dma_wait3A_180 = tpu.memref_slice %arg10[%dma_wait3A_167, %dma_wait3A_178, %dma_wait3A_179] : memref<4x128x64xf32, #tpu.memory_space<vmem>> -> memref<1x128x64xf32, #tpu.memory_space<vmem>>
    %dma_wait3A_181 = tpu.memref_squeeze %dma_wait3A_180 : memref<1x128x64xf32, #tpu.memory_space<vmem>> -> memref<128x64xf32, #tpu.memory_space<vmem>>
    tpu.wait_dma2 semaphore(%arg14 : memref<!tpu.dma_semaphore, #tpu.memory_space<semaphore_mem>>) src(%dma_wait3A_181 : memref<128x64xf32, #tpu.memory_space<vmem>>) dst(%dma_wait3A_177 : memref<128x64xf32, #tpu.memory_space<vmem_shared>>)
    %dma_wait3A_182 = arith.constant 0 : i32
    %dma_wait3A_183 = arith.constant 0 : i32
    %dma_wait3A_184 = arith.constant 0 : i32
    %dma_wait3A_185 = tpu.memref_slice %arg10[%dma_wait3A_182, %dma_wait3A_183, %dma_wait3A_184] : memref<4x128x64xf32, #tpu.memory_space<vmem>> -> memref<1x128x64xf32, #tpu.memory_space<vmem>>
    %dma_wait3A_186 = tpu.memref_squeeze %dma_wait3A_185 : memref<1x128x64xf32, #tpu.memory_space<vmem>> -> memref<128x64xf32, #tpu.memory_space<vmem>>
    %dma_wait3A_187 = arith.constant 0 : i32
    %dma_wait3A_188 = arith.constant 0 : i32
    %dma_wait3A_189 = tpu.memref_slice %arg12[%dma_wait3A_187, %dma_wait3A_188] : memref<10240x64xf32, #tpu.memory_space<vmem_shared>> -> memref<128x64xf32, #tpu.memory_space<vmem_shared>>
    %dma_wait3A_190 = arith.constant 0 : i32
    %dma_wait3A_191 = arith.constant 0 : i32
    %dma_wait3A_192 = tpu.memref_slice %arg12[%dma_wait3A_190, %dma_wait3A_191] : memref<10240x64xf32, #tpu.memory_space<vmem_shared>> -> memref<128x64xf32, #tpu.memory_space<vmem_shared>>
    %dma_wait3A_193 = arith.constant 0 : i32
    %dma_wait3A_194 = arith.constant 0 : i32
    %dma_wait3A_195 = tpu.memref_slice %arg10[%dma_wait3A_182, %dma_wait3A_193, %dma_wait3A_194] : memref<4x128x64xf32, #tpu.memory_space<vmem>> -> memref<1x128x64xf32, #tpu.memory_space<vmem>>
    %dma_wait3A_196 = tpu.memref_squeeze %dma_wait3A_195 : memref<1x128x64xf32, #tpu.memory_space<vmem>> -> memref<128x64xf32, #tpu.memory_space<vmem>>
    tpu.wait_dma2 semaphore(%arg14 : memref<!tpu.dma_semaphore, #tpu.memory_space<semaphore_mem>>) src(%dma_wait3A_196 : memref<128x64xf32, #tpu.memory_space<vmem>>) dst(%dma_wait3A_192 : memref<128x64xf32, #tpu.memory_space<vmem_shared>>)
    %barrier3A_197 = arith.constant 0 : index
    tpu.barrier barrier_id(%barrier3A_197)
    %mul3A_198 = arith.constant 640 : i32
    %mul3A_199 = arith.muli %arg1, %mul3A_198 : i32
    %eq3A_200 = arith.constant 0 : i32
    %eq3A_201 = arith.cmpi eq, %arg0, %eq3A_200 : i32
    %convert_element_type3A_202 = arith.extui %eq3A_201 : i1 to i32
    %cond3A_203 = arith.constant 0 : i32
    %cond3A_204 = arith.cmpi ne, %convert_element_type3A_202, %cond3A_203 : i32
    scf.if %cond3A_204 {
      "tpu.region"() ({
        %run_scoped3A = tpu.sem_alloc : memref<!tpu.dma_semaphore, #tpu.memory_space<semaphore_mem>>
        %dma_start3A_210 = arith.constant 0 : i32
        %dma_start3A_211 = tpu.memref_slice %arg6[%mul3A_199, %dma_start3A_210] : memref<10240x64xf32, #tpu.memory_space<hbm>> -> memref<640x64xf32, #tpu.memory_space<hbm>>
        %dma_start3A_212 = arith.constant 0 : i32
        %dma_start3A_213 = tpu.memref_slice %arg12[%mul3A_199, %dma_start3A_212] : memref<10240x64xf32, #tpu.memory_space<vmem_shared>> -> memref<640x64xf32, #tpu.memory_space<vmem_shared>>
        tpu.enqueue_dma source(%dma_start3A_213 : memref<640x64xf32, #tpu.memory_space<vmem_shared>>) target(%dma_start3A_211 : memref<640x64xf32, #tpu.memory_space<hbm>>) target_semaphore(%run_scoped3A : memref<!tpu.dma_semaphore, #tpu.memory_space<semaphore_mem>>)
        %dma_wait3A_214 = arith.constant 0 : i32
        %dma_wait3A_215 = tpu.memref_slice %arg6[%mul3A_199, %dma_wait3A_214] : memref<10240x64xf32, #tpu.memory_space<hbm>> -> memref<640x64xf32, #tpu.memory_space<hbm>>
        %dma_wait3A_216 = arith.constant 0 : i32
        %dma_wait3A_217 = tpu.memref_slice %arg12[%mul3A_199, %dma_wait3A_216] : memref<10240x64xf32, #tpu.memory_space<vmem_shared>> -> memref<640x64xf32, #tpu.memory_space<vmem_shared>>
        tpu.wait_dma2 semaphore(%run_scoped3A : memref<!tpu.dma_semaphore, #tpu.memory_space<semaphore_mem>>) src(%dma_wait3A_217 : memref<640x64xf32, #tpu.memory_space<vmem_shared>>) dst(%dma_wait3A_215 : memref<640x64xf32, #tpu.memory_space<hbm>>)
        tpu.yield
      }) : () -> ()
    } else {
    }
    %eq3A_205 = arith.constant 1 : i32
    %eq3A_206 = arith.cmpi eq, %arg0, %eq3A_205 : i32
    %convert_element_type3A_207 = arith.extui %eq3A_206 : i1 to i32
    %cond3A_208 = arith.constant 0 : i32
    %cond3A_209 = arith.cmpi ne, %convert_element_type3A_207, %cond3A_208 : i32
    scf.if %cond3A_209 {
      "tpu.region"() ({
        %run_scoped3A = tpu.sem_alloc : memref<!tpu.dma_semaphore, #tpu.memory_space<semaphore_mem>>
        %dma_start3A_210 = arith.constant 0 : i32
        %dma_start3A_211 = tpu.memref_slice %arg7[%mul3A_199, %dma_start3A_210] : memref<10240x64xf32, #tpu.memory_space<hbm>> -> memref<640x64xf32, #tpu.memory_space<hbm>>
        %dma_start3A_212 = arith.constant 0 : i32
        %dma_start3A_213 = tpu.memref_slice %arg12[%mul3A_199, %dma_start3A_212] : memref<10240x64xf32, #tpu.memory_space<vmem_shared>> -> memref<640x64xf32, #tpu.memory_space<vmem_shared>>
        tpu.enqueue_dma source(%dma_start3A_213 : memref<640x64xf32, #tpu.memory_space<vmem_shared>>) target(%dma_start3A_211 : memref<640x64xf32, #tpu.memory_space<hbm>>) target_semaphore(%run_scoped3A : memref<!tpu.dma_semaphore, #tpu.memory_space<semaphore_mem>>)
        %dma_wait3A_214 = arith.constant 0 : i32
        %dma_wait3A_215 = tpu.memref_slice %arg7[%mul3A_199, %dma_wait3A_214] : memref<10240x64xf32, #tpu.memory_space<hbm>> -> memref<640x64xf32, #tpu.memory_space<hbm>>
        %dma_wait3A_216 = arith.constant 0 : i32
        %dma_wait3A_217 = tpu.memref_slice %arg12[%mul3A_199, %dma_wait3A_216] : memref<10240x64xf32, #tpu.memory_space<vmem_shared>> -> memref<640x64xf32, #tpu.memory_space<vmem_shared>>
        tpu.wait_dma2 semaphore(%run_scoped3A : memref<!tpu.dma_semaphore, #tpu.memory_space<semaphore_mem>>) src(%dma_wait3A_217 : memref<640x64xf32, #tpu.memory_space<vmem_shared>>) dst(%dma_wait3A_215 : memref<640x64xf32, #tpu.memory_space<hbm>>)
        tpu.yield
      }) : () -> ()
    } else {
    }
    return
  }
}

#map = affine_map<(d0, d1) -> (0, 0)>
#map1 = affine_map<(d0, d1) -> (0, 0, 0)>
module attributes {stable_mosaic.version = 14 : i64} {
  func.func @_sc_aggregate(%arg0: i32, %arg1: i32, %arg2: memref<10000x64xf32, #tpu.memory_space<hbm>>, %arg3: memref<10000x64xf32, #tpu.memory_space<hbm>>, %arg4: memref<16x157x128xi32, #tpu.memory_space<hbm>>, %arg5: memref<16x157x128xi32, #tpu.memory_space<hbm>>, %arg6: memref<10240x64xf32, #tpu.memory_space<hbm>>, %arg7: memref<10240x64xf32, #tpu.memory_space<hbm>>, %arg8: memref<157x128xi32, #tpu.memory_space<vmem>>, %arg9: memref<157x128xi32, #tpu.memory_space<vmem>>, %arg10: memref<4x128x64xf32, #tpu.memory_space<vmem>>, %arg11: memref<128x64xf32, #tpu.memory_space<vmem>>, %arg12: memref<10240x64xf32, #tpu.memory_space<vmem_shared>>, %arg13: memref<!tpu.dma_semaphore, #tpu.memory_space<semaphore_mem>>, %arg14: memref<!tpu.dma_semaphore, #tpu.memory_space<semaphore_mem>>) attributes {dimension_semantics = [#tpu.dimension_semantics<core_parallel>, #tpu.dimension_semantics<subcore_parallel>], iteration_bounds = array<i64: 2, 16>, scalar_prefetch = 0 : i64, scratch_operands = 7 : i64, tpu.core_type = #tpu.core_type<sc_vector_subcore>, window_params = [{transform_indices = #map}, {transform_indices = #map}, {transform_indices = #map1}, {transform_indices = #map1}, {transform_indices = #map}, {transform_indices = #map}]} {
    %dma_start3A = arith.constant 0 : i32
    %dma_start3A_0 = arith.constant 0 : i32
    %dma_start3A_1 = tpu.memref_slice %arg4[%arg1, %dma_start3A, %dma_start3A_0] : memref<16x157x128xi32, #tpu.memory_space<hbm>> -> memref<1x157x128xi32, #tpu.memory_space<hbm>>
    %dma_start3A_2 = tpu.memref_squeeze %dma_start3A_1 : memref<1x157x128xi32, #tpu.memory_space<hbm>> -> memref<157x128xi32, #tpu.memory_space<hbm>>
    %dma_start3A_3 = arith.constant 0 : i32
    %dma_start3A_4 = arith.constant 0 : i32
    %dma_start3A_5 = tpu.memref_slice %arg4[%arg1, %dma_start3A_3, %dma_start3A_4] : memref<16x157x128xi32, #tpu.memory_space<hbm>> -> memref<1x157x128xi32, #tpu.memory_space<hbm>>
    %dma_start3A_6 = tpu.memref_squeeze %dma_start3A_5 : memref<1x157x128xi32, #tpu.memory_space<hbm>> -> memref<157x128xi32, #tpu.memory_space<hbm>>
    tpu.enqueue_dma source(%dma_start3A_6 : memref<157x128xi32, #tpu.memory_space<hbm>>) target(%arg8 : memref<157x128xi32, #tpu.memory_space<vmem>>) target_semaphore(%arg13 : memref<!tpu.dma_semaphore, #tpu.memory_space<semaphore_mem>>)
    %dma_start3A_7 = arith.constant 0 : i32
    %dma_start3A_8 = arith.constant 0 : i32
    %dma_start3A_9 = tpu.memref_slice %arg5[%arg1, %dma_start3A_7, %dma_start3A_8] : memref<16x157x128xi32, #tpu.memory_space<hbm>> -> memref<1x157x128xi32, #tpu.memory_space<hbm>>
    %dma_start3A_10 = tpu.memref_squeeze %dma_start3A_9 : memref<1x157x128xi32, #tpu.memory_space<hbm>> -> memref<157x128xi32, #tpu.memory_space<hbm>>
    %dma_start3A_11 = arith.constant 0 : i32
    %dma_start3A_12 = arith.constant 0 : i32
    %dma_start3A_13 = tpu.memref_slice %arg5[%arg1, %dma_start3A_11, %dma_start3A_12] : memref<16x157x128xi32, #tpu.memory_space<hbm>> -> memref<1x157x128xi32, #tpu.memory_space<hbm>>
    %dma_start3A_14 = tpu.memref_squeeze %dma_start3A_13 : memref<1x157x128xi32, #tpu.memory_space<hbm>> -> memref<157x128xi32, #tpu.memory_space<hbm>>
    tpu.enqueue_dma source(%dma_start3A_14 : memref<157x128xi32, #tpu.memory_space<hbm>>) target(%arg9 : memref<157x128xi32, #tpu.memory_space<vmem>>) target_semaphore(%arg13 : memref<!tpu.dma_semaphore, #tpu.memory_space<semaphore_mem>>)
    %broadcast_in_dim3A = arith.constant 0.000000e+00 : f32
    %broadcast_in_dim3A_15 = vector.broadcast %broadcast_in_dim3A : f32 to vector<16xf32>
    %scan3A = arith.constant 0 : i32
    %scan3A_16 = arith.constant 0 : i32
    %scan3A_17 = arith.constant 128 : i32
    %scan3A_18 = arith.addi %scan3A_16, %scan3A_17 : i32
    %scan3A_19 = arith.constant 1 : i32
    scf.for %scan3A_210 = %scan3A_16 to %scan3A_18 step %scan3A_19  : i32 {
      %swap3A = arith.index_cast %scan3A_210 : i32 to index
      %swap3A_211 = arith.constant 0 : index
      %swap3A_212 = tpu.vector_load %arg11[%swap3A, %swap3A_211] {strides = array<i32>} : memref<128x64xf32, #tpu.memory_space<vmem>>, vector<1x16xf32>,
      %swap3A_213 = vector.shape_cast %swap3A_212 : vector<1x16xf32> to vector<16xf32>
      %swap3A_214 = vector.shape_cast %broadcast_in_dim3A_15 : vector<16xf32> to vector<1x16xf32>
      tpu.vector_store %arg11[%swap3A, %swap3A_211], %swap3A_214 {strides = array<i32>} : memref<128x64xf32, #tpu.memory_space<vmem>>, vector<1x16xf32>,
      %swap3A_215 = arith.index_cast %scan3A_210 : i32 to index
      %swap3A_216 = arith.constant 16 : index
      %swap3A_217 = tpu.vector_load %arg11[%swap3A_215, %swap3A_216] {strides = array<i32>} : memref<128x64xf32, #tpu.memory_space<vmem>>, vector<1x16xf32>,
      %swap3A_218 = vector.shape_cast %swap3A_217 : vector<1x16xf32> to vector<16xf32>
      %swap3A_219 = vector.shape_cast %broadcast_in_dim3A_15 : vector<16xf32> to vector<1x16xf32>
      tpu.vector_store %arg11[%swap3A_215, %swap3A_216], %swap3A_219 {strides = array<i32>} : memref<128x64xf32, #tpu.memory_space<vmem>>, vector<1x16xf32>,
      %swap3A_220 = arith.index_cast %scan3A_210 : i32 to index
      %swap3A_221 = arith.constant 32 : index
      %swap3A_222 = tpu.vector_load %arg11[%swap3A_220, %swap3A_221] {strides = array<i32>} : memref<128x64xf32, #tpu.memory_space<vmem>>, vector<1x16xf32>,
      %swap3A_223 = vector.shape_cast %swap3A_222 : vector<1x16xf32> to vector<16xf32>
      %swap3A_224 = vector.shape_cast %broadcast_in_dim3A_15 : vector<16xf32> to vector<1x16xf32>
      tpu.vector_store %arg11[%swap3A_220, %swap3A_221], %swap3A_224 {strides = array<i32>} : memref<128x64xf32, #tpu.memory_space<vmem>>, vector<1x16xf32>,
      %swap3A_225 = arith.index_cast %scan3A_210 : i32 to index
      %swap3A_226 = arith.constant 48 : index
      %swap3A_227 = tpu.vector_load %arg11[%swap3A_225, %swap3A_226] {strides = array<i32>} : memref<128x64xf32, #tpu.memory_space<vmem>>, vector<1x16xf32>,
      %swap3A_228 = vector.shape_cast %swap3A_227 : vector<1x16xf32> to vector<16xf32>
      %swap3A_229 = vector.shape_cast %broadcast_in_dim3A_15 : vector<16xf32> to vector<1x16xf32>
      tpu.vector_store %arg11[%swap3A_225, %swap3A_226], %swap3A_229 {strides = array<i32>} : memref<128x64xf32, #tpu.memory_space<vmem>>, vector<1x16xf32>,
    }
    %scan3A_20 = arith.constant 128 : i32
    %mul3A = arith.constant 640 : i32
    %mul3A_21 = arith.muli %arg1, %mul3A : i32
    %add3A = arith.constant 0 : i32
    %add3A_22 = arith.addi %mul3A_21, %add3A : i32
    %dma_start3A_23 = arith.constant 0 : i32
    %dma_start3A_24 = tpu.memref_slice %arg12[%add3A_22, %dma_start3A_23] : memref<10240x64xf32, #tpu.memory_space<vmem_shared>> -> memref<128x64xf32, #tpu.memory_space<vmem_shared>>
    %dma_start3A_25 = arith.constant 0 : i32
    %dma_start3A_26 = tpu.memref_slice %arg12[%add3A_22, %dma_start3A_25] : memref<10240x64xf32, #tpu.memory_space<vmem_shared>> -> memref<128x64xf32, #tpu.memory_space<vmem_shared>>
    tpu.enqueue_dma source(%arg11 : memref<128x64xf32, #tpu.memory_space<vmem>>) target(%dma_start3A_26 : memref<128x64xf32, #tpu.memory_space<vmem_shared>>) target_semaphore(%arg14 : memref<!tpu.dma_semaphore, #tpu.memory_space<semaphore_mem>>)
    %mul3A_27 = arith.constant 640 : i32
    %mul3A_28 = arith.muli %arg1, %mul3A_27 : i32
    %add3A_29 = arith.constant 128 : i32
    %add3A_30 = arith.addi %mul3A_28, %add3A_29 : i32
    %dma_start3A_31 = arith.constant 0 : i32
    %dma_start3A_32 = tpu.memref_slice %arg12[%add3A_30, %dma_start3A_31] : memref<10240x64xf32, #tpu.memory_space<vmem_shared>> -> memref<128x64xf32, #tpu.memory_space<vmem_shared>>
    %dma_start3A_33 = arith.constant 0 : i32
    %dma_start3A_34 = tpu.memref_slice %arg12[%add3A_30, %dma_start3A_33] : memref<10240x64xf32, #tpu.memory_space<vmem_shared>> -> memref<128x64xf32, #tpu.memory_space<vmem_shared>>
    tpu.enqueue_dma source(%arg11 : memref<128x64xf32, #tpu.memory_space<vmem>>) target(%dma_start3A_34 : memref<128x64xf32, #tpu.memory_space<vmem_shared>>) target_semaphore(%arg14 : memref<!tpu.dma_semaphore, #tpu.memory_space<semaphore_mem>>)
    %mul3A_35 = arith.constant 640 : i32
    %mul3A_36 = arith.muli %arg1, %mul3A_35 : i32
    %add3A_37 = arith.constant 256 : i32
    %add3A_38 = arith.addi %mul3A_36, %add3A_37 : i32
    %dma_start3A_39 = arith.constant 0 : i32
    %dma_start3A_40 = tpu.memref_slice %arg12[%add3A_38, %dma_start3A_39] : memref<10240x64xf32, #tpu.memory_space<vmem_shared>> -> memref<128x64xf32, #tpu.memory_space<vmem_shared>>
    %dma_start3A_41 = arith.constant 0 : i32
    %dma_start3A_42 = tpu.memref_slice %arg12[%add3A_38, %dma_start3A_41] : memref<10240x64xf32, #tpu.memory_space<vmem_shared>> -> memref<128x64xf32, #tpu.memory_space<vmem_shared>>
    tpu.enqueue_dma source(%arg11 : memref<128x64xf32, #tpu.memory_space<vmem>>) target(%dma_start3A_42 : memref<128x64xf32, #tpu.memory_space<vmem_shared>>) target_semaphore(%arg14 : memref<!tpu.dma_semaphore, #tpu.memory_space<semaphore_mem>>)
    %mul3A_43 = arith.constant 640 : i32
    %mul3A_44 = arith.muli %arg1, %mul3A_43 : i32
    %add3A_45 = arith.constant 384 : i32
    %add3A_46 = arith.addi %mul3A_44, %add3A_45 : i32
    %dma_start3A_47 = arith.constant 0 : i32
    %dma_start3A_48 = tpu.memref_slice %arg12[%add3A_46, %dma_start3A_47] : memref<10240x64xf32, #tpu.memory_space<vmem_shared>> -> memref<128x64xf32, #tpu.memory_space<vmem_shared>>
    %dma_start3A_49 = arith.constant 0 : i32
    %dma_start3A_50 = tpu.memref_slice %arg12[%add3A_46, %dma_start3A_49] : memref<10240x64xf32, #tpu.memory_space<vmem_shared>> -> memref<128x64xf32, #tpu.memory_space<vmem_shared>>
    tpu.enqueue_dma source(%arg11 : memref<128x64xf32, #tpu.memory_space<vmem>>) target(%dma_start3A_50 : memref<128x64xf32, #tpu.memory_space<vmem_shared>>) target_semaphore(%arg14 : memref<!tpu.dma_semaphore, #tpu.memory_space<semaphore_mem>>)
    %mul3A_51 = arith.constant 640 : i32
    %mul3A_52 = arith.muli %arg1, %mul3A_51 : i32
    %add3A_53 = arith.constant 512 : i32
    %add3A_54 = arith.addi %mul3A_52, %add3A_53 : i32
    %dma_start3A_55 = arith.constant 0 : i32
    %dma_start3A_56 = tpu.memref_slice %arg12[%add3A_54, %dma_start3A_55] : memref<10240x64xf32, #tpu.memory_space<vmem_shared>> -> memref<128x64xf32, #tpu.memory_space<vmem_shared>>
    %dma_start3A_57 = arith.constant 0 : i32
    %dma_start3A_58 = tpu.memref_slice %arg12[%add3A_54, %dma_start3A_57] : memref<10240x64xf32, #tpu.memory_space<vmem_shared>> -> memref<128x64xf32, #tpu.memory_space<vmem_shared>>
    tpu.enqueue_dma source(%arg11 : memref<128x64xf32, #tpu.memory_space<vmem>>) target(%dma_start3A_58 : memref<128x64xf32, #tpu.memory_space<vmem_shared>>) target_semaphore(%arg14 : memref<!tpu.dma_semaphore, #tpu.memory_space<semaphore_mem>>)
    %dma_wait3A = arith.constant 0 : i32
    %dma_wait3A_59 = arith.constant 0 : i32
    %dma_wait3A_60 = tpu.memref_slice %arg4[%arg1, %dma_wait3A, %dma_wait3A_59] : memref<16x157x128xi32, #tpu.memory_space<hbm>> -> memref<1x157x128xi32, #tpu.memory_space<hbm>>
    %dma_wait3A_61 = tpu.memref_squeeze %dma_wait3A_60 : memref<1x157x128xi32, #tpu.memory_space<hbm>> -> memref<157x128xi32, #tpu.memory_space<hbm>>
    %dma_wait3A_62 = arith.constant 0 : i32
    %dma_wait3A_63 = arith.constant 0 : i32
    %dma_wait3A_64 = tpu.memref_slice %arg4[%arg1, %dma_wait3A_62, %dma_wait3A_63] : memref<16x157x128xi32, #tpu.memory_space<hbm>> -> memref<1x157x128xi32, #tpu.memory_space<hbm>>
    %dma_wait3A_65 = tpu.memref_squeeze %dma_wait3A_64 : memref<1x157x128xi32, #tpu.memory_space<hbm>> -> memref<157x128xi32, #tpu.memory_space<hbm>>
    tpu.wait_dma2 semaphore(%arg13 : memref<!tpu.dma_semaphore, #tpu.memory_space<semaphore_mem>>) src(%dma_wait3A_65 : memref<157x128xi32, #tpu.memory_space<hbm>>) dst(%arg8 : memref<157x128xi32, #tpu.memory_space<vmem>>)
    %dma_wait3A_66 = arith.constant 0 : i32
    %dma_wait3A_67 = arith.constant 0 : i32
    %dma_wait3A_68 = tpu.memref_slice %arg4[%arg1, %dma_wait3A_66, %dma_wait3A_67] : memref<16x157x128xi32, #tpu.memory_space<hbm>> -> memref<1x157x128xi32, #tpu.memory_space<hbm>>
    %dma_wait3A_69 = tpu.memref_squeeze %dma_wait3A_68 : memref<1x157x128xi32, #tpu.memory_space<hbm>> -> memref<157x128xi32, #tpu.memory_space<hbm>>
    %dma_wait3A_70 = arith.constant 0 : i32
    %dma_wait3A_71 = arith.constant 0 : i32
    %dma_wait3A_72 = tpu.memref_slice %arg4[%arg1, %dma_wait3A_70, %dma_wait3A_71] : memref<16x157x128xi32, #tpu.memory_space<hbm>> -> memref<1x157x128xi32, #tpu.memory_space<hbm>>
    %dma_wait3A_73 = tpu.memref_squeeze %dma_wait3A_72 : memref<1x157x128xi32, #tpu.memory_space<hbm>> -> memref<157x128xi32, #tpu.memory_space<hbm>>
    tpu.wait_dma2 semaphore(%arg13 : memref<!tpu.dma_semaphore, #tpu.memory_space<semaphore_mem>>) src(%dma_wait3A_73 : memref<157x128xi32, #tpu.memory_space<hbm>>) dst(%arg9 : memref<157x128xi32, #tpu.memory_space<vmem>>)
    %dma_wait3A_74 = arith.constant 0 : i32
    %dma_wait3A_75 = arith.constant 0 : i32
    %dma_wait3A_76 = tpu.memref_slice %arg12[%dma_wait3A_74, %dma_wait3A_75] : memref<10240x64xf32, #tpu.memory_space<vmem_shared>> -> memref<128x64xf32, #tpu.memory_space<vmem_shared>>
    %dma_wait3A_77 = arith.constant 0 : i32
    %dma_wait3A_78 = arith.constant 0 : i32
    %dma_wait3A_79 = tpu.memref_slice %arg12[%dma_wait3A_77, %dma_wait3A_78] : memref<10240x64xf32, #tpu.memory_space<vmem_shared>> -> memref<128x64xf32, #tpu.memory_space<vmem_shared>>
    tpu.wait_dma2 semaphore(%arg14 : memref<!tpu.dma_semaphore, #tpu.memory_space<semaphore_mem>>) src(%arg11 : memref<128x64xf32, #tpu.memory_space<vmem>>) dst(%dma_wait3A_79 : memref<128x64xf32, #tpu.memory_space<vmem_shared>>)
    %dma_wait3A_80 = arith.constant 0 : i32
    %dma_wait3A_81 = arith.constant 0 : i32
    %dma_wait3A_82 = tpu.memref_slice %arg12[%dma_wait3A_80, %dma_wait3A_81] : memref<10240x64xf32, #tpu.memory_space<vmem_shared>> -> memref<128x64xf32, #tpu.memory_space<vmem_shared>>
    %dma_wait3A_83 = arith.constant 0 : i32
    %dma_wait3A_84 = arith.constant 0 : i32
    %dma_wait3A_85 = tpu.memref_slice %arg12[%dma_wait3A_83, %dma_wait3A_84] : memref<10240x64xf32, #tpu.memory_space<vmem_shared>> -> memref<128x64xf32, #tpu.memory_space<vmem_shared>>
    tpu.wait_dma2 semaphore(%arg14 : memref<!tpu.dma_semaphore, #tpu.memory_space<semaphore_mem>>) src(%arg11 : memref<128x64xf32, #tpu.memory_space<vmem>>) dst(%dma_wait3A_85 : memref<128x64xf32, #tpu.memory_space<vmem_shared>>)
    %dma_wait3A_86 = arith.constant 0 : i32
    %dma_wait3A_87 = arith.constant 0 : i32
    %dma_wait3A_88 = tpu.memref_slice %arg12[%dma_wait3A_86, %dma_wait3A_87] : memref<10240x64xf32, #tpu.memory_space<vmem_shared>> -> memref<128x64xf32, #tpu.memory_space<vmem_shared>>
    %dma_wait3A_89 = arith.constant 0 : i32
    %dma_wait3A_90 = arith.constant 0 : i32
    %dma_wait3A_91 = tpu.memref_slice %arg12[%dma_wait3A_89, %dma_wait3A_90] : memref<10240x64xf32, #tpu.memory_space<vmem_shared>> -> memref<128x64xf32, #tpu.memory_space<vmem_shared>>
    tpu.wait_dma2 semaphore(%arg14 : memref<!tpu.dma_semaphore, #tpu.memory_space<semaphore_mem>>) src(%arg11 : memref<128x64xf32, #tpu.memory_space<vmem>>) dst(%dma_wait3A_91 : memref<128x64xf32, #tpu.memory_space<vmem_shared>>)
    %dma_wait3A_92 = arith.constant 0 : i32
    %dma_wait3A_93 = arith.constant 0 : i32
    %dma_wait3A_94 = tpu.memref_slice %arg12[%dma_wait3A_92, %dma_wait3A_93] : memref<10240x64xf32, #tpu.memory_space<vmem_shared>> -> memref<128x64xf32, #tpu.memory_space<vmem_shared>>
    %dma_wait3A_95 = arith.constant 0 : i32
    %dma_wait3A_96 = arith.constant 0 : i32
    %dma_wait3A_97 = tpu.memref_slice %arg12[%dma_wait3A_95, %dma_wait3A_96] : memref<10240x64xf32, #tpu.memory_space<vmem_shared>> -> memref<128x64xf32, #tpu.memory_space<vmem_shared>>
    tpu.wait_dma2 semaphore(%arg14 : memref<!tpu.dma_semaphore, #tpu.memory_space<semaphore_mem>>) src(%arg11 : memref<128x64xf32, #tpu.memory_space<vmem>>) dst(%dma_wait3A_97 : memref<128x64xf32, #tpu.memory_space<vmem_shared>>)
    %dma_wait3A_98 = arith.constant 0 : i32
    %dma_wait3A_99 = arith.constant 0 : i32
    %dma_wait3A_100 = tpu.memref_slice %arg12[%dma_wait3A_98, %dma_wait3A_99] : memref<10240x64xf32, #tpu.memory_space<vmem_shared>> -> memref<128x64xf32, #tpu.memory_space<vmem_shared>>
    %dma_wait3A_101 = arith.constant 0 : i32
    %dma_wait3A_102 = arith.constant 0 : i32
    %dma_wait3A_103 = tpu.memref_slice %arg12[%dma_wait3A_101, %dma_wait3A_102] : memref<10240x64xf32, #tpu.memory_space<vmem_shared>> -> memref<128x64xf32, #tpu.memory_space<vmem_shared>>
    tpu.wait_dma2 semaphore(%arg14 : memref<!tpu.dma_semaphore, #tpu.memory_space<semaphore_mem>>) src(%arg11 : memref<128x64xf32, #tpu.memory_space<vmem>>) dst(%dma_wait3A_103 : memref<128x64xf32, #tpu.memory_space<vmem_shared>>)
    %barrier3A = arith.constant 0 : index
    tpu.barrier barrier_id(%barrier3A)
    %eq3A = arith.constant 0 : i32
    %eq3A_104 = arith.cmpi eq, %arg0, %eq3A : i32
    %convert_element_type3A = arith.extui %eq3A_104 : i1 to i32
    %cond3A = arith.constant 0 : i32
    %cond3A_105 = arith.cmpi ne, %convert_element_type3A, %cond3A : i32
    scf.if %cond3A_105 {
      %dma_start3A_210 = arith.constant 0 : i32
      %dma_start3A_211 = arith.constant 0 : i32
      %dma_start3A_212 = arith.constant 0 : i32
      %dma_start3A_213 = arith.constant 0 : i32
      %dma_start3A_214 = tpu.memref_slice %arg10[%dma_start3A_211, %dma_start3A_212, %dma_start3A_213] : memref<4x128x64xf32, #tpu.memory_space<vmem>> -> memref<1x128x64xf32, #tpu.memory_space<vmem>>
      %dma_start3A_215 = tpu.memref_squeeze %dma_start3A_214 : memref<1x128x64xf32, #tpu.memory_space<vmem>> -> memref<128x64xf32, #tpu.memory_space<vmem>>
      %dma_start3A_216 = arith.constant 0 : i32
      %dma_start3A_217 = tpu.memref_slice %arg8[%dma_start3A_210, %dma_start3A_216] : memref<157x128xi32, #tpu.memory_space<vmem>> -> memref<1x128xi32, #tpu.memory_space<vmem>>
      %dma_start3A_218 = tpu.memref_squeeze %dma_start3A_217 : memref<1x128xi32, #tpu.memory_space<vmem>> -> memref<128xi32, #tpu.memory_space<vmem>>
      %dma_start3A_219 = arith.constant 0 : i32
      %dma_start3A_220 = arith.constant 0 : i32
      %dma_start3A_221 = tpu.memref_slice %arg2[%dma_start3A_219, %dma_start3A_220] : memref<10000x64xf32, #tpu.memory_space<hbm>> -> memref<10000x64xf32, #tpu.memory_space<hbm>>
      tpu.enqueue_indirect_dma source(%dma_start3A_221 : memref<10000x64xf32, #tpu.memory_space<hbm>>) target(%dma_start3A_215 : memref<128x64xf32, #tpu.memory_space<vmem>>) offsets(%dma_start3A_218 : memref<128xi32, #tpu.memory_space<vmem>>) semaphore(%arg13 : memref<!tpu.dma_semaphore, #tpu.memory_space<semaphore_mem>>)
    } else {
    }
    %eq3A_106 = arith.constant 1 : i32
    %eq3A_107 = arith.cmpi eq, %arg0, %eq3A_106 : i32
    %convert_element_type3A_108 = arith.extui %eq3A_107 : i1 to i32
    %cond3A_109 = arith.constant 0 : i32
    %cond3A_110 = arith.cmpi ne, %convert_element_type3A_108, %cond3A_109 : i32
    scf.if %cond3A_110 {
      %dma_start3A_210 = arith.constant 0 : i32
      %dma_start3A_211 = arith.constant 0 : i32
      %dma_start3A_212 = arith.constant 0 : i32
      %dma_start3A_213 = arith.constant 0 : i32
      %dma_start3A_214 = tpu.memref_slice %arg10[%dma_start3A_211, %dma_start3A_212, %dma_start3A_213] : memref<4x128x64xf32, #tpu.memory_space<vmem>> -> memref<1x128x64xf32, #tpu.memory_space<vmem>>
      %dma_start3A_215 = tpu.memref_squeeze %dma_start3A_214 : memref<1x128x64xf32, #tpu.memory_space<vmem>> -> memref<128x64xf32, #tpu.memory_space<vmem>>
      %dma_start3A_216 = arith.constant 0 : i32
      %dma_start3A_217 = tpu.memref_slice %arg8[%dma_start3A_210, %dma_start3A_216] : memref<157x128xi32, #tpu.memory_space<vmem>> -> memref<1x128xi32, #tpu.memory_space<vmem>>
      %dma_start3A_218 = tpu.memref_squeeze %dma_start3A_217 : memref<1x128xi32, #tpu.memory_space<vmem>> -> memref<128xi32, #tpu.memory_space<vmem>>
      %dma_start3A_219 = arith.constant 0 : i32
      %dma_start3A_220 = arith.constant 0 : i32
      %dma_start3A_221 = tpu.memref_slice %arg3[%dma_start3A_219, %dma_start3A_220] : memref<10000x64xf32, #tpu.memory_space<hbm>> -> memref<10000x64xf32, #tpu.memory_space<hbm>>
      tpu.enqueue_indirect_dma source(%dma_start3A_221 : memref<10000x64xf32, #tpu.memory_space<hbm>>) target(%dma_start3A_215 : memref<128x64xf32, #tpu.memory_space<vmem>>) offsets(%dma_start3A_218 : memref<128xi32, #tpu.memory_space<vmem>>) semaphore(%arg13 : memref<!tpu.dma_semaphore, #tpu.memory_space<semaphore_mem>>)
    } else {
    }
    %eq3A_111 = arith.constant 0 : i32
    %eq3A_112 = arith.cmpi eq, %arg0, %eq3A_111 : i32
    %convert_element_type3A_113 = arith.extui %eq3A_112 : i1 to i32
    %cond3A_114 = arith.constant 0 : i32
    %cond3A_115 = arith.cmpi ne, %convert_element_type3A_113, %cond3A_114 : i32
    scf.if %cond3A_115 {
      %dma_start3A_210 = arith.constant 1 : i32
      %dma_start3A_211 = arith.constant 1 : i32
      %dma_start3A_212 = arith.constant 0 : i32
      %dma_start3A_213 = arith.constant 0 : i32
      %dma_start3A_214 = tpu.memref_slice %arg10[%dma_start3A_211, %dma_start3A_212, %dma_start3A_213] : memref<4x128x64xf32, #tpu.memory_space<vmem>> -> memref<1x128x64xf32, #tpu.memory_space<vmem>>
      %dma_start3A_215 = tpu.memref_squeeze %dma_start3A_214 : memref<1x128x64xf32, #tpu.memory_space<vmem>> -> memref<128x64xf32, #tpu.memory_space<vmem>>
      %dma_start3A_216 = arith.constant 0 : i32
      %dma_start3A_217 = tpu.memref_slice %arg8[%dma_start3A_210, %dma_start3A_216] : memref<157x128xi32, #tpu.memory_space<vmem>> -> memref<1x128xi32, #tpu.memory_space<vmem>>
      %dma_start3A_218 = tpu.memref_squeeze %dma_start3A_217 : memref<1x128xi32, #tpu.memory_space<vmem>> -> memref<128xi32, #tpu.memory_space<vmem>>
      %dma_start3A_219 = arith.constant 0 : i32
      %dma_start3A_220 = arith.constant 0 : i32
      %dma_start3A_221 = tpu.memref_slice %arg2[%dma_start3A_219, %dma_start3A_220] : memref<10000x64xf32, #tpu.memory_space<hbm>> -> memref<10000x64xf32, #tpu.memory_space<hbm>>
      tpu.enqueue_indirect_dma source(%dma_start3A_221 : memref<10000x64xf32, #tpu.memory_space<hbm>>) target(%dma_start3A_215 : memref<128x64xf32, #tpu.memory_space<vmem>>) offsets(%dma_start3A_218 : memref<128xi32, #tpu.memory_space<vmem>>) semaphore(%arg13 : memref<!tpu.dma_semaphore, #tpu.memory_space<semaphore_mem>>)
    } else {
    }
    %eq3A_116 = arith.constant 1 : i32
    %eq3A_117 = arith.cmpi eq, %arg0, %eq3A_116 : i32
    %convert_element_type3A_118 = arith.extui %eq3A_117 : i1 to i32
    %cond3A_119 = arith.constant 0 : i32
    %cond3A_120 = arith.cmpi ne, %convert_element_type3A_118, %cond3A_119 : i32
    scf.if %cond3A_120 {
      %dma_start3A_210 = arith.constant 1 : i32
      %dma_start3A_211 = arith.constant 1 : i32
      %dma_start3A_212 = arith.constant 0 : i32
      %dma_start3A_213 = arith.constant 0 : i32
      %dma_start3A_214 = tpu.memref_slice %arg10[%dma_start3A_211, %dma_start3A_212, %dma_start3A_213] : memref<4x128x64xf32, #tpu.memory_space<vmem>> -> memref<1x128x64xf32, #tpu.memory_space<vmem>>
      %dma_start3A_215 = tpu.memref_squeeze %dma_start3A_214 : memref<1x128x64xf32, #tpu.memory_space<vmem>> -> memref<128x64xf32, #tpu.memory_space<vmem>>
      %dma_start3A_216 = arith.constant 0 : i32
      %dma_start3A_217 = tpu.memref_slice %arg8[%dma_start3A_210, %dma_start3A_216] : memref<157x128xi32, #tpu.memory_space<vmem>> -> memref<1x128xi32, #tpu.memory_space<vmem>>
      %dma_start3A_218 = tpu.memref_squeeze %dma_start3A_217 : memref<1x128xi32, #tpu.memory_space<vmem>> -> memref<128xi32, #tpu.memory_space<vmem>>
      %dma_start3A_219 = arith.constant 0 : i32
      %dma_start3A_220 = arith.constant 0 : i32
      %dma_start3A_221 = tpu.memref_slice %arg3[%dma_start3A_219, %dma_start3A_220] : memref<10000x64xf32, #tpu.memory_space<hbm>> -> memref<10000x64xf32, #tpu.memory_space<hbm>>
      tpu.enqueue_indirect_dma source(%dma_start3A_221 : memref<10000x64xf32, #tpu.memory_space<hbm>>) target(%dma_start3A_215 : memref<128x64xf32, #tpu.memory_space<vmem>>) offsets(%dma_start3A_218 : memref<128xi32, #tpu.memory_space<vmem>>) semaphore(%arg13 : memref<!tpu.dma_semaphore, #tpu.memory_space<semaphore_mem>>)
    } else {
    }
    %eq3A_121 = arith.constant 0 : i32
    %eq3A_122 = arith.cmpi eq, %arg0, %eq3A_121 : i32
    %convert_element_type3A_123 = arith.extui %eq3A_122 : i1 to i32
    %cond3A_124 = arith.constant 0 : i32
    %cond3A_125 = arith.cmpi ne, %convert_element_type3A_123, %cond3A_124 : i32
    scf.if %cond3A_125 {
      %dma_start3A_210 = arith.constant 2 : i32
      %dma_start3A_211 = arith.constant 2 : i32
      %dma_start3A_212 = arith.constant 0 : i32
      %dma_start3A_213 = arith.constant 0 : i32
      %dma_start3A_214 = tpu.memref_slice %arg10[%dma_start3A_211, %dma_start3A_212, %dma_start3A_213] : memref<4x128x64xf32, #tpu.memory_space<vmem>> -> memref<1x128x64xf32, #tpu.memory_space<vmem>>
      %dma_start3A_215 = tpu.memref_squeeze %dma_start3A_214 : memref<1x128x64xf32, #tpu.memory_space<vmem>> -> memref<128x64xf32, #tpu.memory_space<vmem>>
      %dma_start3A_216 = arith.constant 0 : i32
      %dma_start3A_217 = tpu.memref_slice %arg8[%dma_start3A_210, %dma_start3A_216] : memref<157x128xi32, #tpu.memory_space<vmem>> -> memref<1x128xi32, #tpu.memory_space<vmem>>
      %dma_start3A_218 = tpu.memref_squeeze %dma_start3A_217 : memref<1x128xi32, #tpu.memory_space<vmem>> -> memref<128xi32, #tpu.memory_space<vmem>>
      %dma_start3A_219 = arith.constant 0 : i32
      %dma_start3A_220 = arith.constant 0 : i32
      %dma_start3A_221 = tpu.memref_slice %arg2[%dma_start3A_219, %dma_start3A_220] : memref<10000x64xf32, #tpu.memory_space<hbm>> -> memref<10000x64xf32, #tpu.memory_space<hbm>>
      tpu.enqueue_indirect_dma source(%dma_start3A_221 : memref<10000x64xf32, #tpu.memory_space<hbm>>) target(%dma_start3A_215 : memref<128x64xf32, #tpu.memory_space<vmem>>) offsets(%dma_start3A_218 : memref<128xi32, #tpu.memory_space<vmem>>) semaphore(%arg13 : memref<!tpu.dma_semaphore, #tpu.memory_space<semaphore_mem>>)
    } else {
    }
    %eq3A_126 = arith.constant 1 : i32
    %eq3A_127 = arith.cmpi eq, %arg0, %eq3A_126 : i32
    %convert_element_type3A_128 = arith.extui %eq3A_127 : i1 to i32
    %cond3A_129 = arith.constant 0 : i32
    %cond3A_130 = arith.cmpi ne, %convert_element_type3A_128, %cond3A_129 : i32
    scf.if %cond3A_130 {
      %dma_start3A_210 = arith.constant 2 : i32
      %dma_start3A_211 = arith.constant 2 : i32
      %dma_start3A_212 = arith.constant 0 : i32
      %dma_start3A_213 = arith.constant 0 : i32
      %dma_start3A_214 = tpu.memref_slice %arg10[%dma_start3A_211, %dma_start3A_212, %dma_start3A_213] : memref<4x128x64xf32, #tpu.memory_space<vmem>> -> memref<1x128x64xf32, #tpu.memory_space<vmem>>
      %dma_start3A_215 = tpu.memref_squeeze %dma_start3A_214 : memref<1x128x64xf32, #tpu.memory_space<vmem>> -> memref<128x64xf32, #tpu.memory_space<vmem>>
      %dma_start3A_216 = arith.constant 0 : i32
      %dma_start3A_217 = tpu.memref_slice %arg8[%dma_start3A_210, %dma_start3A_216] : memref<157x128xi32, #tpu.memory_space<vmem>> -> memref<1x128xi32, #tpu.memory_space<vmem>>
      %dma_start3A_218 = tpu.memref_squeeze %dma_start3A_217 : memref<1x128xi32, #tpu.memory_space<vmem>> -> memref<128xi32, #tpu.memory_space<vmem>>
      %dma_start3A_219 = arith.constant 0 : i32
      %dma_start3A_220 = arith.constant 0 : i32
      %dma_start3A_221 = tpu.memref_slice %arg3[%dma_start3A_219, %dma_start3A_220] : memref<10000x64xf32, #tpu.memory_space<hbm>> -> memref<10000x64xf32, #tpu.memory_space<hbm>>
      tpu.enqueue_indirect_dma source(%dma_start3A_221 : memref<10000x64xf32, #tpu.memory_space<hbm>>) target(%dma_start3A_215 : memref<128x64xf32, #tpu.memory_space<vmem>>) offsets(%dma_start3A_218 : memref<128xi32, #tpu.memory_space<vmem>>) semaphore(%arg13 : memref<!tpu.dma_semaphore, #tpu.memory_space<semaphore_mem>>)
    } else {
    }
    %scan3A_131 = arith.constant 0 : i32
    %scan3A_132 = arith.constant 0 : i32
    %scan3A_133 = arith.constant 157 : i32
    %scan3A_134 = arith.addi %scan3A_132, %scan3A_133 : i32
    %scan3A_135 = arith.constant 1 : i32
    scf.for %scan3A_210 = %scan3A_132 to %scan3A_134 step %scan3A_135  : i32 {
      %rem3A = arith.constant 4 : i32
      %rem3A_211 = arith.remsi %scan3A_210, %rem3A : i32
      %dma_wait3A_212 = arith.constant 0 : i32
      %dma_wait3A_213 = arith.constant 0 : i32
      %dma_wait3A_214 = tpu.memref_slice %arg10[%rem3A_211, %dma_wait3A_212, %dma_wait3A_213] : memref<4x128x64xf32, #tpu.memory_space<vmem>> -> memref<1x128x64xf32, #tpu.memory_space<vmem>>
      %dma_wait3A_215 = tpu.memref_squeeze %dma_wait3A_214 : memref<1x128x64xf32, #tpu.memory_space<vmem>> -> memref<128x64xf32, #tpu.memory_space<vmem>>
      %dma_wait3A_216 = arith.constant 0 : i32
      %dma_wait3A_217 = tpu.memref_slice %arg8[%scan3A_210, %dma_wait3A_216] : memref<157x128xi32, #tpu.memory_space<vmem>> -> memref<1x128xi32, #tpu.memory_space<vmem>>
      %dma_wait3A_218 = tpu.memref_squeeze %dma_wait3A_217 : memref<1x128xi32, #tpu.memory_space<vmem>> -> memref<128xi32, #tpu.memory_space<vmem>>
      %dma_wait3A_219 = arith.constant 0 : i32
      %dma_wait3A_220 = arith.constant 0 : i32
      %dma_wait3A_221 = tpu.memref_slice %arg2[%dma_wait3A_219, %dma_wait3A_220] : memref<10000x64xf32, #tpu.memory_space<hbm>> -> memref<10000x64xf32, #tpu.memory_space<hbm>>
      tpu.wait_indirect_dma semaphore(%arg13 : memref<!tpu.dma_semaphore, #tpu.memory_space<semaphore_mem>>) src(%dma_wait3A_221 : memref<10000x64xf32, #tpu.memory_space<hbm>>) dst(%dma_wait3A_215 : memref<128x64xf32, #tpu.memory_space<vmem>>)
      %dma_start3A_222 = arith.constant 0 : i32
      %dma_start3A_223 = arith.constant 0 : i32
      %dma_start3A_224 = tpu.memref_slice %arg10[%rem3A_211, %dma_start3A_222, %dma_start3A_223] : memref<4x128x64xf32, #tpu.memory_space<vmem>> -> memref<1x128x64xf32, #tpu.memory_space<vmem>>
      %dma_start3A_225 = tpu.memref_squeeze %dma_start3A_224 : memref<1x128x64xf32, #tpu.memory_space<vmem>> -> memref<128x64xf32, #tpu.memory_space<vmem>>
      %dma_start3A_226 = arith.constant 0 : i32
      %dma_start3A_227 = tpu.memref_slice %arg9[%scan3A_210, %dma_start3A_226] : memref<157x128xi32, #tpu.memory_space<vmem>> -> memref<1x128xi32, #tpu.memory_space<vmem>>
      %dma_start3A_228 = tpu.memref_squeeze %dma_start3A_227 : memref<1x128xi32, #tpu.memory_space<vmem>> -> memref<128xi32, #tpu.memory_space<vmem>>
      %dma_start3A_229 = arith.constant 0 : i32
      %dma_start3A_230 = arith.constant 0 : i32
      %dma_start3A_231 = tpu.memref_slice %arg12[%dma_start3A_229, %dma_start3A_230] : memref<10240x64xf32, #tpu.memory_space<vmem_shared>> -> memref<10240x64xf32, #tpu.memory_space<vmem_shared>>
      tpu.enqueue_indirect_dma source(%dma_start3A_225 : memref<128x64xf32, #tpu.memory_space<vmem>>) target(%dma_start3A_231 : memref<10240x64xf32, #tpu.memory_space<vmem_shared>>) offsets(%dma_start3A_228 : memref<128xi32, #tpu.memory_space<vmem>>) semaphore(%arg14 : memref<!tpu.dma_semaphore, #tpu.memory_space<semaphore_mem>>) {add = true}
      %add3A_232 = arith.constant 4 : i32
      %add3A_233 = arith.addi %scan3A_210, %add3A_232 : i32
      %sub3A = arith.constant 1 : i32
      %sub3A_234 = arith.subi %add3A_233, %sub3A : i32
      %lt3A = arith.constant 157 : i32
      %lt3A_235 = arith.cmpi slt, %sub3A_234, %lt3A : i32
      %convert_element_type3A_236 = arith.extui %lt3A_235 : i1 to i32
      %cond3A_237 = arith.constant 0 : i32
      %cond3A_238 = arith.cmpi ne, %convert_element_type3A_236, %cond3A_237 : i32
      scf.if %cond3A_238 {
        %ge3A = arith.constant 1 : i32
        %ge3A_239 = arith.cmpi sge, %scan3A_210, %ge3A : i32
        %convert_element_type3A_240 = arith.extui %ge3A_239 : i1 to i32
        %cond3A_241 = arith.constant 0 : i32
        %cond3A_242 = arith.cmpi ne, %convert_element_type3A_240, %cond3A_241 : i32
        scf.if %cond3A_242 {
          %dma_wait3A_263 = arith.constant 0 : i32
          %dma_wait3A_264 = arith.constant 0 : i32
          %dma_wait3A_265 = tpu.memref_slice %arg10[%rem3A_211, %dma_wait3A_263, %dma_wait3A_264] : memref<4x128x64xf32, #tpu.memory_space<vmem>> -> memref<1x128x64xf32, #tpu.memory_space<vmem>>
          %dma_wait3A_266 = tpu.memref_squeeze %dma_wait3A_265 : memref<1x128x64xf32, #tpu.memory_space<vmem>> -> memref<128x64xf32, #tpu.memory_space<vmem>>
          %dma_wait3A_267 = arith.constant 0 : i32
          %dma_wait3A_268 = arith.constant 0 : i32
          %dma_wait3A_269 = tpu.memref_slice %arg12[%dma_wait3A_267, %dma_wait3A_268] : memref<10240x64xf32, #tpu.memory_space<vmem_shared>> -> memref<128x64xf32, #tpu.memory_space<vmem_shared>>
          %dma_wait3A_270 = arith.constant 0 : i32
          %dma_wait3A_271 = arith.constant 0 : i32
          %dma_wait3A_272 = tpu.memref_slice %arg12[%dma_wait3A_270, %dma_wait3A_271] : memref<10240x64xf32, #tpu.memory_space<vmem_shared>> -> memref<128x64xf32, #tpu.memory_space<vmem_shared>>
          %dma_wait3A_273 = arith.constant 0 : i32
          %dma_wait3A_274 = arith.constant 0 : i32
          %dma_wait3A_275 = tpu.memref_slice %arg10[%rem3A_211, %dma_wait3A_273, %dma_wait3A_274] : memref<4x128x64xf32, #tpu.memory_space<vmem>> -> memref<1x128x64xf32, #tpu.memory_space<vmem>>
          %dma_wait3A_276 = tpu.memref_squeeze %dma_wait3A_275 : memref<1x128x64xf32, #tpu.memory_space<vmem>> -> memref<128x64xf32, #tpu.memory_space<vmem>>
          tpu.wait_dma2 semaphore(%arg14 : memref<!tpu.dma_semaphore, #tpu.memory_space<semaphore_mem>>) src(%dma_wait3A_276 : memref<128x64xf32, #tpu.memory_space<vmem>>) dst(%dma_wait3A_272 : memref<128x64xf32, #tpu.memory_space<vmem_shared>>)
        } else {
        }
        %add3A_243 = arith.constant 4 : i32
        %add3A_244 = arith.addi %scan3A_210, %add3A_243 : i32
        %sub3A_245 = arith.constant 1 : i32
        %sub3A_246 = arith.subi %add3A_244, %sub3A_245 : i32
        %add3A_247 = arith.constant 4 : i32
        %add3A_248 = arith.addi %scan3A_210, %add3A_247 : i32
        %sub3A_249 = arith.constant 1 : i32
        %sub3A_250 = arith.subi %add3A_248, %sub3A_249 : i32
        %rem3A_251 = arith.constant 4 : i32
        %rem3A_252 = arith.remsi %sub3A_250, %rem3A_251 : i32
        %eq3A_253 = arith.constant 0 : i32
        %eq3A_254 = arith.cmpi eq, %arg0, %eq3A_253 : i32
        %convert_element_type3A_255 = arith.extui %eq3A_254 : i1 to i32
        %cond3A_256 = arith.constant 0 : i32
        %cond3A_257 = arith.cmpi ne, %convert_element_type3A_255, %cond3A_256 : i32
        scf.if %cond3A_257 {
          %dma_start3A_263 = arith.constant 0 : i32
          %dma_start3A_264 = arith.constant 0 : i32
          %dma_start3A_265 = tpu.memref_slice %arg10[%rem3A_252, %dma_start3A_263, %dma_start3A_264] : memref<4x128x64xf32, #tpu.memory_space<vmem>> -> memref<1x128x64xf32, #tpu.memory_space<vmem>>
          %dma_start3A_266 = tpu.memref_squeeze %dma_start3A_265 : memref<1x128x64xf32, #tpu.memory_space<vmem>> -> memref<128x64xf32, #tpu.memory_space<vmem>>
          %dma_start3A_267 = arith.constant 0 : i32
          %dma_start3A_268 = tpu.memref_slice %arg8[%sub3A_246, %dma_start3A_267] : memref<157x128xi32, #tpu.memory_space<vmem>> -> memref<1x128xi32, #tpu.memory_space<vmem>>
          %dma_start3A_269 = tpu.memref_squeeze %dma_start3A_268 : memref<1x128xi32, #tpu.memory_space<vmem>> -> memref<128xi32, #tpu.memory_space<vmem>>
          %dma_start3A_270 = arith.constant 0 : i32
          %dma_start3A_271 = arith.constant 0 : i32
          %dma_start3A_272 = tpu.memref_slice %arg2[%dma_start3A_270, %dma_start3A_271] : memref<10000x64xf32, #tpu.memory_space<hbm>> -> memref<10000x64xf32, #tpu.memory_space<hbm>>
          tpu.enqueue_indirect_dma source(%dma_start3A_272 : memref<10000x64xf32, #tpu.memory_space<hbm>>) target(%dma_start3A_266 : memref<128x64xf32, #tpu.memory_space<vmem>>) offsets(%dma_start3A_269 : memref<128xi32, #tpu.memory_space<vmem>>) semaphore(%arg13 : memref<!tpu.dma_semaphore, #tpu.memory_space<semaphore_mem>>)
        } else {
        }
        %eq3A_258 = arith.constant 1 : i32
        %eq3A_259 = arith.cmpi eq, %arg0, %eq3A_258 : i32
        %convert_element_type3A_260 = arith.extui %eq3A_259 : i1 to i32
        %cond3A_261 = arith.constant 0 : i32
        %cond3A_262 = arith.cmpi ne, %convert_element_type3A_260, %cond3A_261 : i32
        scf.if %cond3A_262 {
          %dma_start3A_263 = arith.constant 0 : i32
          %dma_start3A_264 = arith.constant 0 : i32
          %dma_start3A_265 = tpu.memref_slice %arg10[%rem3A_252, %dma_start3A_263, %dma_start3A_264] : memref<4x128x64xf32, #tpu.memory_space<vmem>> -> memref<1x128x64xf32, #tpu.memory_space<vmem>>
          %dma_start3A_266 = tpu.memref_squeeze %dma_start3A_265 : memref<1x128x64xf32, #tpu.memory_space<vmem>> -> memref<128x64xf32, #tpu.memory_space<vmem>>
          %dma_start3A_267 = arith.constant 0 : i32
          %dma_start3A_268 = tpu.memref_slice %arg8[%sub3A_246, %dma_start3A_267] : memref<157x128xi32, #tpu.memory_space<vmem>> -> memref<1x128xi32, #tpu.memory_space<vmem>>
          %dma_start3A_269 = tpu.memref_squeeze %dma_start3A_268 : memref<1x128xi32, #tpu.memory_space<vmem>> -> memref<128xi32, #tpu.memory_space<vmem>>
          %dma_start3A_270 = arith.constant 0 : i32
          %dma_start3A_271 = arith.constant 0 : i32
          %dma_start3A_272 = tpu.memref_slice %arg3[%dma_start3A_270, %dma_start3A_271] : memref<10000x64xf32, #tpu.memory_space<hbm>> -> memref<10000x64xf32, #tpu.memory_space<hbm>>
          tpu.enqueue_indirect_dma source(%dma_start3A_272 : memref<10000x64xf32, #tpu.memory_space<hbm>>) target(%dma_start3A_266 : memref<128x64xf32, #tpu.memory_space<vmem>>) offsets(%dma_start3A_269 : memref<128xi32, #tpu.memory_space<vmem>>) semaphore(%arg13 : memref<!tpu.dma_semaphore, #tpu.memory_space<semaphore_mem>>)
        } else {
        }
      } else {
      }
    }
    %scan3A_136 = arith.constant 157 : i32
    %dma_wait3A_137 = arith.constant 0 : i32
    %dma_wait3A_138 = arith.constant 0 : i32
    %dma_wait3A_139 = arith.constant 0 : i32
    %dma_wait3A_140 = tpu.memref_slice %arg10[%dma_wait3A_137, %dma_wait3A_138, %dma_wait3A_139] : memref<4x128x64xf32, #tpu.memory_space<vmem>> -> memref<1x128x64xf32, #tpu.memory_space<vmem>>
    %dma_wait3A_141 = tpu.memref_squeeze %dma_wait3A_140 : memref<1x128x64xf32, #tpu.memory_space<vmem>> -> memref<128x64xf32, #tpu.memory_space<vmem>>
    %dma_wait3A_142 = arith.constant 0 : i32
    %dma_wait3A_143 = arith.constant 0 : i32
    %dma_wait3A_144 = tpu.memref_slice %arg12[%dma_wait3A_142, %dma_wait3A_143] : memref<10240x64xf32, #tpu.memory_space<vmem_shared>> -> memref<128x64xf32, #tpu.memory_space<vmem_shared>>
    %dma_wait3A_145 = arith.constant 0 : i32
    %dma_wait3A_146 = arith.constant 0 : i32
    %dma_wait3A_147 = tpu.memref_slice %arg12[%dma_wait3A_145, %dma_wait3A_146] : memref<10240x64xf32, #tpu.memory_space<vmem_shared>> -> memref<128x64xf32, #tpu.memory_space<vmem_shared>>
    %dma_wait3A_148 = arith.constant 0 : i32
    %dma_wait3A_149 = arith.constant 0 : i32
    %dma_wait3A_150 = tpu.memref_slice %arg10[%dma_wait3A_137, %dma_wait3A_148, %dma_wait3A_149] : memref<4x128x64xf32, #tpu.memory_space<vmem>> -> memref<1x128x64xf32, #tpu.memory_space<vmem>>
    %dma_wait3A_151 = tpu.memref_squeeze %dma_wait3A_150 : memref<1x128x64xf32, #tpu.memory_space<vmem>> -> memref<128x64xf32, #tpu.memory_space<vmem>>
    tpu.wait_dma2 semaphore(%arg14 : memref<!tpu.dma_semaphore, #tpu.memory_space<semaphore_mem>>) src(%dma_wait3A_151 : memref<128x64xf32, #tpu.memory_space<vmem>>) dst(%dma_wait3A_147 : memref<128x64xf32, #tpu.memory_space<vmem_shared>>)
    %dma_wait3A_152 = arith.constant 0 : i32
    %dma_wait3A_153 = arith.constant 0 : i32
    %dma_wait3A_154 = arith.constant 0 : i32
    %dma_wait3A_155 = tpu.memref_slice %arg10[%dma_wait3A_152, %dma_wait3A_153, %dma_wait3A_154] : memref<4x128x64xf32, #tpu.memory_space<vmem>> -> memref<1x128x64xf32, #tpu.memory_space<vmem>>
    %dma_wait3A_156 = tpu.memref_squeeze %dma_wait3A_155 : memref<1x128x64xf32, #tpu.memory_space<vmem>> -> memref<128x64xf32, #tpu.memory_space<vmem>>
    %dma_wait3A_157 = arith.constant 0 : i32
    %dma_wait3A_158 = arith.constant 0 : i32
    %dma_wait3A_159 = tpu.memref_slice %arg12[%dma_wait3A_157, %dma_wait3A_158] : memref<10240x64xf32, #tpu.memory_space<vmem_shared>> -> memref<128x64xf32, #tpu.memory_space<vmem_shared>>
    %dma_wait3A_160 = arith.constant 0 : i32
    %dma_wait3A_161 = arith.constant 0 : i32
    %dma_wait3A_162 = tpu.memref_slice %arg12[%dma_wait3A_160, %dma_wait3A_161] : memref<10240x64xf32, #tpu.memory_space<vmem_shared>> -> memref<128x64xf32, #tpu.memory_space<vmem_shared>>
    %dma_wait3A_163 = arith.constant 0 : i32
    %dma_wait3A_164 = arith.constant 0 : i32
    %dma_wait3A_165 = tpu.memref_slice %arg10[%dma_wait3A_152, %dma_wait3A_163, %dma_wait3A_164] : memref<4x128x64xf32, #tpu.memory_space<vmem>> -> memref<1x128x64xf32, #tpu.memory_space<vmem>>
    %dma_wait3A_166 = tpu.memref_squeeze %dma_wait3A_165 : memref<1x128x64xf32, #tpu.memory_space<vmem>> -> memref<128x64xf32, #tpu.memory_space<vmem>>
    tpu.wait_dma2 semaphore(%arg14 : memref<!tpu.dma_semaphore, #tpu.memory_space<semaphore_mem>>) src(%dma_wait3A_166 : memref<128x64xf32, #tpu.memory_space<vmem>>) dst(%dma_wait3A_162 : memref<128x64xf32, #tpu.memory_space<vmem_shared>>)
    %dma_wait3A_167 = arith.constant 0 : i32
    %dma_wait3A_168 = arith.constant 0 : i32
    %dma_wait3A_169 = arith.constant 0 : i32
    %dma_wait3A_170 = tpu.memref_slice %arg10[%dma_wait3A_167, %dma_wait3A_168, %dma_wait3A_169] : memref<4x128x64xf32, #tpu.memory_space<vmem>> -> memref<1x128x64xf32, #tpu.memory_space<vmem>>
    %dma_wait3A_171 = tpu.memref_squeeze %dma_wait3A_170 : memref<1x128x64xf32, #tpu.memory_space<vmem>> -> memref<128x64xf32, #tpu.memory_space<vmem>>
    %dma_wait3A_172 = arith.constant 0 : i32
    %dma_wait3A_173 = arith.constant 0 : i32
    %dma_wait3A_174 = tpu.memref_slice %arg12[%dma_wait3A_172, %dma_wait3A_173] : memref<10240x64xf32, #tpu.memory_space<vmem_shared>> -> memref<128x64xf32, #tpu.memory_space<vmem_shared>>
    %dma_wait3A_175 = arith.constant 0 : i32
    %dma_wait3A_176 = arith.constant 0 : i32
    %dma_wait3A_177 = tpu.memref_slice %arg12[%dma_wait3A_175, %dma_wait3A_176] : memref<10240x64xf32, #tpu.memory_space<vmem_shared>> -> memref<128x64xf32, #tpu.memory_space<vmem_shared>>
    %dma_wait3A_178 = arith.constant 0 : i32
    %dma_wait3A_179 = arith.constant 0 : i32
    %dma_wait3A_180 = tpu.memref_slice %arg10[%dma_wait3A_167, %dma_wait3A_178, %dma_wait3A_179] : memref<4x128x64xf32, #tpu.memory_space<vmem>> -> memref<1x128x64xf32, #tpu.memory_space<vmem>>
    %dma_wait3A_181 = tpu.memref_squeeze %dma_wait3A_180 : memref<1x128x64xf32, #tpu.memory_space<vmem>> -> memref<128x64xf32, #tpu.memory_space<vmem>>
    tpu.wait_dma2 semaphore(%arg14 : memref<!tpu.dma_semaphore, #tpu.memory_space<semaphore_mem>>) src(%dma_wait3A_181 : memref<128x64xf32, #tpu.memory_space<vmem>>) dst(%dma_wait3A_177 : memref<128x64xf32, #tpu.memory_space<vmem_shared>>)
    %dma_wait3A_182 = arith.constant 0 : i32
    %dma_wait3A_183 = arith.constant 0 : i32
    %dma_wait3A_184 = arith.constant 0 : i32
    %dma_wait3A_185 = tpu.memref_slice %arg10[%dma_wait3A_182, %dma_wait3A_183, %dma_wait3A_184] : memref<4x128x64xf32, #tpu.memory_space<vmem>> -> memref<1x128x64xf32, #tpu.memory_space<vmem>>
    %dma_wait3A_186 = tpu.memref_squeeze %dma_wait3A_185 : memref<1x128x64xf32, #tpu.memory_space<vmem>> -> memref<128x64xf32, #tpu.memory_space<vmem>>
    %dma_wait3A_187 = arith.constant 0 : i32
    %dma_wait3A_188 = arith.constant 0 : i32
    %dma_wait3A_189 = tpu.memref_slice %arg12[%dma_wait3A_187, %dma_wait3A_188] : memref<10240x64xf32, #tpu.memory_space<vmem_shared>> -> memref<128x64xf32, #tpu.memory_space<vmem_shared>>
    %dma_wait3A_190 = arith.constant 0 : i32
    %dma_wait3A_191 = arith.constant 0 : i32
    %dma_wait3A_192 = tpu.memref_slice %arg12[%dma_wait3A_190, %dma_wait3A_191] : memref<10240x64xf32, #tpu.memory_space<vmem_shared>> -> memref<128x64xf32, #tpu.memory_space<vmem_shared>>
    %dma_wait3A_193 = arith.constant 0 : i32
    %dma_wait3A_194 = arith.constant 0 : i32
    %dma_wait3A_195 = tpu.memref_slice %arg10[%dma_wait3A_182, %dma_wait3A_193, %dma_wait3A_194] : memref<4x128x64xf32, #tpu.memory_space<vmem>> -> memref<1x128x64xf32, #tpu.memory_space<vmem>>
    %dma_wait3A_196 = tpu.memref_squeeze %dma_wait3A_195 : memref<1x128x64xf32, #tpu.memory_space<vmem>> -> memref<128x64xf32, #tpu.memory_space<vmem>>
    tpu.wait_dma2 semaphore(%arg14 : memref<!tpu.dma_semaphore, #tpu.memory_space<semaphore_mem>>) src(%dma_wait3A_196 : memref<128x64xf32, #tpu.memory_space<vmem>>) dst(%dma_wait3A_192 : memref<128x64xf32, #tpu.memory_space<vmem_shared>>)
    %barrier3A_197 = arith.constant 0 : index
    tpu.barrier barrier_id(%barrier3A_197)
    %mul3A_198 = arith.constant 640 : i32
    %mul3A_199 = arith.muli %arg1, %mul3A_198 : i32
    %eq3A_200 = arith.constant 0 : i32
    %eq3A_201 = arith.cmpi eq, %arg0, %eq3A_200 : i32
    %convert_element_type3A_202 = arith.extui %eq3A_201 : i1 to i32
    %cond3A_203 = arith.constant 0 : i32
    %cond3A_204 = arith.cmpi ne, %convert_element_type3A_202, %cond3A_203 : i32
    scf.if %cond3A_204 {
      "tpu.region"() ({
        %run_scoped3A = tpu.sem_alloc : memref<!tpu.dma_semaphore, #tpu.memory_space<semaphore_mem>>
        %dma_start3A_210 = arith.constant 0 : i32
        %dma_start3A_211 = tpu.memref_slice %arg6[%mul3A_199, %dma_start3A_210] : memref<10240x64xf32, #tpu.memory_space<hbm>> -> memref<640x64xf32, #tpu.memory_space<hbm>>
        %dma_start3A_212 = arith.constant 0 : i32
        %dma_start3A_213 = tpu.memref_slice %arg12[%mul3A_199, %dma_start3A_212] : memref<10240x64xf32, #tpu.memory_space<vmem_shared>> -> memref<640x64xf32, #tpu.memory_space<vmem_shared>>
        tpu.enqueue_dma source(%dma_start3A_213 : memref<640x64xf32, #tpu.memory_space<vmem_shared>>) target(%dma_start3A_211 : memref<640x64xf32, #tpu.memory_space<hbm>>) target_semaphore(%run_scoped3A : memref<!tpu.dma_semaphore, #tpu.memory_space<semaphore_mem>>)
        %dma_wait3A_214 = arith.constant 0 : i32
        %dma_wait3A_215 = tpu.memref_slice %arg6[%mul3A_199, %dma_wait3A_214] : memref<10240x64xf32, #tpu.memory_space<hbm>> -> memref<640x64xf32, #tpu.memory_space<hbm>>
        %dma_wait3A_216 = arith.constant 0 : i32
        %dma_wait3A_217 = tpu.memref_slice %arg12[%mul3A_199, %dma_wait3A_216] : memref<10240x64xf32, #tpu.memory_space<vmem_shared>> -> memref<640x64xf32, #tpu.memory_space<vmem_shared>>
        tpu.wait_dma2 semaphore(%run_scoped3A : memref<!tpu.dma_semaphore, #tpu.memory_space<semaphore_mem>>) src(%dma_wait3A_217 : memref<640x64xf32, #tpu.memory_space<vmem_shared>>) dst(%dma_wait3A_215 : memref<640x64xf32, #tpu.memory_space<hbm>>)
        tpu.yield
      }) : () -> ()
    } else {
    }
    %eq3A_205 = arith.constant 1 : i32
    %eq3A_206 = arith.cmpi eq, %arg0, %eq3A_205 : i32
    %convert_element_type3A_207 = arith.extui %eq3A_206 : i1 to i32
    %cond3A_208 = arith.constant 0 : i32
    %cond3A_209 = arith.cmpi ne, %convert_element_type3A_207, %cond3A_208 : i32
    scf.if %cond3A_209 {
      "tpu.region"() ({
        %run_scoped3A = tpu.sem_alloc : memref<!tpu.dma_semaphore, #tpu.memory_space<semaphore_mem>>
        %dma_start3A_210 = arith.constant 0 : i32
        %dma_start3A_211 = tpu.memref_slice %arg7[%mul3A_199, %dma_start3A_210] : memref<10240x64xf32, #tpu.memory_space<hbm>> -> memref<640x64xf32, #tpu.memory_space<hbm>>
        %dma_start3A_212 = arith.constant 0 : i32
        %dma_start3A_213 = tpu.memref_slice %arg12[%mul3A_199, %dma_start3A_212] : memref<10240x64xf32, #tpu.memory_space<vmem_shared>> -> memref<640x64xf32, #tpu.memory_space<vmem_shared>>
        tpu.enqueue_dma source(%dma_start3A_213 : memref<640x64xf32, #tpu.memory_space<vmem_shared>>) target(%dma_start3A_211 : memref<640x64xf32, #tpu.memory_space<hbm>>) target_semaphore(%run_scoped3A : memref<!tpu.dma_semaphore, #tpu.memory_space<semaphore_mem>>)
        %dma_wait3A_214 = arith.constant 0 : i32
        %dma_wait3A_215 = tpu.memref_slice %arg7[%mul3A_199, %dma_wait3A_214] : memref<10240x64xf32, #tpu.memory_space<hbm>> -> memref<640x64xf32, #tpu.memory_space<hbm>>
        %dma_wait3A_216 = arith.constant 0 : i32
        %dma_wait3A_217 = tpu.memref_slice %arg12[%mul3A_199, %dma_wait3A_216] : memref<10240x64xf32, #tpu.memory_space<vmem_shared>> -> memref<640x64xf32, #tpu.memory_space<vmem_shared>>
        tpu.wait_dma2 semaphore(%run_scoped3A : memref<!tpu.dma_semaphore, #tpu.memory_space<semaphore_mem>>) src(%dma_wait3A_217 : memref<640x64xf32, #tpu.memory_space<vmem_shared>>) dst(%dma_wait3A_215 : memref<640x64xf32, #tpu.memory_space<hbm>>)
        tpu.yield
      }) : () -> ()
    } else {
    }
    return
  }
}

module attributes {stable_mosaic.version = 14 : i64} {
  func.func @_mm_body(%arg0: i32, %arg1: memref<1000x128xf32, #tpu.memory_space<vmem>>, %arg2: memref<1000x128xf32, #tpu.memory_space<vmem>>, %arg3: memref<1000x128xf32, #tpu.memory_space<vmem>>, %arg4: memref<1000x128xf32, #tpu.memory_space<vmem>>, %arg5: memref<128x128xf32, #tpu.memory_space<vmem>>, %arg6: memref<1x128xf32, #tpu.memory_space<vmem>>, %arg7: memref<1000x128xf32, #tpu.memory_space<vmem>>, %arg8: memref<1000x128xf32, #tpu.memory_space<vmem>>, %arg9: memref<1000x128xf32, #tpu.memory_space<vmem>>, %arg10: memref<1000x128xf32, #tpu.memory_space<vmem>>) attributes {dimension_semantics = [#tpu.dimension_semantics<arbitrary>], iteration_bounds = array<i64: 5>, scalar_prefetch = 0 : i64, scratch_operands = 0 : i64, tpu.core_type = #tpu.core_type<tc>, window_params = [{transform_indices = @transform_0, window_bounds = array<i64: 1000, 128>}, {transform_indices = @transform_1, window_bounds = array<i64: 1000, 128>}, {transform_indices = @transform_2, window_bounds = array<i64: 1000, 128>}, {transform_indices = @transform_3, window_bounds = array<i64: 1000, 128>}, {pipeline_mode = #tpu.pipeline_mode<synchronous>, transform_indices = @transform_4, window_bounds = array<i64: 128, 128>}, {pipeline_mode = #tpu.pipeline_mode<synchronous>, transform_indices = @transform_5, window_bounds = array<i64: 1, 128>}, {transform_indices = @transform_6, window_bounds = array<i64: 1000, 128>}, {transform_indices = @transform_7, window_bounds = array<i64: 1000, 128>}, {transform_indices = @transform_8, window_bounds = array<i64: 1000, 128>}, {transform_indices = @transform_9, window_bounds = array<i64: 1000, 128>}]} {
    %get3A = arith.constant 0 : index
    %get3A_0 = arith.constant 0 : index
    %get3A_1 = vector.load %arg3[%get3A, %get3A_0] : memref<1000x128xf32, #tpu.memory_space<vmem>>, vector<1000x128xf32>
    %get3A_2 = arith.constant 0 : index
    %get3A_3 = arith.constant 0 : index
    %get3A_4 = vector.load %arg4[%get3A_2, %get3A_3] : memref<1000x128xf32, #tpu.memory_space<vmem>>, vector<1000x128xf32>
    %slice3A = vector.extract_strided_slice %get3A_1 {offsets = [0, 0], sizes = [1000, 64], strides = [1, 1]} : vector<1000x128xf32> to vector<1000x64xf32>
    %slice3A_5 = vector.extract_strided_slice %get3A_4 {offsets = [0, 0], sizes = [1000, 64], strides = [1, 1]} : vector<1000x128xf32> to vector<1000x64xf32>
    %concatenate3A = tpu.concatenate %slice3A, %slice3A_5 in 1 : vector<1000x64xf32>, vector<1000x64xf32> -> vector<1000x128xf32>
    %slice3A_6 = vector.extract_strided_slice %get3A_1 {offsets = [0, 64], sizes = [1000, 64], strides = [1, 1]} : vector<1000x128xf32> to vector<1000x64xf32>
    %slice3A_7 = vector.extract_strided_slice %get3A_4 {offsets = [0, 64], sizes = [1000, 64], strides = [1, 1]} : vector<1000x128xf32> to vector<1000x64xf32>
    %concatenate3A_8 = tpu.concatenate %slice3A_6, %slice3A_7 in 1 : vector<1000x64xf32>, vector<1000x64xf32> -> vector<1000x128xf32>
    %get3A_9 = arith.constant 0 : index
    %get3A_10 = arith.constant 0 : index
    %get3A_11 = vector.load %arg5[%get3A_9, %get3A_10] : memref<128x128xf32, #tpu.memory_space<vmem>>, vector<128x128xf32>
    %get3A_12 = arith.constant 0 : index
    %get3A_13 = arith.constant 0 : index
    %get3A_14 = vector.load %arg6[%get3A_12, %get3A_13] : memref<1x128xf32, #tpu.memory_space<vmem>>, vector<1x128xf32>
    %get3A_15 = arith.constant 0 : index
    %get3A_16 = arith.constant 0 : index
    %get3A_17 = vector.load %arg1[%get3A_15, %get3A_16] : memref<1000x128xf32, #tpu.memory_space<vmem>>, vector<1000x128xf32>
    %add3A = arith.addf %get3A_17, %concatenate3A : vector<1000x128xf32>
    %dot_general3A = arith.constant dense<0.000000e+00> : vector<1000x128xf32>
    %dot_general3A_18 = tpu.matmul %add3A, %get3A_11, %dot_general3A {dimension_numbers = #tpu.dot_dimension_numbers<[1], [0], [0], [1], [0, 0, 1, 1], [], []>, transpose_lhs_hint = false} : vector<1000x128xf32>, vector<128x128xf32>, vector<1000x128xf32> -> vector<1000x128xf32>
    %add3A_19 = vector.broadcast %get3A_14 : vector<1x128xf32> to vector<1000x128xf32>
    %add3A_20 = arith.addf %dot_general3A_18, %add3A_19 : vector<1000x128xf32>
    %max3A = arith.constant 0.000000e+00 : f32
    %max3A_21 = vector.broadcast %max3A : f32 to vector<1000x128xf32>
    %max3A_22 = arith.maximumf %add3A_20, %max3A_21 : vector<1000x128xf32>
    %get3A_23 = arith.constant 0 : index
    %get3A_24 = arith.constant 0 : index
    %get3A_25 = vector.load %arg2[%get3A_23, %get3A_24] : memref<1000x128xf32, #tpu.memory_space<vmem>>, vector<1000x128xf32>
    %add3A_26 = arith.addf %get3A_25, %concatenate3A_8 : vector<1000x128xf32>
    %dot_general3A_27 = arith.constant dense<0.000000e+00> : vector<1000x128xf32>
    %dot_general3A_28 = tpu.matmul %add3A_26, %get3A_11, %dot_general3A_27 {dimension_numbers = #tpu.dot_dimension_numbers<[1], [0], [0], [1], [0, 0, 1, 1], [], []>, transpose_lhs_hint = false} : vector<1000x128xf32>, vector<128x128xf32>, vector<1000x128xf32> -> vector<1000x128xf32>
    %add3A_29 = vector.broadcast %get3A_14 : vector<1x128xf32> to vector<1000x128xf32>
    %add3A_30 = arith.addf %dot_general3A_28, %add3A_29 : vector<1000x128xf32>
    %max3A_31 = arith.constant 0.000000e+00 : f32
    %max3A_32 = vector.broadcast %max3A_31 : f32 to vector<1000x128xf32>
    %max3A_33 = arith.maximumf %add3A_30, %max3A_32 : vector<1000x128xf32>
    %swap3A = arith.constant 0 : index
    %swap3A_34 = arith.constant 0 : index
    %swap3A_35 = vector.load %arg7[%swap3A, %swap3A_34] : memref<1000x128xf32, #tpu.memory_space<vmem>>, vector<1000x128xf32>
    tpu.vector_store %arg7[%swap3A, %swap3A_34], %max3A_22 {strides = array<i32>} : memref<1000x128xf32, #tpu.memory_space<vmem>>, vector<1000x128xf32>,
    %swap3A_36 = arith.constant 0 : index
    %swap3A_37 = arith.constant 0 : index
    %swap3A_38 = vector.load %arg8[%swap3A_36, %swap3A_37] : memref<1000x128xf32, #tpu.memory_space<vmem>>, vector<1000x128xf32>
    tpu.vector_store %arg8[%swap3A_36, %swap3A_37], %max3A_33 {strides = array<i32>} : memref<1000x128xf32, #tpu.memory_space<vmem>>, vector<1000x128xf32>,
    %slice3A_39 = vector.extract_strided_slice %max3A_22 {offsets = [0, 0], sizes = [1000, 64], strides = [1, 1]} : vector<1000x128xf32> to vector<1000x64xf32>
    %slice3A_40 = vector.extract_strided_slice %max3A_33 {offsets = [0, 0], sizes = [1000, 64], strides = [1, 1]} : vector<1000x128xf32> to vector<1000x64xf32>
    %concatenate3A_41 = tpu.concatenate %slice3A_39, %slice3A_40 in 1 : vector<1000x64xf32>, vector<1000x64xf32> -> vector<1000x128xf32>
    %swap3A_42 = arith.constant 0 : index
    %swap3A_43 = arith.constant 0 : index
    %swap3A_44 = vector.load %arg9[%swap3A_42, %swap3A_43] : memref<1000x128xf32, #tpu.memory_space<vmem>>, vector<1000x128xf32>
    tpu.vector_store %arg9[%swap3A_42, %swap3A_43], %concatenate3A_41 {strides = array<i32>} : memref<1000x128xf32, #tpu.memory_space<vmem>>, vector<1000x128xf32>,
    %slice3A_45 = vector.extract_strided_slice %max3A_22 {offsets = [0, 64], sizes = [1000, 64], strides = [1, 1]} : vector<1000x128xf32> to vector<1000x64xf32>
    %slice3A_46 = vector.extract_strided_slice %max3A_33 {offsets = [0, 64], sizes = [1000, 64], strides = [1, 1]} : vector<1000x128xf32> to vector<1000x64xf32>
    %concatenate3A_47 = tpu.concatenate %slice3A_45, %slice3A_46 in 1 : vector<1000x64xf32>, vector<1000x64xf32> -> vector<1000x128xf32>
    %swap3A_48 = arith.constant 0 : index
    %swap3A_49 = arith.constant 0 : index
    %swap3A_50 = vector.load %arg10[%swap3A_48, %swap3A_49] : memref<1000x128xf32, #tpu.memory_space<vmem>>, vector<1000x128xf32>
    tpu.vector_store %arg10[%swap3A_48, %swap3A_49], %concatenate3A_47 {strides = array<i32>} : memref<1000x128xf32, #tpu.memory_space<vmem>>, vector<1000x128xf32>,
    return
  }
  func.func @transform_0(%arg0: i32) -> (i32, i32) {
    %c0_i32 = arith.constant 0 : i32
    %c0_i32_0 = arith.constant 0 : i32
    return %arg0, %c0_i32 : i32, i32
  }
  func.func @transform_1(%arg0: i32) -> (i32, i32) {
    %c0_i32 = arith.constant 0 : i32
    %c0_i32_0 = arith.constant 0 : i32
    return %arg0, %c0_i32 : i32, i32
  }
  func.func @transform_2(%arg0: i32) -> (i32, i32) {
    %c0_i32 = arith.constant 0 : i32
    %c0_i32_0 = arith.constant 0 : i32
    return %arg0, %c0_i32 : i32, i32
  }
  func.func @transform_3(%arg0: i32) -> (i32, i32) {
    %c0_i32 = arith.constant 0 : i32
    %c0_i32_0 = arith.constant 0 : i32
    return %arg0, %c0_i32 : i32, i32
  }
  func.func @transform_4(%arg0: i32) -> (i32, i32) {
    %c0_i32 = arith.constant 0 : i32
    %c0_i32_0 = arith.constant 0 : i32
    %c0_i32_1 = arith.constant 0 : i32
    return %c0_i32, %c0_i32_0 : i32, i32
  }
  func.func @transform_5(%arg0: i32) -> (i32, i32) {
    %c0_i32 = arith.constant 0 : i32
    %c0_i32_0 = arith.constant 0 : i32
    %c0_i32_1 = arith.constant 0 : i32
    return %c0_i32, %c0_i32_0 : i32, i32
  }
  func.func @transform_6(%arg0: i32) -> (i32, i32) {
    %c0_i32 = arith.constant 0 : i32
    %c0_i32_0 = arith.constant 0 : i32
    return %arg0, %c0_i32 : i32, i32
  }
  func.func @transform_7(%arg0: i32) -> (i32, i32) {
    %c0_i32 = arith.constant 0 : i32
    %c0_i32_0 = arith.constant 0 : i32
    return %arg0, %c0_i32 : i32, i32
  }
  func.func @transform_8(%arg0: i32) -> (i32, i32) {
    %c0_i32 = arith.constant 0 : i32
    %c0_i32_0 = arith.constant 0 : i32
    return %arg0, %c0_i32 : i32, i32
  }
  func.func @transform_9(%arg0: i32) -> (i32, i32) {
    %c0_i32 = arith.constant 0 : i32
    %c0_i32_0 = arith.constant 0 : i32
    return %arg0, %c0_i32 : i32, i32
  }
}

module attributes {stable_mosaic.version = 14 : i64} {
  func.func @_mm_body(%arg0: i32, %arg1: memref<1000x128xf32, #tpu.memory_space<vmem>>, %arg2: memref<1000x128xf32, #tpu.memory_space<vmem>>, %arg3: memref<1000x128xf32, #tpu.memory_space<vmem>>, %arg4: memref<1000x128xf32, #tpu.memory_space<vmem>>, %arg5: memref<128x128xf32, #tpu.memory_space<vmem>>, %arg6: memref<1x128xf32, #tpu.memory_space<vmem>>, %arg7: memref<1000x128xf32, #tpu.memory_space<vmem>>, %arg8: memref<1000x128xf32, #tpu.memory_space<vmem>>, %arg9: memref<1000x128xf32, #tpu.memory_space<vmem>>, %arg10: memref<1000x128xf32, #tpu.memory_space<vmem>>) attributes {dimension_semantics = [#tpu.dimension_semantics<arbitrary>], iteration_bounds = array<i64: 5>, scalar_prefetch = 0 : i64, scratch_operands = 0 : i64, tpu.core_type = #tpu.core_type<tc>, window_params = [{transform_indices = @transform_0, window_bounds = array<i64: 1000, 128>}, {transform_indices = @transform_1, window_bounds = array<i64: 1000, 128>}, {transform_indices = @transform_2, window_bounds = array<i64: 1000, 128>}, {transform_indices = @transform_3, window_bounds = array<i64: 1000, 128>}, {pipeline_mode = #tpu.pipeline_mode<synchronous>, transform_indices = @transform_4, window_bounds = array<i64: 128, 128>}, {pipeline_mode = #tpu.pipeline_mode<synchronous>, transform_indices = @transform_5, window_bounds = array<i64: 1, 128>}, {transform_indices = @transform_6, window_bounds = array<i64: 1000, 128>}, {transform_indices = @transform_7, window_bounds = array<i64: 1000, 128>}, {transform_indices = @transform_8, window_bounds = array<i64: 1000, 128>}, {transform_indices = @transform_9, window_bounds = array<i64: 1000, 128>}]} {
    %get3A = arith.constant 0 : index
    %get3A_0 = arith.constant 0 : index
    %get3A_1 = vector.load %arg3[%get3A, %get3A_0] : memref<1000x128xf32, #tpu.memory_space<vmem>>, vector<1000x128xf32>
    %get3A_2 = arith.constant 0 : index
    %get3A_3 = arith.constant 0 : index
    %get3A_4 = vector.load %arg4[%get3A_2, %get3A_3] : memref<1000x128xf32, #tpu.memory_space<vmem>>, vector<1000x128xf32>
    %slice3A = vector.extract_strided_slice %get3A_1 {offsets = [0, 0], sizes = [1000, 64], strides = [1, 1]} : vector<1000x128xf32> to vector<1000x64xf32>
    %slice3A_5 = vector.extract_strided_slice %get3A_4 {offsets = [0, 0], sizes = [1000, 64], strides = [1, 1]} : vector<1000x128xf32> to vector<1000x64xf32>
    %concatenate3A = tpu.concatenate %slice3A, %slice3A_5 in 1 : vector<1000x64xf32>, vector<1000x64xf32> -> vector<1000x128xf32>
    %slice3A_6 = vector.extract_strided_slice %get3A_1 {offsets = [0, 64], sizes = [1000, 64], strides = [1, 1]} : vector<1000x128xf32> to vector<1000x64xf32>
    %slice3A_7 = vector.extract_strided_slice %get3A_4 {offsets = [0, 64], sizes = [1000, 64], strides = [1, 1]} : vector<1000x128xf32> to vector<1000x64xf32>
    %concatenate3A_8 = tpu.concatenate %slice3A_6, %slice3A_7 in 1 : vector<1000x64xf32>, vector<1000x64xf32> -> vector<1000x128xf32>
    %get3A_9 = arith.constant 0 : index
    %get3A_10 = arith.constant 0 : index
    %get3A_11 = vector.load %arg5[%get3A_9, %get3A_10] : memref<128x128xf32, #tpu.memory_space<vmem>>, vector<128x128xf32>
    %get3A_12 = arith.constant 0 : index
    %get3A_13 = arith.constant 0 : index
    %get3A_14 = vector.load %arg6[%get3A_12, %get3A_13] : memref<1x128xf32, #tpu.memory_space<vmem>>, vector<1x128xf32>
    %get3A_15 = arith.constant 0 : index
    %get3A_16 = arith.constant 0 : index
    %get3A_17 = vector.load %arg1[%get3A_15, %get3A_16] : memref<1000x128xf32, #tpu.memory_space<vmem>>, vector<1000x128xf32>
    %add3A = arith.addf %get3A_17, %concatenate3A : vector<1000x128xf32>
    %dot_general3A = arith.constant dense<0.000000e+00> : vector<1000x128xf32>
    %dot_general3A_18 = tpu.matmul %add3A, %get3A_11, %dot_general3A {dimension_numbers = #tpu.dot_dimension_numbers<[1], [0], [0], [1], [0, 0, 1, 1], [], []>, transpose_lhs_hint = false} : vector<1000x128xf32>, vector<128x128xf32>, vector<1000x128xf32> -> vector<1000x128xf32>
    %add3A_19 = vector.broadcast %get3A_14 : vector<1x128xf32> to vector<1000x128xf32>
    %add3A_20 = arith.addf %dot_general3A_18, %add3A_19 : vector<1000x128xf32>
    %get3A_21 = arith.constant 0 : index
    %get3A_22 = arith.constant 0 : index
    %get3A_23 = vector.load %arg2[%get3A_21, %get3A_22] : memref<1000x128xf32, #tpu.memory_space<vmem>>, vector<1000x128xf32>
    %add3A_24 = arith.addf %get3A_23, %concatenate3A_8 : vector<1000x128xf32>
    %dot_general3A_25 = arith.constant dense<0.000000e+00> : vector<1000x128xf32>
    %dot_general3A_26 = tpu.matmul %add3A_24, %get3A_11, %dot_general3A_25 {dimension_numbers = #tpu.dot_dimension_numbers<[1], [0], [0], [1], [0, 0, 1, 1], [], []>, transpose_lhs_hint = false} : vector<1000x128xf32>, vector<128x128xf32>, vector<1000x128xf32> -> vector<1000x128xf32>
    %add3A_27 = vector.broadcast %get3A_14 : vector<1x128xf32> to vector<1000x128xf32>
    %add3A_28 = arith.addf %dot_general3A_26, %add3A_27 : vector<1000x128xf32>
    %swap3A = arith.constant 0 : index
    %swap3A_29 = arith.constant 0 : index
    %swap3A_30 = vector.load %arg7[%swap3A, %swap3A_29] : memref<1000x128xf32, #tpu.memory_space<vmem>>, vector<1000x128xf32>
    tpu.vector_store %arg7[%swap3A, %swap3A_29], %add3A_20 {strides = array<i32>} : memref<1000x128xf32, #tpu.memory_space<vmem>>, vector<1000x128xf32>,
    %swap3A_31 = arith.constant 0 : index
    %swap3A_32 = arith.constant 0 : index
    %swap3A_33 = vector.load %arg8[%swap3A_31, %swap3A_32] : memref<1000x128xf32, #tpu.memory_space<vmem>>, vector<1000x128xf32>
    tpu.vector_store %arg8[%swap3A_31, %swap3A_32], %add3A_28 {strides = array<i32>} : memref<1000x128xf32, #tpu.memory_space<vmem>>, vector<1000x128xf32>,
    %slice3A_34 = vector.extract_strided_slice %add3A_20 {offsets = [0, 0], sizes = [1000, 64], strides = [1, 1]} : vector<1000x128xf32> to vector<1000x64xf32>
    %slice3A_35 = vector.extract_strided_slice %add3A_28 {offsets = [0, 0], sizes = [1000, 64], strides = [1, 1]} : vector<1000x128xf32> to vector<1000x64xf32>
    %concatenate3A_36 = tpu.concatenate %slice3A_34, %slice3A_35 in 1 : vector<1000x64xf32>, vector<1000x64xf32> -> vector<1000x128xf32>
    %swap3A_37 = arith.constant 0 : index
    %swap3A_38 = arith.constant 0 : index
    %swap3A_39 = vector.load %arg9[%swap3A_37, %swap3A_38] : memref<1000x128xf32, #tpu.memory_space<vmem>>, vector<1000x128xf32>
    tpu.vector_store %arg9[%swap3A_37, %swap3A_38], %concatenate3A_36 {strides = array<i32>} : memref<1000x128xf32, #tpu.memory_space<vmem>>, vector<1000x128xf32>,
    %slice3A_40 = vector.extract_strided_slice %add3A_20 {offsets = [0, 64], sizes = [1000, 64], strides = [1, 1]} : vector<1000x128xf32> to vector<1000x64xf32>
    %slice3A_41 = vector.extract_strided_slice %add3A_28 {offsets = [0, 64], sizes = [1000, 64], strides = [1, 1]} : vector<1000x128xf32> to vector<1000x64xf32>
    %concatenate3A_42 = tpu.concatenate %slice3A_40, %slice3A_41 in 1 : vector<1000x64xf32>, vector<1000x64xf32> -> vector<1000x128xf32>
    %swap3A_43 = arith.constant 0 : index
    %swap3A_44 = arith.constant 0 : index
    %swap3A_45 = vector.load %arg10[%swap3A_43, %swap3A_44] : memref<1000x128xf32, #tpu.memory_space<vmem>>, vector<1000x128xf32>
    tpu.vector_store %arg10[%swap3A_43, %swap3A_44], %concatenate3A_42 {strides = array<i32>} : memref<1000x128xf32, #tpu.memory_space<vmem>>, vector<1000x128xf32>,
    return
  }
  func.func @transform_0(%arg0: i32) -> (i32, i32) {
    %c0_i32 = arith.constant 0 : i32
    %c0_i32_0 = arith.constant 0 : i32
    return %arg0, %c0_i32 : i32, i32
  }
  func.func @transform_1(%arg0: i32) -> (i32, i32) {
    %c0_i32 = arith.constant 0 : i32
    %c0_i32_0 = arith.constant 0 : i32
    return %arg0, %c0_i32 : i32, i32
  }
  func.func @transform_2(%arg0: i32) -> (i32, i32) {
    %c0_i32 = arith.constant 0 : i32
    %c0_i32_0 = arith.constant 0 : i32
    return %arg0, %c0_i32 : i32, i32
  }
  func.func @transform_3(%arg0: i32) -> (i32, i32) {
    %c0_i32 = arith.constant 0 : i32
    %c0_i32_0 = arith.constant 0 : i32
    return %arg0, %c0_i32 : i32, i32
  }
  func.func @transform_4(%arg0: i32) -> (i32, i32) {
    %c0_i32 = arith.constant 0 : i32
    %c0_i32_0 = arith.constant 0 : i32
    %c0_i32_1 = arith.constant 0 : i32
    return %c0_i32, %c0_i32_0 : i32, i32
  }
  func.func @transform_5(%arg0: i32) -> (i32, i32) {
    %c0_i32 = arith.constant 0 : i32
    %c0_i32_0 = arith.constant 0 : i32
    %c0_i32_1 = arith.constant 0 : i32
    return %c0_i32, %c0_i32_0 : i32, i32
  }
  func.func @transform_6(%arg0: i32) -> (i32, i32) {
    %c0_i32 = arith.constant 0 : i32
    %c0_i32_0 = arith.constant 0 : i32
    return %arg0, %c0_i32 : i32, i32
  }
  func.func @transform_7(%arg0: i32) -> (i32, i32) {
    %c0_i32 = arith.constant 0 : i32
    %c0_i32_0 = arith.constant 0 : i32
    return %arg0, %c0_i32 : i32, i32
  }
  func.func @transform_8(%arg0: i32) -> (i32, i32) {
    %c0_i32 = arith.constant 0 : i32
    %c0_i32_0 = arith.constant 0 : i32
    return %arg0, %c0_i32 : i32, i32
  }
  func.func @transform_9(%arg0: i32) -> (i32, i32) {
    %c0_i32 = arith.constant 0 : i32
    %c0_i32_0 = arith.constant 0 : i32
    return %arg0, %c0_i32 : i32, i32
  }
}

</mosaic_0001>

<sc_bundles>
// kernel: kernel.11.cloned.1.call-start
scs
__scs_entry_jumppad:
0x0: {  	(pc) =	sbr.rel $0x88, $3  }
0x1: {  	(tag) =	ssettag $0x0;
	lr =	simm.s32 $0x1  }
0x2: {  	[smem:$0x3F99] =	sst lr;
	_ =	strace $0xD0000000  }
0x3: {  	_ = 	snop  }
0x4: {  	_ = 	snop  }
0x5: {  	_ = 	snop  }
0x6: {  	_ = 	snop  }
0x7: {  	_ = 	snop  }
__scs_overlays_trampoline_lowered:
0x8: {  	[smem:$0x3FA8] =	sst s0  }
0x9: {  	[smem:$0x3FA9] =	sst s1  }
0xa: {  	[smem:$0x3FAA] =	sst s2  }
0xb: {  	[smem:$0x3FAB] =	sst s3  }
0xc: {  	[smem:$0x3FAC] =	sst s4  }
0xd: {  	[smem:$0x3FAD] =	sst s5  }
0xe: {  	[smem:$0x3FAE] =	sst s6  }
0xf: {  	[smem:$0x3FAF] =	sst s7  }
0x10: {  	[smem:$0x3FB0] =	sst s8  }
0x11: {  	[smem:$0x3FB1] =	sst s9;
	s0 =	simm.s32 @!p0 $0x0  }
0x12: {  	s1 =	sld [smem:$0x3F97];
	s0 =	simm.s32 @p0 $0x1  }
0x13: {  	[smem:$0x3FB2] =	sst s0;
	s0 =	simm.s32 @!p1 $0x0  }
0x14: {  	s2 =	sld [smem:$0x3F96];
	s0 =	simm.s32 @p1 $0x1  }
0x15: {  	[smem:$0x3FB3] =	sst s0;
	s0 =	simm.s32 @!p2 $0x0  }
0x16: {  	s3 =	sld [smem:$0x3FDB];
	s0 =	simm.s32 @p2 $0x1  }
0x17: {  	s4 =	simm.s32 $0x1BF5;
	[smem:$0x3FB5] =	sst s0  }
0x18: {  	s0 =	sld [smem:$0x3F98];
	_ =	swait.ge [sflag:s4], $0x0  }
0x19: {  	s7 =	sld [smem:$0x3F99]  }
0x1a: {  	s8 =	sadd.s32 $0xFFFFE003, lr  }
0x1b: {  	s9 =	sadd.s32 $0xFFFFFEF7, lr;
	s5 =	simm.s32 $0xFFFFFFFF;
	p2 =	slt.u32 s8, $0xFFFFF086  }
0x1c: {  	p1 =	slt.u32 s9, $0xF7A;
	s5 =	simm.s32 @!p2 $0x0  }
0x1d: {  	s5 =	simm.s32 @p1 $0x1;
	p0 =	seq.s32 s7, s2  }
0x1e: {  	s7 =	smul.u32 @!p0 $0xF7A, s2;
	p2 =	seq.s32 @!p0 s5, $0x0  }
0x1f: {  	s9 =	smul.u32 $0xF7A, s1;
	s8 =	simm.s32 @!p0 $0x1BF5;
	p2 =	por !p2, p0  }
0x20: {  	[sflag:s8] =	ssyncset.s32 @!p0 $0xFFFFF086;
	s6 =	sadd.s32 @!p0 s3, s7;
	s7 =	simm.s32 @!p0 $0x108  }
0x21: {  	s3 =	sadd.s32 s3, s9;
	s6 =	sadd.s32 @!p0 $0x88, s6;
	s7 =	simm.s32 @p2 $0x1082  }
0x22: {  	[simem:s7], [sflag:s8] =	dma.local @!p0 [hbm:s6], $0xF7A  }
0x23: {  	s9 =	sor.u32 $0xD0000000, s2;
	s6 =	simm.s32 $0x108;
	_ =	swait.ge @!p0 [sflag:s8], $0x0  }
0x24: {  	s3 =	sadd.s32 $0x88, s3;
	s6 =	simm.s32 @!p1 $0x1082;
	[sflag:s4] =	ssyncset.s32 $0xFFFFF086  }
0x25: {  	[simem:s6], [sflag:s4] =	dma.local [hbm:s3], $0xF7A  }
0x26: {  	[smem:$0x3F99] =	sst s1;
	(tag) =	ssettag s2;
	_ =	strace s9  }
0x27: {  	s1 =	sld [smem:$0x3FA9]  }
0x28: {  	s2 =	sld [smem:$0x3FAA]  }
0x29: {  	s4 =	sld [smem:$0x3FAC]  }
0x2a: {  	p0 =	seq.s32 s5, $0x0;
	s5 =	sld [smem:$0x3FAD]  }
0x2b: {  	s6 =	sld [smem:$0x3FAE]  }
0x2c: {  	s7 =	sld [smem:$0x3FAF]  }
0x2d: {  	s3 =	simm.s32 $0x108;
	s8 =	sld [smem:$0x3FB0]  }
0x2e: {  	s3 =	simm.s32 @!p0 $0x1082;
	s9 =	sld [smem:$0x3FB1]  }
0x2f: {  	lr =	sadd.s32 s0, s3;
	s0 =	sld [smem:$0x3FA8]  }
0x30: {  	s3 =	sld [smem:$0x3FAB]  }
0x31: {  	[smem:$0x3FB4] =	sst s10  }
0x32: {  	s10 =	sld [smem:$0x3FB2];
	_ =	sdelay $0x3  }
0x33: {  	p0 =	seq.s32 s10, $0x1;
	s10 =	sld [smem:$0x3FB4];
	_ =	sdelay $0x3  }
0x34: {  	[smem:$0x3FB4] =	sst s10  }
0x35: {  	s10 =	sld [smem:$0x3FB3];
	_ =	sdelay $0x3  }
0x36: {  	p1 =	seq.s32 s10, $0x1;
	s10 =	sld [smem:$0x3FB4];
	_ =	sdelay $0x3  }
0x37: {  	[smem:$0x3FB4] =	sst s10  }
0x38: {  	s10 =	sld [smem:$0x3FB5]  }
0x39: {  	_ = 	snop;
	(pc) =	sbr.ind lr, $3  }
0x3a: {  	_ = 	snop  }
0x3b: {  	_ = 	snop  }
0x3c: {  	p2 =	seq.s32 s10, $0x1;
	s10 =	sld [smem:$0x3FB4]  }
0x3d: {  	_ =	shalt  }
0x3e: {  	_ =	shalt  }
0x3f: {  	_ =	shalt  }
0x40: {  	_ =	shalt  }
0x41: {  	_ =	shalt  }
0x42: {  	_ =	shalt  }
0x43: {  	_ =	shalt  }
0x44: {  	_ =	shalt  }
0x45: {  	_ =	shalt  }
0x46: {  	_ =	shalt  }
0x47: {  	_ =	shalt  }
0x48: {  	_ =	shalt  }
0x49: {  	_ =	shalt  }
0x4a: {  	_ =	shalt  }
0x4b: {  	_ =	shalt  }
0x4c: {  	_ =	shalt  }
0x4d: {  	_ =	shalt  }
0x4e: {  	_ =	shalt  }
0x4f: {  	_ =	shalt  }
0x50: {  	_ =	shalt  }
0x51: {  	_ =	shalt  }
0x52: {  	_ =	shalt  }
0x53: {  	_ =	shalt  }
0x54: {  	_ =	shalt  }
0x55: {  	_ =	shalt  }
0x56: {  	_ =	shalt  }
0x57: {  	_ =	shalt  }
0x58: {  	_ =	shalt  }
0x59: {  	_ =	shalt  }
0x5a: {  	_ =	shalt  }
0x5b: {  	_ =	shalt  }
0x5c: {  	_ =	shalt  }
0x5d: {  	_ =	shalt  }
0x5e: {  	_ =	shalt  }
0x5f: {  	_ =	shalt  }
0x60: {  	_ =	shalt  }
0x61: {  	_ =	shalt  }
0x62: {  	_ =	shalt  }
0x63: {  	_ =	shalt  }
0x64: {  	_ =	shalt  }
0x65: {  	_ =	shalt  }
0x66: {  	_ =	shalt  }
0x67: {  	_ =	shalt  }
0x68: {  	_ =	shalt  }
0x69: {  	_ =	shalt  }
0x6a: {  	_ =	shalt  }
0x6b: {  	_ =	shalt  }
0x6c: {  	_ =	shalt  }
0x6d: {  	_ =	shalt  }
0x6e: {  	_ =	shalt  }
0x6f: {  	_ =	shalt  }
0x70: {  	_ =	shalt  }
0x71: {  	_ =	shalt  }
0x72: {  	_ =	shalt  }
0x73: {  	_ =	shalt  }
0x74: {  	_ =	shalt  }
0x75: {  	_ =	shalt  }
0x76: {  	_ =	shalt  }
0x77: {  	_ =	shalt  }
0x78: {  	_ =	shalt  }
0x79: {  	_ =	shalt  }
0x7a: {  	_ =	shalt  }
0x7b: {  	_ =	shalt  }
0x7c: {  	_ =	shalt  }
0x7d: {  	_ =	shalt  }
0x7e: {  	_ =	shalt  }
0x7f: {  	_ =	shalt  }
0x80: {  	_ =	shalt  }
0x81: {  	_ =	shalt  }
0x82: {  	_ =	shalt  }
0x83: {  	_ =	shalt  }
0x84: {  	_ =	shalt  }
0x85: {  	_ =	shalt  }
0x86: {  	_ =	shalt  }
0x87: {  	_ =	shalt  }
.Lfunc_end0:
.L_simem_size_0:
called_computation.1_lowered:
.L_overlay_start_0:
0x88: {  	s2 =	sld [smem:$0x3FD9]  }
0x89: {  	s3 =	sld [smem:$0x3FFE];
	_ =	sdelay $0x1  }
0x8a: {  	s1 =	srdreg.scid  }
0x8b: {  	s0 =	sand.u32 $0x1, s1  }
0x8c: {  	s17 =	sshll.u32 s0, $0xA;
	s2 =	sadd.s32 s3, s2  }
0x8d: {  	s2 =	sadd.s32 s2, s17  }
0x8e: {  	[smem:$0x3FC0] =	sst s2  }
0x8f: {  	_ = 	snop  }
0x90: {  	s2 =	sld [smem:$0x3FD0];
	(tm) =	ssettm $0x1  }
0x91: {  	s18 =	sld [smem:$0x3FFB];
	_ =	sdelay $0x3  }
0x92: {  	_ =	strace s18  }
0x93: {  	s3 =	sld [smem:$0x3FFC];
	_ =	sdelay $0x3  }
0x94: {  	_ =	strace s3  }
0x95: {  	s3 =	sld [smem:$0x3FFD];
	_ =	sdelay $0x3  }
0x96: {  	_ =	strace s3  }
0x97: {  	_ =	strace $0x8FFFFFFF  }
0x98: {  	s19 =	sld [smem:$0x3FDB];
	_ =	sdelay $0x1  }
0x99: {  	s4 =	simm.s32 $_scs_section_size  }
0x9a: {  	s5 =	simm.s32 $_size__tile_overlayer_lowered;
	s6 =	simm.s32 $_tile_overlayer_lowered  }
0x9b: {  	s22 =	simm.s32 $0x1BFF;
	s21 =	sshll.u32 s6, $0x1;
	s3 =	sadd.s32 s4, s19  }
0x9c: {  	s7 =	simm.s32 $0x0;
	s20 =	sshll.u32 s5, $0x1;
	s5 =	sadd.s32 s21, s3  }
0x9d: {  	[timem:s7], [sflag:s22] =	dma.local [hbm:s5], s20  }
0x9e: {  	_ =	swait.ge [sflag:s22], s20  }
0x9f: {  	s4 =	ssub.s32 $0x0, s20;
	[sflag:s22] =	ssyncset.done $0x0  }
0xa0: {  	[sflag:s22] =	ssyncadd.s32 s4;
	_ =	sdelay $0x1  }
0xa1: {  	s23 =	simm.s32 $0x1B8B  }
0xa2: {  	_ =	swait.ge [sflag:s23], $0x1  }
0xa3: {  	[sflag:s23] =	ssyncset.done $0x0  }
0xa4: {  	s25 =	simm.s32 $0x1B8E;
	s24 =	sld [smem:$0x3FFE];
	[sflag:s23] =	ssyncadd.s32 $0xFFFFFFFF  }
0xa5: {  	s26 =	simm.s32 $execute0_lowered;
	[smem:$0x3FD2] =	sst s25  }
0xa6: {  	s5 =	sshll.u32 s26, $0x1;
	_ =	strace $0x80000049;
	[dreg:$0x1] =	wrdreg $0xFFFFFFFF  }
0xa7: {  	s28 =	simm.s32 $_size_execute0_lowered;
	s3 =	sadd.s32 s3, s5;
	[dreg:$0x0] =	wrdreg $0x0  }
0xa8: {  	s5 =	sshll.u32 s28, $0x1;
	[dreg:$0x2] =	wrdreg s3  }
0xa9: {  	[dreg:$0x3] =	wrdreg s5  }
0xaa: {  	[dreg:$0x4] =	wrdreg $0xC0  }
0xab: {  	_ =	task [dreg:s7], $0x5FFFF  }
0xac: {  	[dreg:$0x1] =	wrdreg $0xFFFFFFFF  }
0xad: {  	[dreg:$0x0] =	wrdreg $0x60  }
0xae: {  	[dreg:$0x2] =	wrdreg s24  }
0xaf: {  	[dreg:$0x3] =	wrdreg s2  }
0xb0: {  	[dreg:$0x4] =	wrdreg $0x13D000  }
0xb1: {  	[dreg:$0x5] =	wrdreg $0x9  }
0xb2: {  	_ =	task.clear_ibuf [dreg:s7], $0x6FFFF;
	_ =	strace $0x90000049  }
0xb3: {  	s29 =	simm.s32 $0x9;
	_ =	strace $0x8000004B  }
0xb4: {  	_ =	swait.ge [sflag:s29], $0x1  }
0xb5: {  	[sflag:s29] =	ssyncadd.s32 $0xFFFFFFFF  }
0xb6: {  	_ =	strace $0x9000004B  }
0xb7: {  	_ =	sfence  }
0xb8: {  	s30 =	sld [smem:$0x0];
	_ =	sdelay $0x2  }
0xb9: {  	s31 =	sshll.u32 s1, $0xD;
	s1 =	sshrl.u32 s1, $0x2  }
0xba: {  	s3 =	sand.u32 $0x4000, s31;
	s1 =	sadd.s32 s1, s30  }
0xbb: {  	s0 =	sor.u32 s3, s0;
	s1 =	sshll.u32 s1, $0x11  }
0xbc: {  	s0 =	sor.u32 s1, s0  }
0xbd: {  	s0 =	sadd.s32 $0x8F2B, s0  }
0xbe: {  	[sflag:s0] =	ssyncadd.remote.s32 $0x1  }
0xbf: {  	_ =	sfence.sel $0xFFFF  }
0xc0: {  	[dreg:$0x0] =	wrdreg $0xFFFFFFFF;
	(pc) =	sbr.abs _section_cstart, $3  }
0xc1: {  	[dreg:$0x1] =	wrdreg $0xFFFFFFFF  }
0xc2: {  	_ =	task.clear_ibuf [dreg:s7], $0x2FFFF;
	_ =	strace $0x9FFFFFFF  }
0xc3: {  	(tm) =	ssettm $0x7FFFFFFF  }
tec
execute0_lowered:
.L_overlay_start_1:
0x0: {  	(tag) =	ssettag $0x1  }
0x1: {  	s0 =	rddreg [dreg:$0x0]  }
0x2: {  	s1 =	rddreg [dreg:$0x1]  }
0x3: {  	s2 =	rddreg [dreg:$0x2];
	s3 =	simm.s32 $0x0;
	s10 =	stileid.u32  }
0x4: {  	s7 =	srdreg.scid;
	s17 =	simm.s32 $0x11D00;
	s18 =	simm.s32 $0x1  }
0x5: {  	s19 =	simm.s32 $0x2;
	s20 =	simm.s32 $0x80;
	s21 =	simm.s32 $0x9D00  }
0x6: {  	s24 =	simm.s32 $0xDD00;
	s25 =	simm.s32 $0x3;
	s26 =	simm.s32 $0x0  }
0x7: {  	[smem:$0x7FF] =	sst s3;
	s6 =	smul.u32 $0x9D0, s10;
	s4 =	sadd.s32 $0x3A00, s0  }
0x8: {  	s5 =	sadd.s32 $0x17400, s0;
	s13 =	sand.u32 $0x1, s7;
	s8 =	smul.u32 $0x28000, s10  }
0x9: {  	s14 =	smul.u32 $0xA000, s10;
	_ =	strace $0x8000004A;
	s30 =	ssub.s32 $0x2, s13  }
0xa: {  	p0 =	seq.s32 s13, $0x0;
	s13 =	smov.u32 s5;
	s29 =	sadd.s32 s6, s0  }
0xb: {  	s0 =	sadd.s32 $0x3EA00, s0;
	s9 =	sshrl.u32 s30, $0x1;
	s31 =	sshrl.u32 s8, $0x2  }
0xc: {  	s8 =	sadd.s32 s14, s2;
	s16 =	sshrl.u32 s14, $0x3;
	s13 =	smov.u32 @p0 s4  }
0xd: {  	s15 =	ssub.s32 s30, s9;
	s6 =	sadd.s32 $0x34C00, s29;
	s12 =	sadd.s32 s31, s2  }
0xe: {  	s7 =	sadd.s32 $0x2AE00, s29;
	s0 =	smov.u32 @p0 s1;
	s9 =	sadd.s32 $0x2000, s12  }
0xf: {  	s10 =	sadd.s32 $0x4000, s12;
	s11 =	sadd.s32 $0x6000, s12;
	s12 =	sadd.s32 $0x8000, s12  }
0x10: {  	v0 =	vimm.f32 $0.0e+00;
	s14 =	smax.u32 s15, $0x1;
	s15 =	sadd.s32 s0, s16;
	s16 =	simm.s32 $0x4E80  }
.LBB2_1:
0x11: {  	[tilespmem:s3], [sflag:$0x1] =	stream.linear.gather [hbm4b:s6+s3], $0x4E80, $0x38;
	[tilespmem:$0x1DD00] =	vst v63  }
0x12: {  	s1 =	simm.s32 $0x100;
	s0 =	simm.s32 $0x0  }
0x13: {  	[tilespmem:s16], [sflag:$0x1] =	stream.linear.gather [hbm4b:s7+s3], $0x4E80, $0x38;
	[tilespmem:$0x1DD00] =	vst v63  }
.LBB2_2:
0x14: {  	p1 =	sne.s32 s1, $0x7F00;
	[tilespmem:s0+$0x11D30] =	vst v0;
	s22 =	smov.u32 s1;
	s1 =	sadd.s32 $0x100, s1  }
.Ltmp0:
0x15: {  	[tilespmem:s0+$0x11D20] =	vst v0;
	(pc) =	sbr.rel @p1 .LBB2_2-.Ltmp0, $3  }
0x16: {  	[tilespmem:s0+$0x11D00] =	vst v0  }
0x17: {  	[tilespmem:s0+$0x11D10] =	vst v0;
	_ =	sdelay $0x1  }
0x18: {  	s0 =	sshra.s32 s22, $0x2  }
0x19: {  	[tilespmem:s0+$0x11D30] =	vst v0  }
0x1a: {  	[tilespmem:s0+$0x11D20] =	vst v0  }
0x1b: {  	[tilespmem:s0+$0x11D00] =	vst v0  }
0x1c: {  	[tilespmem:s0+$0x11D10] =	vst v0  }
0x1d: {  	[spmem:s8] =	stream.linear.scatter [tilespmem:s17], [sflag:$0x2], $0x2000, $0x38;
	[tilespmem:$0x1DD00] =	vst v63  }
0x1e: {  	_ = 	snop  }
0x1f: {  	[spmem:s9] =	stream.linear.scatter [tilespmem:s17], [sflag:$0x2], $0x2000, $0x38;
	[tilespmem:$0x1DD00] =	vst v63  }
0x20: {  	_ = 	snop  }
0x21: {  	[spmem:s10] =	stream.linear.scatter [tilespmem:s17], [sflag:$0x2], $0x2000, $0x38;
	[tilespmem:$0x1DD00] =	vst v63  }
0x22: {  	_ = 	snop  }
0x23: {  	[spmem:s11] =	stream.linear.scatter [tilespmem:s17], [sflag:$0x2], $0x2000, $0x38;
	[tilespmem:$0x1DD00] =	vst v63  }
0x24: {  	_ = 	snop  }
0x25: {  	[spmem:s12] =	stream.linear.scatter [tilespmem:s17], [sflag:$0x2], $0x2000, $0x38;
	[tilespmem:$0x1DD00] =	vst v63  }
0x26: {  	_ =	swait.ge [sflag:s18], $0x4E80  }
0x27: {  	[sflag:s18] =	ssyncset.done $0x0  }
0x28: {  	[sflag:s18] =	ssyncadd.s32 $0xFFFFB180  }
0x29: {  	_ =	swait.ge [sflag:s18], $0x4E80  }
0x2a: {  	[sflag:s18] =	ssyncset.done $0x0  }
0x2b: {  	[sflag:s18] =	ssyncadd.s32 $0xFFFFB180  }
0x2c: {  	_ =	swait.ge [sflag:s19], $0x2000  }
0x2d: {  	[sflag:s19] =	ssyncset.done $0x0  }
0x2e: {  	[sflag:s19] =	ssyncadd.s32 $0xFFFFE000  }
0x2f: {  	_ =	swait.ge [sflag:s19], $0x2000  }
0x30: {  	[sflag:s19] =	ssyncset.done $0x0  }
0x31: {  	[sflag:s19] =	ssyncadd.s32 $0xFFFFE000  }
0x32: {  	_ =	swait.ge [sflag:s19], $0x2000  }
0x33: {  	[sflag:s19] =	ssyncset.done $0x0  }
0x34: {  	[sflag:s19] =	ssyncadd.s32 $0xFFFFE000  }
0x35: {  	_ =	swait.ge [sflag:s19], $0x2000  }
0x36: {  	[sflag:s19] =	ssyncset.done $0x0  }
0x37: {  	[sflag:s19] =	ssyncadd.s32 $0xFFFFE000  }
0x38: {  	_ =	swait.ge [sflag:s19], $0x2000  }
0x39: {  	[sflag:s19] =	ssyncset.done $0x0  }
0x3a: {  	[sflag:s19] =	ssyncadd.s32 $0xFFFFE000  }
0x3b: {  	[bflag:$0x0] =	sbarrier.arrive $0xFFFF  }
0x3c: {  	[tilespmem:s21], [sflag:$0x1] =	stream.indirect.gather [hbm4b:s13+s20], $0x40, s3, s20, $0xb8;
	[tilespmem:$0x1DD00] =	vst v63  }
0x3d: {  	s23 =	simm.s32 $0xBD00  }
0x3e: {  	[tilespmem:s23], [sflag:$0x1] =	stream.indirect.gather [hbm4b:s13+s20], $0x40, s20, s20, $0xb8;
	[tilespmem:$0x1DD00] =	vst v63  }
0x3f: {  	s1 =	simm.s32 $0x100  }
0x40: {  	[tilespmem:s24], [sflag:$0x1] =	stream.indirect.gather [hbm4b:s13+s20], $0x40, s1, s20, $0xb8;
	[tilespmem:$0x1DD00] =	vst v63  }
0x41: {  	_ =	swait.ge [sflag:s18], $0x2000  }
0x42: {  	[sflag:s18] =	ssyncset.done $0x0  }
0x43: {  	[sflag:s18] =	ssyncadd.s32 $0xFFFFE000  }
0x44: {  	[spmem:s2] =	stream.indirect.scatter.add.f32 [tilespmem:s21], [sflag:$0x2], $0x40, s16, s20, $0xb8;
	[tilespmem:$0x1DD00] =	vst v63  }
0x45: {  	s0 =	simm.s32 @p0 $0x80;
	s22 =	simm.s32 @p0 $0xFD00;
	s1 =	simm.s32 @p0 $0x180  }
0x46: {  	[tilespmem:s22], [sflag:$0x1] =	stream.indirect.gather @p0 [hbm4b:s4+s0], $0x40, s1, s0, $0xb8;
	[tilespmem:$0x1DD00] =	vst v63  }
0x47: {  	s0 =	simm.s32 @!p0 $0x80;
	s1 =	simm.s32 @!p0 $0x180;
	s22 =	simm.s32 @!p0 $0xFD00  }
0x48: {  	[tilespmem:s22], [sflag:$0x1] =	stream.indirect.gather @!p0 [hbm4b:s5+s0], $0x40, s1, s0, $0xb8;
	[tilespmem:$0x1DD00] =	vst v63  }
0x49: {  	s28 =	simm.s32 $0x20000;
	s29 =	simm.s32 $0x200;
	s22 =	simm.s32 $0x8000  }
0x4a: {  	s30 =	simm.s32 $0x2;
	s0 =	sand.u32 $0x18000, s22;
	_ =	swait.ge [sflag:s18], $0x2000  }
0x4b: {  	p1 =	por $0x0, $0x0;
	s0 =	sshrl.u32 s0, $0x2;
	[sflag:s18] =	ssyncset.done $0x0  }
0x4c: {  	s23 =	simm.s32 $0x4F00;
	s0 =	sor.u32 $0x9D00, s0;
	[sflag:s18] =	ssyncadd.s32 $0xFFFFE000  }
0x4d: {  	[spmem:s2] =	stream.indirect.scatter.add.f32 [tilespmem:s0], [sflag:$0x2], $0x40, s23, s20, $0xb8;
	[tilespmem:$0x1DD00] =	vst v63  }
0x4e: {  	s31 =	simm.s32 $0x4F80;
	s1 =	simm.s32 @!p1 $0x2;
	s0 =	sand.u32 @!p1 $0x18000, s28  }
0x4f: {  	s23 =	simm.s32 @!p1 $0x80;
	_ =	swait.ge @!p1 [sflag:s1], $0x2000;
	s22 =	sshrl.u32 @!p1 s0, $0x2  }
0x50: {  	s0 =	simm.s32 $0x280;
	[sflag:s1] =	ssyncset.done @!p1 $0x0;
	s22 =	sor.u32 @!p1 $0x9D00, s22  }
.LBB2_4:
0x51: {  	[sflag:s1] =	ssyncadd.s32 @!p1 $0xFFFFE000  }
0x52: {  	s28 =	sadd.s32 $0x8000, s28;
	s1 =	smov.u32 s30;
	s30 =	sadd.s32 $0x1, s30  }
0x53: {  	[tilespmem:s22], [sflag:$0x1] =	stream.indirect.gather @!p1 [hbm4b:s13+s23], $0x40, s29, s23, $0xb8;
	[tilespmem:$0x1DD00] =	vst v63  }
0x54: {  	p2 =	sne.s32 s30, $0x9D;
	s29 =	smov.u32 s0  }
0x55: {  	s22 =	sadd.s32 $0xFFFE8000, s28  }
0x56: {  	s22 =	sand.u32 $0x18000, s22;
	_ =	swait.ge [sflag:s18], $0x2000  }
0x57: {  	p1 =	sgt.u32 s1, $0x99;
	s22 =	sshrl.u32 s22, $0x2;
	[sflag:s18] =	ssyncset.done $0x0  }
.Ltmp1:
0x58: {  	s22 =	sor.u32 $0x9D00, s22;
	[sflag:s18] =	ssyncadd.s32 $0xFFFFE000;
	(pc) =	sbr.rel @p2 .LBB2_4-.Ltmp1, $4  }
0x59: {  	[spmem:s2] =	stream.indirect.scatter.add.f32 [tilespmem:s22], [sflag:$0x2], $0x40, s31, s20, $0xb8;
	[tilespmem:$0x1DD00] =	vst v63  }
0x5a: {  	s1 =	simm.s32 @!p1 $0x2;
	s22 =	sand.u32 @!p1 $0x18000, s28;
	s31 =	sadd.s32 $0x80, s31  }
0x5b: {  	s0 =	sadd.s32 $0x80, s0;
	s22 =	sshrl.u32 @!p1 s22, $0x2;
	_ =	swait.ge @!p1 [sflag:s1], $0x2000  }
0x5c: {  	s23 =	simm.s32 @!p1 $0x80;
	s22 =	sor.u32 @!p1 $0x9D00, s22;
	[sflag:s1] =	ssyncset.done @!p1 $0x0  }
0x5d: {  	[sflag:s1] =	ssyncadd.s32 @!p1 $0xFFFFE000  }
0x5e: {  	[tilespmem:s22], [sflag:$0x1] =	stream.indirect.gather @!p1 [hbm4b:s13+s23], $0x40, s29, s23, $0xb8;
	[tilespmem:$0x1DD00] =	vst v63  }
0x5f: {  	_ =	swait.ge [sflag:s19], $0x2000  }
0x60: {  	[sflag:s19] =	ssyncset.done $0x0  }
0x61: {  	[sflag:s19] =	ssyncadd.s32 $0xFFFFE000  }
0x62: {  	_ =	swait.ge [sflag:s19], $0x2000  }
0x63: {  	[sflag:s19] =	ssyncset.done $0x0  }
0x64: {  	[sflag:s19] =	ssyncadd.s32 $0xFFFFE000  }
0x65: {  	_ =	swait.ge [sflag:s19], $0x2000  }
0x66: {  	[sflag:s19] =	ssyncset.done $0x0  }
0x67: {  	[sflag:s19] =	ssyncadd.s32 $0xFFFFE000  }
0x68: {  	s0 =	stileid.u32;
	_ =	swait.ge [sflag:s19], $0x2000  }
0x69: {  	s31 =	sshrl.u32 s8, $0x3;
	s26 =	sadd.s32 $0x1, s26;
	[sflag:s19] =	ssyncset.done $0x0  }
0x6a: {  	s0 =	sshll.u32 s0, $0x6;
	p1 =	sne.s32 s26, s14;
	[sflag:s19] =	ssyncadd.s32 $0xFFFFE000  }
.Ltmp2:
0x6b: {  	s0 =	sor.u32 $0x1C03, s0;
	[bflag:$0x0] =	sbarrier.arrive $0xFFFF;
	(pc) =	sbr.rel @p1 .LBB2_1-.Ltmp2, $4  }
0x6c: {  	[hbm:s15], [sflag:s0] =	dma.local [spmem:s31], $0x1400  }
0x6d: {  	_ =	swait.ge [sflag:s25], $0x1400  }
0x6e: {  	[sflag:s25] =	ssyncset.done $0x0  }
0x6f: {  	[sflag:s25] =	ssyncadd.s32 $0xFFFFEC00  }
0x70: {  	_ =	sfence.sel $0x180000  }
0x71: {  	[bflag:$0x0] =	sbarrier.arrive $0xFFFF  }
0x72: {  	_ =	strace $0x9000004A  }
0x73: {  	s0 =	stileid.u32;
	[bflag:$0x2] =	sbarrier.arrive $0xFFFF  }
0x74: {  	p0 =	sne.s32 s0, $0x0;
	s0 =	rddreg [dreg:$0x3]  }
0x75: {  	s0 =	sadd.s32 @!p0 $0x100000, s0  }
0x76: {  	[sflag:s0] =	ssyncadd.tile.s32 @!p0 $0x1;
	_ =	shalt  }
.Lfunc_end2:
_tile_overlayer_lowered:
.L_overlay_start_2:
0x77: {  	(tag) =	ssettag $0x2  }
0x78: {  	s0 =	rddreg [dreg:$0x0];
	s2 =	stileid.u32  }
0x79: {  	s1 =	rddreg [dreg:$0x1];
	p0 =	sne.s32 s2, $0x0  }
0x7a: {  	s3 =	rddreg [dreg:$0x2];
	[bflag:$0x3] =	sbarrier.arrive $0xFFFF;
	s2 =	simm.s32 @!p0 $0x1C03  }
0x7b: {  	[timem:s3], [sflag:s2] =	dma.local @!p0 [hbm:s0], s1  }
0x7c: {  	s0 =	simm.s32 @!p0 $0x3  }
0x7d: {  	_ =	swait.ge @!p0 [sflag:s0], s1  }
0x7e: {  	s1 =	ssub.s32 @!p0 $0x0, s1;
	[sflag:s0] =	ssyncset.done @!p0 $0x0  }
0x7f: {  	[sflag:s0] =	ssyncadd.s32 @!p0 s1  }
0x80: {  	[bflag:$0x3] =	sbarrier.arrive $0xFFFF  }
0x81: {  	_ =	shalt  }

// kernel: kernel.14.cloned.1.call-start
scs
__scs_entry_jumppad:
0x0: {  	(pc) =	sbr.rel $0x88, $3  }
0x1: {  	(tag) =	ssettag $0x0;
	lr =	simm.s32 $0x1  }
0x2: {  	[smem:$0x3F99] =	sst lr;
	_ =	strace $0xD0000000  }
0x3: {  	_ = 	snop  }
0x4: {  	_ = 	snop  }
0x5: {  	_ = 	snop  }
0x6: {  	_ = 	snop  }
0x7: {  	_ = 	snop  }
__scs_overlays_trampoline_lowered:
0x8: {  	[smem:$0x3FA8] =	sst s0  }
0x9: {  	[smem:$0x3FA9] =	sst s1  }
0xa: {  	[smem:$0x3FAA] =	sst s2  }
0xb: {  	[smem:$0x3FAB] =	sst s3  }
0xc: {  	[smem:$0x3FAC] =	sst s4  }
0xd: {  	[smem:$0x3FAD] =	sst s5  }
0xe: {  	[smem:$0x3FAE] =	sst s6  }
0xf: {  	[smem:$0x3FAF] =	sst s7  }
0x10: {  	[smem:$0x3FB0] =	sst s8  }
0x11: {  	[smem:$0x3FB1] =	sst s9;
	s0 =	simm.s32 @!p0 $0x0  }
0x12: {  	s1 =	sld [smem:$0x3F97];
	s0 =	simm.s32 @p0 $0x1  }
0x13: {  	[smem:$0x3FB2] =	sst s0;
	s0 =	simm.s32 @!p1 $0x0  }
0x14: {  	s2 =	sld [smem:$0x3F96];
	s0 =	simm.s32 @p1 $0x1  }
0x15: {  	[smem:$0x3FB3] =	sst s0;
	s0 =	simm.s32 @!p2 $0x0  }
0x16: {  	s3 =	sld [smem:$0x3FDB];
	s0 =	simm.s32 @p2 $0x1  }
0x17: {  	s4 =	simm.s32 $0x1BF5;
	[smem:$0x3FB5] =	sst s0  }
0x18: {  	s0 =	sld [smem:$0x3F98];
	_ =	swait.ge [sflag:s4], $0x0  }
0x19: {  	s7 =	sld [smem:$0x3F99]  }
0x1a: {  	s8 =	sadd.s32 $0xFFFFE003, lr  }
0x1b: {  	s9 =	sadd.s32 $0xFFFFFEF7, lr;
	s5 =	simm.s32 $0xFFFFFFFF;
	p2 =	slt.u32 s8, $0xFFFFF086  }
0x1c: {  	p1 =	slt.u32 s9, $0xF7A;
	s5 =	simm.s32 @!p2 $0x0  }
0x1d: {  	s5 =	simm.s32 @p1 $0x1;
	p0 =	seq.s32 s7, s2  }
0x1e: {  	s7 =	smul.u32 @!p0 $0xF7A, s2;
	p2 =	seq.s32 @!p0 s5, $0x0  }
0x1f: {  	s9 =	smul.u32 $0xF7A, s1;
	s8 =	simm.s32 @!p0 $0x1BF5;
	p2 =	por !p2, p0  }
0x20: {  	[sflag:s8] =	ssyncset.s32 @!p0 $0xFFFFF086;
	s6 =	sadd.s32 @!p0 s3, s7;
	s7 =	simm.s32 @!p0 $0x108  }
0x21: {  	s3 =	sadd.s32 s3, s9;
	s6 =	sadd.s32 @!p0 $0x88, s6;
	s7 =	simm.s32 @p2 $0x1082  }
0x22: {  	[simem:s7], [sflag:s8] =	dma.local @!p0 [hbm:s6], $0xF7A  }
0x23: {  	s9 =	sor.u32 $0xD0000000, s2;
	s6 =	simm.s32 $0x108;
	_ =	swait.ge @!p0 [sflag:s8], $0x0  }
0x24: {  	s3 =	sadd.s32 $0x88, s3;
	s6 =	simm.s32 @!p1 $0x1082;
	[sflag:s4] =	ssyncset.s32 $0xFFFFF086  }
0x25: {  	[simem:s6], [sflag:s4] =	dma.local [hbm:s3], $0xF7A  }
0x26: {  	[smem:$0x3F99] =	sst s1;
	(tag) =	ssettag s2;
	_ =	strace s9  }
0x27: {  	s1 =	sld [smem:$0x3FA9]  }
0x28: {  	s2 =	sld [smem:$0x3FAA]  }
0x29: {  	s4 =	sld [smem:$0x3FAC]  }
0x2a: {  	p0 =	seq.s32 s5, $0x0;
	s5 =	sld [smem:$0x3FAD]  }
0x2b: {  	s6 =	sld [smem:$0x3FAE]  }
0x2c: {  	s7 =	sld [smem:$0x3FAF]  }
0x2d: {  	s3 =	simm.s32 $0x108;
	s8 =	sld [smem:$0x3FB0]  }
0x2e: {  	s3 =	simm.s32 @!p0 $0x1082;
	s9 =	sld [smem:$0x3FB1]  }
0x2f: {  	lr =	sadd.s32 s0, s3;
	s0 =	sld [smem:$0x3FA8]  }
0x30: {  	s3 =	sld [smem:$0x3FAB]  }
0x31: {  	[smem:$0x3FB4] =	sst s10  }
0x32: {  	s10 =	sld [smem:$0x3FB2];
	_ =	sdelay $0x3  }
0x33: {  	p0 =	seq.s32 s10, $0x1;
	s10 =	sld [smem:$0x3FB4];
	_ =	sdelay $0x3  }
0x34: {  	[smem:$0x3FB4] =	sst s10  }
0x35: {  	s10 =	sld [smem:$0x3FB3];
	_ =	sdelay $0x3  }
0x36: {  	p1 =	seq.s32 s10, $0x1;
	s10 =	sld [smem:$0x3FB4];
	_ =	sdelay $0x3  }
0x37: {  	[smem:$0x3FB4] =	sst s10  }
0x38: {  	s10 =	sld [smem:$0x3FB5]  }
0x39: {  	_ = 	snop;
	(pc) =	sbr.ind lr, $3  }
0x3a: {  	_ = 	snop  }
0x3b: {  	_ = 	snop  }
0x3c: {  	p2 =	seq.s32 s10, $0x1;
	s10 =	sld [smem:$0x3FB4]  }
0x3d: {  	_ =	shalt  }
0x3e: {  	_ =	shalt  }
0x3f: {  	_ =	shalt  }
0x40: {  	_ =	shalt  }
0x41: {  	_ =	shalt  }
0x42: {  	_ =	shalt  }
0x43: {  	_ =	shalt  }
0x44: {  	_ =	shalt  }
0x45: {  	_ =	shalt  }
0x46: {  	_ =	shalt  }
0x47: {  	_ =	shalt  }
0x48: {  	_ =	shalt  }
0x49: {  	_ =	shalt  }
0x4a: {  	_ =	shalt  }
0x4b: {  	_ =	shalt  }
0x4c: {  	_ =	shalt  }
0x4d: {  	_ =	shalt  }
0x4e: {  	_ =	shalt  }
0x4f: {  	_ =	shalt  }
0x50: {  	_ =	shalt  }
0x51: {  	_ =	shalt  }
0x52: {  	_ =	shalt  }
0x53: {  	_ =	shalt  }
0x54: {  	_ =	shalt  }
0x55: {  	_ =	shalt  }
0x56: {  	_ =	shalt  }
0x57: {  	_ =	shalt  }
0x58: {  	_ =	shalt  }
0x59: {  	_ =	shalt  }
0x5a: {  	_ =	shalt  }
0x5b: {  	_ =	shalt  }
0x5c: {  	_ =	shalt  }
0x5d: {  	_ =	shalt  }
0x5e: {  	_ =	shalt  }
0x5f: {  	_ =	shalt  }
0x60: {  	_ =	shalt  }
0x61: {  	_ =	shalt  }
0x62: {  	_ =	shalt  }
0x63: {  	_ =	shalt  }
0x64: {  	_ =	shalt  }
0x65: {  	_ =	shalt  }
0x66: {  	_ =	shalt  }
0x67: {  	_ =	shalt  }
0x68: {  	_ =	shalt  }
0x69: {  	_ =	shalt  }
0x6a: {  	_ =	shalt  }
0x6b: {  	_ =	shalt  }
0x6c: {  	_ =	shalt  }
0x6d: {  	_ =	shalt  }
0x6e: {  	_ =	shalt  }
0x6f: {  	_ =	shalt  }
0x70: {  	_ =	shalt  }
0x71: {  	_ =	shalt  }
0x72: {  	_ =	shalt  }
0x73: {  	_ =	shalt  }
0x74: {  	_ =	shalt  }
0x75: {  	_ =	shalt  }
0x76: {  	_ =	shalt  }
0x77: {  	_ =	shalt  }
0x78: {  	_ =	shalt  }
0x79: {  	_ =	shalt  }
0x7a: {  	_ =	shalt  }
0x7b: {  	_ =	shalt  }
0x7c: {  	_ =	shalt  }
0x7d: {  	_ =	shalt  }
0x7e: {  	_ =	shalt  }
0x7f: {  	_ =	shalt  }
0x80: {  	_ =	shalt  }
0x81: {  	_ =	shalt  }
0x82: {  	_ =	shalt  }
0x83: {  	_ =	shalt  }
0x84: {  	_ =	shalt  }
0x85: {  	_ =	shalt  }
0x86: {  	_ =	shalt  }
0x87: {  	_ =	shalt  }
.Lfunc_end0:
.L_simem_size_0:
called_computation.2_lowered:
.L_overlay_start_0:
0x88: {  	s2 =	sld [smem:$0x3FD9]  }
0x89: {  	s3 =	sld [smem:$0x3FFE];
	_ =	sdelay $0x1  }
0x8a: {  	s1 =	srdreg.scid  }
0x8b: {  	s0 =	sand.u32 $0x1, s1  }
0x8c: {  	s17 =	sshll.u32 s0, $0xA;
	s2 =	sadd.s32 s3, s2  }
0x8d: {  	s2 =	sadd.s32 s2, s17  }
0x8e: {  	[smem:$0x3FC0] =	sst s2  }
0x8f: {  	_ = 	snop  }
0x90: {  	s2 =	sld [smem:$0x3FD0];
	(tm) =	ssettm $0x1  }
0x91: {  	s18 =	sld [smem:$0x3FFB];
	_ =	sdelay $0x3  }
0x92: {  	_ =	strace s18  }
0x93: {  	s3 =	sld [smem:$0x3FFC];
	_ =	sdelay $0x3  }
0x94: {  	_ =	strace s3  }
0x95: {  	s3 =	sld [smem:$0x3FFD];
	_ =	sdelay $0x3  }
0x96: {  	_ =	strace s3  }
0x97: {  	_ =	strace $0x8FFFFFFF  }
0x98: {  	s19 =	sld [smem:$0x3FDB];
	_ =	sdelay $0x1  }
0x99: {  	s4 =	simm.s32 $_scs_section_size  }
0x9a: {  	s5 =	simm.s32 $_size__tile_overlayer_lowered;
	s6 =	simm.s32 $_tile_overlayer_lowered  }
0x9b: {  	s22 =	simm.s32 $0x1BFF;
	s21 =	sshll.u32 s6, $0x1;
	s3 =	sadd.s32 s4, s19  }
0x9c: {  	s7 =	simm.s32 $0x0;
	s20 =	sshll.u32 s5, $0x1;
	s5 =	sadd.s32 s21, s3  }
0x9d: {  	[timem:s7], [sflag:s22] =	dma.local [hbm:s5], s20  }
0x9e: {  	_ =	swait.ge [sflag:s22], s20  }
0x9f: {  	s4 =	ssub.s32 $0x0, s20;
	[sflag:s22] =	ssyncset.done $0x0  }
0xa0: {  	[sflag:s22] =	ssyncadd.s32 s4;
	_ =	sdelay $0x1  }
0xa1: {  	s23 =	simm.s32 $0x1B8B  }
0xa2: {  	_ =	swait.ge [sflag:s23], $0x1  }
0xa3: {  	[sflag:s23] =	ssyncset.done $0x0  }
0xa4: {  	s25 =	simm.s32 $0x1B8E;
	s24 =	sld [smem:$0x3FFE];
	[sflag:s23] =	ssyncadd.s32 $0xFFFFFFFF  }
0xa5: {  	s26 =	simm.s32 $execute0_lowered;
	[smem:$0x3FD2] =	sst s25  }
0xa6: {  	s5 =	sshll.u32 s26, $0x1;
	_ =	strace $0x8000004C;
	[dreg:$0x1] =	wrdreg $0xFFFFFFFF  }
0xa7: {  	s28 =	simm.s32 $_size_execute0_lowered;
	s3 =	sadd.s32 s3, s5;
	[dreg:$0x0] =	wrdreg $0x0  }
0xa8: {  	s5 =	sshll.u32 s28, $0x1;
	[dreg:$0x2] =	wrdreg s3  }
0xa9: {  	[dreg:$0x3] =	wrdreg s5  }
0xaa: {  	[dreg:$0x4] =	wrdreg $0xC0  }
0xab: {  	_ =	task [dreg:s7], $0x5FFFF  }
0xac: {  	[dreg:$0x1] =	wrdreg $0xFFFFFFFF  }
0xad: {  	[dreg:$0x0] =	wrdreg $0x60  }
0xae: {  	[dreg:$0x2] =	wrdreg s24  }
0xaf: {  	[dreg:$0x3] =	wrdreg s2  }
0xb0: {  	[dreg:$0x4] =	wrdreg $0x13D000  }
0xb1: {  	[dreg:$0x5] =	wrdreg $0x9  }
0xb2: {  	_ =	task.clear_ibuf [dreg:s7], $0x6FFFF;
	_ =	strace $0x9000004C  }
0xb3: {  	s29 =	simm.s32 $0x9;
	_ =	strace $0x8000004E  }
0xb4: {  	_ =	swait.ge [sflag:s29], $0x1  }
0xb5: {  	[sflag:s29] =	ssyncadd.s32 $0xFFFFFFFF  }
0xb6: {  	_ =	strace $0x9000004E  }
0xb7: {  	_ =	sfence  }
0xb8: {  	s30 =	sld [smem:$0x0];
	_ =	sdelay $0x2  }
0xb9: {  	s31 =	sshll.u32 s1, $0xD;
	s1 =	sshrl.u32 s1, $0x2  }
0xba: {  	s3 =	sand.u32 $0x4000, s31;
	s1 =	sadd.s32 s1, s30  }
0xbb: {  	s0 =	sor.u32 s3, s0;
	s1 =	sshll.u32 s1, $0x11  }
0xbc: {  	s0 =	sor.u32 s1, s0  }
0xbd: {  	s0 =	sadd.s32 $0x8F2B, s0  }
0xbe: {  	[sflag:s0] =	ssyncadd.remote.s32 $0x1  }
0xbf: {  	_ =	sfence.sel $0xFFFF  }
0xc0: {  	[dreg:$0x0] =	wrdreg $0xFFFFFFFF;
	(pc) =	sbr.abs _section_cstart, $3  }
0xc1: {  	[dreg:$0x1] =	wrdreg $0xFFFFFFFF  }
0xc2: {  	_ =	task.clear_ibuf [dreg:s7], $0x2FFFF;
	_ =	strace $0x9FFFFFFF  }
0xc3: {  	(tm) =	ssettm $0x7FFFFFFF  }
tec
execute0_lowered:
.L_overlay_start_1:
0x0: {  	(tag) =	ssettag $0x1  }
0x1: {  	s0 =	rddreg [dreg:$0x0]  }
0x2: {  	s1 =	rddreg [dreg:$0x1]  }
0x3: {  	s2 =	rddreg [dreg:$0x2];
	s3 =	simm.s32 $0x0;
	s10 =	stileid.u32  }
0x4: {  	s7 =	srdreg.scid;
	s17 =	simm.s32 $0x11D00;
	s18 =	simm.s32 $0x1  }
0x5: {  	s19 =	simm.s32 $0x2;
	s20 =	simm.s32 $0x80;
	s21 =	simm.s32 $0x9D00  }
0x6: {  	s24 =	simm.s32 $0xDD00;
	s25 =	simm.s32 $0x3;
	s26 =	simm.s32 $0x0  }
0x7: {  	[smem:$0x7FF] =	sst s3;
	s6 =	smul.u32 $0x9D0, s10;
	s4 =	sadd.s32 $0x3A00, s0  }
0x8: {  	s5 =	sadd.s32 $0x17400, s0;
	s13 =	sand.u32 $0x1, s7;
	s8 =	smul.u32 $0x28000, s10  }
0x9: {  	s14 =	smul.u32 $0xA000, s10;
	_ =	strace $0x8000004D;
	s30 =	ssub.s32 $0x2, s13  }
0xa: {  	p0 =	seq.s32 s13, $0x0;
	s13 =	smov.u32 s5;
	s29 =	sadd.s32 s6, s0  }
0xb: {  	s0 =	sadd.s32 $0x3EA00, s0;
	s9 =	sshrl.u32 s30, $0x1;
	s31 =	sshrl.u32 s8, $0x2  }
0xc: {  	s8 =	sadd.s32 s14, s2;
	s16 =	sshrl.u32 s14, $0x3;
	s13 =	smov.u32 @p0 s4  }
0xd: {  	s15 =	ssub.s32 s30, s9;
	s6 =	sadd.s32 $0x34C00, s29;
	s12 =	sadd.s32 s31, s2  }
0xe: {  	s7 =	sadd.s32 $0x2AE00, s29;
	s0 =	smov.u32 @p0 s1;
	s9 =	sadd.s32 $0x2000, s12  }
0xf: {  	s10 =	sadd.s32 $0x4000, s12;
	s11 =	sadd.s32 $0x6000, s12;
	s12 =	sadd.s32 $0x8000, s12  }
0x10: {  	v0 =	vimm.f32 $0.0e+00;
	s14 =	smax.u32 s15, $0x1;
	s15 =	sadd.s32 s0, s16;
	s16 =	simm.s32 $0x4E80  }
.LBB2_1:
0x11: {  	[tilespmem:s3], [sflag:$0x1] =	stream.linear.gather [hbm4b:s6+s3], $0x4E80, $0x38;
	[tilespmem:$0x1DD00] =	vst v63  }
0x12: {  	s1 =	simm.s32 $0x100;
	s0 =	simm.s32 $0x0  }
0x13: {  	[tilespmem:s16], [sflag:$0x1] =	stream.linear.gather [hbm4b:s7+s3], $0x4E80, $0x38;
	[tilespmem:$0x1DD00] =	vst v63  }
.LBB2_2:
0x14: {  	p1 =	sne.s32 s1, $0x7F00;
	[tilespmem:s0+$0x11D30] =	vst v0;
	s22 =	smov.u32 s1;
	s1 =	sadd.s32 $0x100, s1  }
.Ltmp0:
0x15: {  	[tilespmem:s0+$0x11D20] =	vst v0;
	(pc) =	sbr.rel @p1 .LBB2_2-.Ltmp0, $3  }
0x16: {  	[tilespmem:s0+$0x11D00] =	vst v0  }
0x17: {  	[tilespmem:s0+$0x11D10] =	vst v0;
	_ =	sdelay $0x1  }
0x18: {  	s0 =	sshra.s32 s22, $0x2  }
0x19: {  	[tilespmem:s0+$0x11D30] =	vst v0  }
0x1a: {  	[tilespmem:s0+$0x11D20] =	vst v0  }
0x1b: {  	[tilespmem:s0+$0x11D00] =	vst v0  }
0x1c: {  	[tilespmem:s0+$0x11D10] =	vst v0  }
0x1d: {  	[spmem:s8] =	stream.linear.scatter [tilespmem:s17], [sflag:$0x2], $0x2000, $0x38;
	[tilespmem:$0x1DD00] =	vst v63  }
0x1e: {  	_ = 	snop  }
0x1f: {  	[spmem:s9] =	stream.linear.scatter [tilespmem:s17], [sflag:$0x2], $0x2000, $0x38;
	[tilespmem:$0x1DD00] =	vst v63  }
0x20: {  	_ = 	snop  }
0x21: {  	[spmem:s10] =	stream.linear.scatter [tilespmem:s17], [sflag:$0x2], $0x2000, $0x38;
	[tilespmem:$0x1DD00] =	vst v63  }
0x22: {  	_ = 	snop  }
0x23: {  	[spmem:s11] =	stream.linear.scatter [tilespmem:s17], [sflag:$0x2], $0x2000, $0x38;
	[tilespmem:$0x1DD00] =	vst v63  }
0x24: {  	_ = 	snop  }
0x25: {  	[spmem:s12] =	stream.linear.scatter [tilespmem:s17], [sflag:$0x2], $0x2000, $0x38;
	[tilespmem:$0x1DD00] =	vst v63  }
0x26: {  	_ =	swait.ge [sflag:s18], $0x4E80  }
0x27: {  	[sflag:s18] =	ssyncset.done $0x0  }
0x28: {  	[sflag:s18] =	ssyncadd.s32 $0xFFFFB180  }
0x29: {  	_ =	swait.ge [sflag:s18], $0x4E80  }
0x2a: {  	[sflag:s18] =	ssyncset.done $0x0  }
0x2b: {  	[sflag:s18] =	ssyncadd.s32 $0xFFFFB180  }
0x2c: {  	_ =	swait.ge [sflag:s19], $0x2000  }
0x2d: {  	[sflag:s19] =	ssyncset.done $0x0  }
0x2e: {  	[sflag:s19] =	ssyncadd.s32 $0xFFFFE000  }
0x2f: {  	_ =	swait.ge [sflag:s19], $0x2000  }
0x30: {  	[sflag:s19] =	ssyncset.done $0x0  }
0x31: {  	[sflag:s19] =	ssyncadd.s32 $0xFFFFE000  }
0x32: {  	_ =	swait.ge [sflag:s19], $0x2000  }
0x33: {  	[sflag:s19] =	ssyncset.done $0x0  }
0x34: {  	[sflag:s19] =	ssyncadd.s32 $0xFFFFE000  }
0x35: {  	_ =	swait.ge [sflag:s19], $0x2000  }
0x36: {  	[sflag:s19] =	ssyncset.done $0x0  }
0x37: {  	[sflag:s19] =	ssyncadd.s32 $0xFFFFE000  }
0x38: {  	_ =	swait.ge [sflag:s19], $0x2000  }
0x39: {  	[sflag:s19] =	ssyncset.done $0x0  }
0x3a: {  	[sflag:s19] =	ssyncadd.s32 $0xFFFFE000  }
0x3b: {  	[bflag:$0x0] =	sbarrier.arrive $0xFFFF  }
0x3c: {  	[tilespmem:s21], [sflag:$0x1] =	stream.indirect.gather [hbm4b:s13+s20], $0x40, s3, s20, $0xb8;
	[tilespmem:$0x1DD00] =	vst v63  }
0x3d: {  	s23 =	simm.s32 $0xBD00  }
0x3e: {  	[tilespmem:s23], [sflag:$0x1] =	stream.indirect.gather [hbm4b:s13+s20], $0x40, s20, s20, $0xb8;
	[tilespmem:$0x1DD00] =	vst v63  }
0x3f: {  	s1 =	simm.s32 $0x100  }
0x40: {  	[tilespmem:s24], [sflag:$0x1] =	stream.indirect.gather [hbm4b:s13+s20], $0x40, s1, s20, $0xb8;
	[tilespmem:$0x1DD00] =	vst v63  }
0x41: {  	_ =	swait.ge [sflag:s18], $0x2000  }
0x42: {  	[sflag:s18] =	ssyncset.done $0x0  }
0x43: {  	[sflag:s18] =	ssyncadd.s32 $0xFFFFE000  }
0x44: {  	[spmem:s2] =	stream.indirect.scatter.add.f32 [tilespmem:s21], [sflag:$0x2], $0x40, s16, s20, $0xb8;
	[tilespmem:$0x1DD00] =	vst v63  }
0x45: {  	s0 =	simm.s32 @p0 $0x80;
	s22 =	simm.s32 @p0 $0xFD00;
	s1 =	simm.s32 @p0 $0x180  }
0x46: {  	[tilespmem:s22], [sflag:$0x1] =	stream.indirect.gather @p0 [hbm4b:s4+s0], $0x40, s1, s0, $0xb8;
	[tilespmem:$0x1DD00] =	vst v63  }
0x47: {  	s0 =	simm.s32 @!p0 $0x80;
	s1 =	simm.s32 @!p0 $0x180;
	s22 =	simm.s32 @!p0 $0xFD00  }
0x48: {  	[tilespmem:s22], [sflag:$0x1] =	stream.indirect.gather @!p0 [hbm4b:s5+s0], $0x40, s1, s0, $0xb8;
	[tilespmem:$0x1DD00] =	vst v63  }
0x49: {  	s28 =	simm.s32 $0x20000;
	s29 =	simm.s32 $0x200;
	s22 =	simm.s32 $0x8000  }
0x4a: {  	s30 =	simm.s32 $0x2;
	s0 =	sand.u32 $0x18000, s22;
	_ =	swait.ge [sflag:s18], $0x2000  }
0x4b: {  	p1 =	por $0x0, $0x0;
	s0 =	sshrl.u32 s0, $0x2;
	[sflag:s18] =	ssyncset.done $0x0  }
0x4c: {  	s23 =	simm.s32 $0x4F00;
	s0 =	sor.u32 $0x9D00, s0;
	[sflag:s18] =	ssyncadd.s32 $0xFFFFE000  }
0x4d: {  	[spmem:s2] =	stream.indirect.scatter.add.f32 [tilespmem:s0], [sflag:$0x2], $0x40, s23, s20, $0xb8;
	[tilespmem:$0x1DD00] =	vst v63  }
0x4e: {  	s31 =	simm.s32 $0x4F80;
	s1 =	simm.s32 @!p1 $0x2;
	s0 =	sand.u32 @!p1 $0x18000, s28  }
0x4f: {  	s23 =	simm.s32 @!p1 $0x80;
	_ =	swait.ge @!p1 [sflag:s1], $0x2000;
	s22 =	sshrl.u32 @!p1 s0, $0x2  }
0x50: {  	s0 =	simm.s32 $0x280;
	[sflag:s1] =	ssyncset.done @!p1 $0x0;
	s22 =	sor.u32 @!p1 $0x9D00, s22  }
.LBB2_4:
0x51: {  	[sflag:s1] =	ssyncadd.s32 @!p1 $0xFFFFE000  }
0x52: {  	s28 =	sadd.s32 $0x8000, s28;
	s1 =	smov.u32 s30;
	s30 =	sadd.s32 $0x1, s30  }
0x53: {  	[tilespmem:s22], [sflag:$0x1] =	stream.indirect.gather @!p1 [hbm4b:s13+s23], $0x40, s29, s23, $0xb8;
	[tilespmem:$0x1DD00] =	vst v63  }
0x54: {  	p2 =	sne.s32 s30, $0x9D;
	s29 =	smov.u32 s0  }
0x55: {  	s22 =	sadd.s32 $0xFFFE8000, s28  }
0x56: {  	s22 =	sand.u32 $0x18000, s22;
	_ =	swait.ge [sflag:s18], $0x2000  }
0x57: {  	p1 =	sgt.u32 s1, $0x99;
	s22 =	sshrl.u32 s22, $0x2;
	[sflag:s18] =	ssyncset.done $0x0  }
.Ltmp1:
0x58: {  	s22 =	sor.u32 $0x9D00, s22;
	[sflag:s18] =	ssyncadd.s32 $0xFFFFE000;
	(pc) =	sbr.rel @p2 .LBB2_4-.Ltmp1, $4  }
0x59: {  	[spmem:s2] =	stream.indirect.scatter.add.f32 [tilespmem:s22], [sflag:$0x2], $0x40, s31, s20, $0xb8;
	[tilespmem:$0x1DD00] =	vst v63  }
0x5a: {  	s1 =	simm.s32 @!p1 $0x2;
	s22 =	sand.u32 @!p1 $0x18000, s28;
	s31 =	sadd.s32 $0x80, s31  }
0x5b: {  	s0 =	sadd.s32 $0x80, s0;
	s22 =	sshrl.u32 @!p1 s22, $0x2;
	_ =	swait.ge @!p1 [sflag:s1], $0x2000  }
0x5c: {  	s23 =	simm.s32 @!p1 $0x80;
	s22 =	sor.u32 @!p1 $0x9D00, s22;
	[sflag:s1] =	ssyncset.done @!p1 $0x0  }
0x5d: {  	[sflag:s1] =	ssyncadd.s32 @!p1 $0xFFFFE000  }
0x5e: {  	[tilespmem:s22], [sflag:$0x1] =	stream.indirect.gather @!p1 [hbm4b:s13+s23], $0x40, s29, s23, $0xb8;
	[tilespmem:$0x1DD00] =	vst v63  }
0x5f: {  	_ =	swait.ge [sflag:s19], $0x2000  }
0x60: {  	[sflag:s19] =	ssyncset.done $0x0  }
0x61: {  	[sflag:s19] =	ssyncadd.s32 $0xFFFFE000  }
0x62: {  	_ =	swait.ge [sflag:s19], $0x2000  }
0x63: {  	[sflag:s19] =	ssyncset.done $0x0  }
0x64: {  	[sflag:s19] =	ssyncadd.s32 $0xFFFFE000  }
0x65: {  	_ =	swait.ge [sflag:s19], $0x2000  }
0x66: {  	[sflag:s19] =	ssyncset.done $0x0  }
0x67: {  	[sflag:s19] =	ssyncadd.s32 $0xFFFFE000  }
0x68: {  	s0 =	stileid.u32;
	_ =	swait.ge [sflag:s19], $0x2000  }
0x69: {  	s31 =	sshrl.u32 s8, $0x3;
	s26 =	sadd.s32 $0x1, s26;
	[sflag:s19] =	ssyncset.done $0x0  }
0x6a: {  	s0 =	sshll.u32 s0, $0x6;
	p1 =	sne.s32 s26, s14;
	[sflag:s19] =	ssyncadd.s32 $0xFFFFE000  }
.Ltmp2:
0x6b: {  	s0 =	sor.u32 $0x1C03, s0;
	[bflag:$0x0] =	sbarrier.arrive $0xFFFF;
	(pc) =	sbr.rel @p1 .LBB2_1-.Ltmp2, $4  }
0x6c: {  	[hbm:s15], [sflag:s0] =	dma.local [spmem:s31], $0x1400  }
0x6d: {  	_ =	swait.ge [sflag:s25], $0x1400  }
0x6e: {  	[sflag:s25] =	ssyncset.done $0x0  }
0x6f: {  	[sflag:s25] =	ssyncadd.s32 $0xFFFFEC00  }
0x70: {  	_ =	sfence.sel $0x180000  }
0x71: {  	[bflag:$0x0] =	sbarrier.arrive $0xFFFF  }
0x72: {  	_ =	strace $0x9000004D  }
0x73: {  	s0 =	stileid.u32;
	[bflag:$0x2] =	sbarrier.arrive $0xFFFF  }
0x74: {  	p0 =	sne.s32 s0, $0x0;
	s0 =	rddreg [dreg:$0x3]  }
0x75: {  	s0 =	sadd.s32 @!p0 $0x100000, s0  }
0x76: {  	[sflag:s0] =	ssyncadd.tile.s32 @!p0 $0x1;
	_ =	shalt  }
.Lfunc_end2:
_tile_overlayer_lowered:
.L_overlay_start_2:
0x77: {  	(tag) =	ssettag $0x2  }
0x78: {  	s0 =	rddreg [dreg:$0x0];
	s2 =	stileid.u32  }
0x79: {  	s1 =	rddreg [dreg:$0x1];
	p0 =	sne.s32 s2, $0x0  }
0x7a: {  	s3 =	rddreg [dreg:$0x2];
	[bflag:$0x3] =	sbarrier.arrive $0xFFFF;
	s2 =	simm.s32 @!p0 $0x1C03  }
0x7b: {  	[timem:s3], [sflag:s2] =	dma.local @!p0 [hbm:s0], s1  }
0x7c: {  	s0 =	simm.s32 @!p0 $0x3  }
0x7d: {  	_ =	swait.ge @!p0 [sflag:s0], s1  }
0x7e: {  	s1 =	ssub.s32 @!p0 $0x0, s1;
	[sflag:s0] =	ssyncset.done @!p0 $0x0  }
0x7f: {  	[sflag:s0] =	ssyncadd.s32 @!p0 s1  }
0x80: {  	[bflag:$0x3] =	sbarrier.arrive $0xFFFF  }
0x81: {  	_ =	shalt  }

// kernel: kernel.8.cloned.1.call-start
scs
__scs_entry_jumppad:
0x0: {  	(pc) =	sbr.rel $0x88, $3  }
0x1: {  	(tag) =	ssettag $0x0;
	lr =	simm.s32 $0x1  }
0x2: {  	[smem:$0x3F99] =	sst lr;
	_ =	strace $0xD0000000  }
0x3: {  	_ = 	snop  }
0x4: {  	_ = 	snop  }
0x5: {  	_ = 	snop  }
0x6: {  	_ = 	snop  }
0x7: {  	_ = 	snop  }
__scs_overlays_trampoline_lowered:
0x8: {  	[smem:$0x3FA8] =	sst s0  }
0x9: {  	[smem:$0x3FA9] =	sst s1  }
0xa: {  	[smem:$0x3FAA] =	sst s2  }
0xb: {  	[smem:$0x3FAB] =	sst s3  }
0xc: {  	[smem:$0x3FAC] =	sst s4  }
0xd: {  	[smem:$0x3FAD] =	sst s5  }
0xe: {  	[smem:$0x3FAE] =	sst s6  }
0xf: {  	[smem:$0x3FAF] =	sst s7  }
0x10: {  	[smem:$0x3FB0] =	sst s8  }
0x11: {  	[smem:$0x3FB1] =	sst s9;
	s0 =	simm.s32 @!p0 $0x0  }
0x12: {  	s1 =	sld [smem:$0x3F97];
	s0 =	simm.s32 @p0 $0x1  }
0x13: {  	[smem:$0x3FB2] =	sst s0;
	s0 =	simm.s32 @!p1 $0x0  }
0x14: {  	s2 =	sld [smem:$0x3F96];
	s0 =	simm.s32 @p1 $0x1  }
0x15: {  	[smem:$0x3FB3] =	sst s0;
	s0 =	simm.s32 @!p2 $0x0  }
0x16: {  	s3 =	sld [smem:$0x3FDB];
	s0 =	simm.s32 @p2 $0x1  }
0x17: {  	s4 =	simm.s32 $0x1BF5;
	[smem:$0x3FB5] =	sst s0  }
0x18: {  	s0 =	sld [smem:$0x3F98];
	_ =	swait.ge [sflag:s4], $0x0  }
0x19: {  	s7 =	sld [smem:$0x3F99]  }
0x1a: {  	s8 =	sadd.s32 $0xFFFFE003, lr  }
0x1b: {  	s9 =	sadd.s32 $0xFFFFFEF7, lr;
	s5 =	simm.s32 $0xFFFFFFFF;
	p2 =	slt.u32 s8, $0xFFFFF086  }
0x1c: {  	p1 =	slt.u32 s9, $0xF7A;
	s5 =	simm.s32 @!p2 $0x0  }
0x1d: {  	s5 =	simm.s32 @p1 $0x1;
	p0 =	seq.s32 s7, s2  }
0x1e: {  	s7 =	smul.u32 @!p0 $0xF7A, s2;
	p2 =	seq.s32 @!p0 s5, $0x0  }
0x1f: {  	s9 =	smul.u32 $0xF7A, s1;
	s8 =	simm.s32 @!p0 $0x1BF5;
	p2 =	por !p2, p0  }
0x20: {  	[sflag:s8] =	ssyncset.s32 @!p0 $0xFFFFF086;
	s6 =	sadd.s32 @!p0 s3, s7;
	s7 =	simm.s32 @!p0 $0x108  }
0x21: {  	s3 =	sadd.s32 s3, s9;
	s6 =	sadd.s32 @!p0 $0x88, s6;
	s7 =	simm.s32 @p2 $0x1082  }
0x22: {  	[simem:s7], [sflag:s8] =	dma.local @!p0 [hbm:s6], $0xF7A  }
0x23: {  	s9 =	sor.u32 $0xD0000000, s2;
	s6 =	simm.s32 $0x108;
	_ =	swait.ge @!p0 [sflag:s8], $0x0  }
0x24: {  	s3 =	sadd.s32 $0x88, s3;
	s6 =	simm.s32 @!p1 $0x1082;
	[sflag:s4] =	ssyncset.s32 $0xFFFFF086  }
0x25: {  	[simem:s6], [sflag:s4] =	dma.local [hbm:s3], $0xF7A  }
0x26: {  	[smem:$0x3F99] =	sst s1;
	(tag) =	ssettag s2;
	_ =	strace s9  }
0x27: {  	s1 =	sld [smem:$0x3FA9]  }
0x28: {  	s2 =	sld [smem:$0x3FAA]  }
0x29: {  	s4 =	sld [smem:$0x3FAC]  }
0x2a: {  	p0 =	seq.s32 s5, $0x0;
	s5 =	sld [smem:$0x3FAD]  }
0x2b: {  	s6 =	sld [smem:$0x3FAE]  }
0x2c: {  	s7 =	sld [smem:$0x3FAF]  }
0x2d: {  	s3 =	simm.s32 $0x108;
	s8 =	sld [smem:$0x3FB0]  }
0x2e: {  	s3 =	simm.s32 @!p0 $0x1082;
	s9 =	sld [smem:$0x3FB1]  }
0x2f: {  	lr =	sadd.s32 s0, s3;
	s0 =	sld [smem:$0x3FA8]  }
0x30: {  	s3 =	sld [smem:$0x3FAB]  }
0x31: {  	[smem:$0x3FB4] =	sst s10  }
0x32: {  	s10 =	sld [smem:$0x3FB2];
	_ =	sdelay $0x3  }
0x33: {  	p0 =	seq.s32 s10, $0x1;
	s10 =	sld [smem:$0x3FB4];
	_ =	sdelay $0x3  }
0x34: {  	[smem:$0x3FB4] =	sst s10  }
0x35: {  	s10 =	sld [smem:$0x3FB3];
	_ =	sdelay $0x3  }
0x36: {  	p1 =	seq.s32 s10, $0x1;
	s10 =	sld [smem:$0x3FB4];
	_ =	sdelay $0x3  }
0x37: {  	[smem:$0x3FB4] =	sst s10  }
0x38: {  	s10 =	sld [smem:$0x3FB5]  }
0x39: {  	_ = 	snop;
	(pc) =	sbr.ind lr, $3  }
0x3a: {  	_ = 	snop  }
0x3b: {  	_ = 	snop  }
0x3c: {  	p2 =	seq.s32 s10, $0x1;
	s10 =	sld [smem:$0x3FB4]  }
0x3d: {  	_ =	shalt  }
0x3e: {  	_ =	shalt  }
0x3f: {  	_ =	shalt  }
0x40: {  	_ =	shalt  }
0x41: {  	_ =	shalt  }
0x42: {  	_ =	shalt  }
0x43: {  	_ =	shalt  }
0x44: {  	_ =	shalt  }
0x45: {  	_ =	shalt  }
0x46: {  	_ =	shalt  }
0x47: {  	_ =	shalt  }
0x48: {  	_ =	shalt  }
0x49: {  	_ =	shalt  }
0x4a: {  	_ =	shalt  }
0x4b: {  	_ =	shalt  }
0x4c: {  	_ =	shalt  }
0x4d: {  	_ =	shalt  }
0x4e: {  	_ =	shalt  }
0x4f: {  	_ =	shalt  }
0x50: {  	_ =	shalt  }
0x51: {  	_ =	shalt  }
0x52: {  	_ =	shalt  }
0x53: {  	_ =	shalt  }
0x54: {  	_ =	shalt  }
0x55: {  	_ =	shalt  }
0x56: {  	_ =	shalt  }
0x57: {  	_ =	shalt  }
0x58: {  	_ =	shalt  }
0x59: {  	_ =	shalt  }
0x5a: {  	_ =	shalt  }
0x5b: {  	_ =	shalt  }
0x5c: {  	_ =	shalt  }
0x5d: {  	_ =	shalt  }
0x5e: {  	_ =	shalt  }
0x5f: {  	_ =	shalt  }
0x60: {  	_ =	shalt  }
0x61: {  	_ =	shalt  }
0x62: {  	_ =	shalt  }
0x63: {  	_ =	shalt  }
0x64: {  	_ =	shalt  }
0x65: {  	_ =	shalt  }
0x66: {  	_ =	shalt  }
0x67: {  	_ =	shalt  }
0x68: {  	_ =	shalt  }
0x69: {  	_ =	shalt  }
0x6a: {  	_ =	shalt  }
0x6b: {  	_ =	shalt  }
0x6c: {  	_ =	shalt  }
0x6d: {  	_ =	shalt  }
0x6e: {  	_ =	shalt  }
0x6f: {  	_ =	shalt  }
0x70: {  	_ =	shalt  }
0x71: {  	_ =	shalt  }
0x72: {  	_ =	shalt  }
0x73: {  	_ =	shalt  }
0x74: {  	_ =	shalt  }
0x75: {  	_ =	shalt  }
0x76: {  	_ =	shalt  }
0x77: {  	_ =	shalt  }
0x78: {  	_ =	shalt  }
0x79: {  	_ =	shalt  }
0x7a: {  	_ =	shalt  }
0x7b: {  	_ =	shalt  }
0x7c: {  	_ =	shalt  }
0x7d: {  	_ =	shalt  }
0x7e: {  	_ =	shalt  }
0x7f: {  	_ =	shalt  }
0x80: {  	_ =	shalt  }
0x81: {  	_ =	shalt  }
0x82: {  	_ =	shalt  }
0x83: {  	_ =	shalt  }
0x84: {  	_ =	shalt  }
0x85: {  	_ =	shalt  }
0x86: {  	_ =	shalt  }
0x87: {  	_ =	shalt  }
.Lfunc_end0:
.L_simem_size_0:
called_computation_lowered:
.L_overlay_start_0:
0x88: {  	s2 =	sld [smem:$0x3FD9]  }
0x89: {  	s3 =	sld [smem:$0x3FFE];
	_ =	sdelay $0x1  }
0x8a: {  	s1 =	srdreg.scid  }
0x8b: {  	s0 =	sand.u32 $0x1, s1  }
0x8c: {  	s17 =	sshll.u32 s0, $0xA;
	s2 =	sadd.s32 s3, s2  }
0x8d: {  	s2 =	sadd.s32 s2, s17  }
0x8e: {  	[smem:$0x3FC0] =	sst s2  }
0x8f: {  	_ = 	snop  }
0x90: {  	s2 =	sld [smem:$0x3FD0];
	(tm) =	ssettm $0x1  }
0x91: {  	s18 =	sld [smem:$0x3FFB];
	_ =	sdelay $0x3  }
0x92: {  	_ =	strace s18  }
0x93: {  	s3 =	sld [smem:$0x3FFC];
	_ =	sdelay $0x3  }
0x94: {  	_ =	strace s3  }
0x95: {  	s3 =	sld [smem:$0x3FFD];
	_ =	sdelay $0x3  }
0x96: {  	_ =	strace s3  }
0x97: {  	_ =	strace $0x8FFFFFFF  }
0x98: {  	s19 =	sld [smem:$0x3FDB];
	_ =	sdelay $0x1  }
0x99: {  	s4 =	simm.s32 $_scs_section_size  }
0x9a: {  	s5 =	simm.s32 $_size__tile_overlayer_lowered;
	s6 =	simm.s32 $_tile_overlayer_lowered  }
0x9b: {  	s22 =	simm.s32 $0x1BFF;
	s21 =	sshll.u32 s6, $0x1;
	s3 =	sadd.s32 s4, s19  }
0x9c: {  	s7 =	simm.s32 $0x0;
	s20 =	sshll.u32 s5, $0x1;
	s5 =	sadd.s32 s21, s3  }
0x9d: {  	[timem:s7], [sflag:s22] =	dma.local [hbm:s5], s20  }
0x9e: {  	_ =	swait.ge [sflag:s22], s20  }
0x9f: {  	s4 =	ssub.s32 $0x0, s20;
	[sflag:s22] =	ssyncset.done $0x0  }
0xa0: {  	[sflag:s22] =	ssyncadd.s32 s4;
	_ =	sdelay $0x1  }
0xa1: {  	s23 =	simm.s32 $0x1B8B  }
0xa2: {  	_ =	swait.ge [sflag:s23], $0x1  }
0xa3: {  	[sflag:s23] =	ssyncset.done $0x0  }
0xa4: {  	s25 =	simm.s32 $0x1B8E;
	s24 =	sld [smem:$0x3FFE];
	[sflag:s23] =	ssyncadd.s32 $0xFFFFFFFF  }
0xa5: {  	s26 =	simm.s32 $execute0_lowered;
	[smem:$0x3FD2] =	sst s25  }
0xa6: {  	s5 =	sshll.u32 s26, $0x1;
	_ =	strace $0x80000046;
	[dreg:$0x1] =	wrdreg $0xFFFFFFFF  }
0xa7: {  	s28 =	simm.s32 $_size_execute0_lowered;
	s3 =	sadd.s32 s3, s5;
	[dreg:$0x0] =	wrdreg $0x0  }
0xa8: {  	s5 =	sshll.u32 s28, $0x1;
	[dreg:$0x2] =	wrdreg s3  }
0xa9: {  	[dreg:$0x3] =	wrdreg s5  }
0xaa: {  	[dreg:$0x4] =	wrdreg $0xC0  }
0xab: {  	_ =	task [dreg:s7], $0x5FFFF  }
0xac: {  	[dreg:$0x1] =	wrdreg $0xFFFFFFFF  }
0xad: {  	[dreg:$0x0] =	wrdreg $0x60  }
0xae: {  	[dreg:$0x2] =	wrdreg s24  }
0xaf: {  	[dreg:$0x3] =	wrdreg s2  }
0xb0: {  	[dreg:$0x4] =	wrdreg $0x13D000  }
0xb1: {  	[dreg:$0x5] =	wrdreg $0x9  }
0xb2: {  	_ =	task.clear_ibuf [dreg:s7], $0x6FFFF;
	_ =	strace $0x90000046  }
0xb3: {  	s29 =	simm.s32 $0x9;
	_ =	strace $0x80000048  }
0xb4: {  	_ =	swait.ge [sflag:s29], $0x1  }
0xb5: {  	[sflag:s29] =	ssyncadd.s32 $0xFFFFFFFF  }
0xb6: {  	_ =	strace $0x90000048  }
0xb7: {  	_ =	sfence  }
0xb8: {  	s30 =	sld [smem:$0x0];
	_ =	sdelay $0x2  }
0xb9: {  	s31 =	sshll.u32 s1, $0xD;
	s1 =	sshrl.u32 s1, $0x2  }
0xba: {  	s3 =	sand.u32 $0x4000, s31;
	s1 =	sadd.s32 s1, s30  }
0xbb: {  	s0 =	sor.u32 s3, s0;
	s1 =	sshll.u32 s1, $0x11  }
0xbc: {  	s0 =	sor.u32 s1, s0  }
0xbd: {  	s0 =	sadd.s32 $0x8F2B, s0  }
0xbe: {  	[sflag:s0] =	ssyncadd.remote.s32 $0x1  }
0xbf: {  	_ =	sfence.sel $0xFFFF  }
0xc0: {  	[dreg:$0x0] =	wrdreg $0xFFFFFFFF;
	(pc) =	sbr.abs _section_cstart, $3  }
0xc1: {  	[dreg:$0x1] =	wrdreg $0xFFFFFFFF  }
0xc2: {  	_ =	task.clear_ibuf [dreg:s7], $0x2FFFF;
	_ =	strace $0x9FFFFFFF  }
0xc3: {  	(tm) =	ssettm $0x7FFFFFFF  }
tec
execute0_lowered:
.L_overlay_start_1:
0x0: {  	(tag) =	ssettag $0x1  }
0x1: {  	s0 =	rddreg [dreg:$0x0]  }
0x2: {  	s1 =	rddreg [dreg:$0x1]  }
0x3: {  	s2 =	rddreg [dreg:$0x2];
	s3 =	simm.s32 $0x0;
	s10 =	stileid.u32  }
0x4: {  	s7 =	srdreg.scid;
	s17 =	simm.s32 $0x11D00;
	s18 =	simm.s32 $0x1  }
0x5: {  	s19 =	simm.s32 $0x2;
	s20 =	simm.s32 $0x80;
	s21 =	simm.s32 $0x9D00  }
0x6: {  	s24 =	simm.s32 $0xDD00;
	s25 =	simm.s32 $0x3;
	s26 =	simm.s32 $0x0  }
0x7: {  	[smem:$0x7FF] =	sst s3;
	s6 =	smul.u32 $0x9D0, s10;
	s4 =	sadd.s32 $0x17400, s0  }
0x8: {  	s5 =	sadd.s32 $0x3A00, s0;
	s13 =	sand.u32 $0x1, s7;
	s8 =	smul.u32 $0x28000, s10  }
0x9: {  	s14 =	smul.u32 $0xA000, s10;
	_ =	strace $0x80000047;
	s30 =	ssub.s32 $0x2, s13  }
0xa: {  	p0 =	seq.s32 s13, $0x0;
	s13 =	smov.u32 s5;
	s29 =	sadd.s32 s6, s0  }
0xb: {  	s0 =	sadd.s32 $0x3EA00, s0;
	s9 =	sshrl.u32 s30, $0x1;
	s31 =	sshrl.u32 s8, $0x2  }
0xc: {  	s8 =	sadd.s32 s14, s2;
	s16 =	sshrl.u32 s14, $0x3;
	s13 =	smov.u32 @p0 s4  }
0xd: {  	s15 =	ssub.s32 s30, s9;
	s6 =	sadd.s32 $0x34C00, s29;
	s12 =	sadd.s32 s31, s2  }
0xe: {  	s7 =	sadd.s32 $0x2AE00, s29;
	s0 =	smov.u32 @p0 s1;
	s9 =	sadd.s32 $0x2000, s12  }
0xf: {  	s10 =	sadd.s32 $0x4000, s12;
	s11 =	sadd.s32 $0x6000, s12;
	s12 =	sadd.s32 $0x8000, s12  }
0x10: {  	v0 =	vimm.f32 $0.0e+00;
	s14 =	smax.u32 s15, $0x1;
	s15 =	sadd.s32 s0, s16;
	s16 =	simm.s32 $0x4E80  }
.LBB2_1:
0x11: {  	[tilespmem:s3], [sflag:$0x1] =	stream.linear.gather [hbm4b:s6+s3], $0x4E80, $0x38;
	[tilespmem:$0x1DD00] =	vst v63  }
0x12: {  	s1 =	simm.s32 $0x100;
	s0 =	simm.s32 $0x0  }
0x13: {  	[tilespmem:s16], [sflag:$0x1] =	stream.linear.gather [hbm4b:s7+s3], $0x4E80, $0x38;
	[tilespmem:$0x1DD00] =	vst v63  }
.LBB2_2:
0x14: {  	p1 =	sne.s32 s1, $0x7F00;
	[tilespmem:s0+$0x11D30] =	vst v0;
	s22 =	smov.u32 s1;
	s1 =	sadd.s32 $0x100, s1  }
.Ltmp0:
0x15: {  	[tilespmem:s0+$0x11D20] =	vst v0;
	(pc) =	sbr.rel @p1 .LBB2_2-.Ltmp0, $3  }
0x16: {  	[tilespmem:s0+$0x11D00] =	vst v0  }
0x17: {  	[tilespmem:s0+$0x11D10] =	vst v0;
	_ =	sdelay $0x1  }
0x18: {  	s0 =	sshra.s32 s22, $0x2  }
0x19: {  	[tilespmem:s0+$0x11D30] =	vst v0  }
0x1a: {  	[tilespmem:s0+$0x11D20] =	vst v0  }
0x1b: {  	[tilespmem:s0+$0x11D00] =	vst v0  }
0x1c: {  	[tilespmem:s0+$0x11D10] =	vst v0  }
0x1d: {  	[spmem:s8] =	stream.linear.scatter [tilespmem:s17], [sflag:$0x2], $0x2000, $0x38;
	[tilespmem:$0x1DD00] =	vst v63  }
0x1e: {  	_ = 	snop  }
0x1f: {  	[spmem:s9] =	stream.linear.scatter [tilespmem:s17], [sflag:$0x2], $0x2000, $0x38;
	[tilespmem:$0x1DD00] =	vst v63  }
0x20: {  	_ = 	snop  }
0x21: {  	[spmem:s10] =	stream.linear.scatter [tilespmem:s17], [sflag:$0x2], $0x2000, $0x38;
	[tilespmem:$0x1DD00] =	vst v63  }
0x22: {  	_ = 	snop  }
0x23: {  	[spmem:s11] =	stream.linear.scatter [tilespmem:s17], [sflag:$0x2], $0x2000, $0x38;
	[tilespmem:$0x1DD00] =	vst v63  }
0x24: {  	_ = 	snop  }
0x25: {  	[spmem:s12] =	stream.linear.scatter [tilespmem:s17], [sflag:$0x2], $0x2000, $0x38;
	[tilespmem:$0x1DD00] =	vst v63  }
0x26: {  	_ =	swait.ge [sflag:s18], $0x4E80  }
0x27: {  	[sflag:s18] =	ssyncset.done $0x0  }
0x28: {  	[sflag:s18] =	ssyncadd.s32 $0xFFFFB180  }
0x29: {  	_ =	swait.ge [sflag:s18], $0x4E80  }
0x2a: {  	[sflag:s18] =	ssyncset.done $0x0  }
0x2b: {  	[sflag:s18] =	ssyncadd.s32 $0xFFFFB180  }
0x2c: {  	_ =	swait.ge [sflag:s19], $0x2000  }
0x2d: {  	[sflag:s19] =	ssyncset.done $0x0  }
0x2e: {  	[sflag:s19] =	ssyncadd.s32 $0xFFFFE000  }
0x2f: {  	_ =	swait.ge [sflag:s19], $0x2000  }
0x30: {  	[sflag:s19] =	ssyncset.done $0x0  }
0x31: {  	[sflag:s19] =	ssyncadd.s32 $0xFFFFE000  }
0x32: {  	_ =	swait.ge [sflag:s19], $0x2000  }
0x33: {  	[sflag:s19] =	ssyncset.done $0x0  }
0x34: {  	[sflag:s19] =	ssyncadd.s32 $0xFFFFE000  }
0x35: {  	_ =	swait.ge [sflag:s19], $0x2000  }
0x36: {  	[sflag:s19] =	ssyncset.done $0x0  }
0x37: {  	[sflag:s19] =	ssyncadd.s32 $0xFFFFE000  }
0x38: {  	_ =	swait.ge [sflag:s19], $0x2000  }
0x39: {  	[sflag:s19] =	ssyncset.done $0x0  }
0x3a: {  	[sflag:s19] =	ssyncadd.s32 $0xFFFFE000  }
0x3b: {  	[bflag:$0x0] =	sbarrier.arrive $0xFFFF  }
0x3c: {  	[tilespmem:s21], [sflag:$0x1] =	stream.indirect.gather [hbm4b:s13+s20], $0x40, s3, s20, $0xb8;
	[tilespmem:$0x1DD00] =	vst v63  }
0x3d: {  	s23 =	simm.s32 $0xBD00  }
0x3e: {  	[tilespmem:s23], [sflag:$0x1] =	stream.indirect.gather [hbm4b:s13+s20], $0x40, s20, s20, $0xb8;
	[tilespmem:$0x1DD00] =	vst v63  }
0x3f: {  	s1 =	simm.s32 $0x100  }
0x40: {  	[tilespmem:s24], [sflag:$0x1] =	stream.indirect.gather [hbm4b:s13+s20], $0x40, s1, s20, $0xb8;
	[tilespmem:$0x1DD00] =	vst v63  }
0x41: {  	_ =	swait.ge [sflag:s18], $0x2000  }
0x42: {  	[sflag:s18] =	ssyncset.done $0x0  }
0x43: {  	[sflag:s18] =	ssyncadd.s32 $0xFFFFE000  }
0x44: {  	[spmem:s2] =	stream.indirect.scatter.add.f32 [tilespmem:s21], [sflag:$0x2], $0x40, s16, s20, $0xb8;
	[tilespmem:$0x1DD00] =	vst v63  }
0x45: {  	s0 =	simm.s32 @p0 $0x80;
	s22 =	simm.s32 @p0 $0xFD00;
	s1 =	simm.s32 @p0 $0x180  }
0x46: {  	[tilespmem:s22], [sflag:$0x1] =	stream.indirect.gather @p0 [hbm4b:s4+s0], $0x40, s1, s0, $0xb8;
	[tilespmem:$0x1DD00] =	vst v63  }
0x47: {  	s0 =	simm.s32 @!p0 $0x80;
	s1 =	simm.s32 @!p0 $0x180;
	s22 =	simm.s32 @!p0 $0xFD00  }
0x48: {  	[tilespmem:s22], [sflag:$0x1] =	stream.indirect.gather @!p0 [hbm4b:s5+s0], $0x40, s1, s0, $0xb8;
	[tilespmem:$0x1DD00] =	vst v63  }
0x49: {  	s28 =	simm.s32 $0x20000;
	s29 =	simm.s32 $0x200;
	s22 =	simm.s32 $0x8000  }
0x4a: {  	s30 =	simm.s32 $0x2;
	s0 =	sand.u32 $0x18000, s22;
	_ =	swait.ge [sflag:s18], $0x2000  }
0x4b: {  	p1 =	por $0x0, $0x0;
	s0 =	sshrl.u32 s0, $0x2;
	[sflag:s18] =	ssyncset.done $0x0  }
0x4c: {  	s23 =	simm.s32 $0x4F00;
	s0 =	sor.u32 $0x9D00, s0;
	[sflag:s18] =	ssyncadd.s32 $0xFFFFE000  }
0x4d: {  	[spmem:s2] =	stream.indirect.scatter.add.f32 [tilespmem:s0], [sflag:$0x2], $0x40, s23, s20, $0xb8;
	[tilespmem:$0x1DD00] =	vst v63  }
0x4e: {  	s31 =	simm.s32 $0x4F80;
	s1 =	simm.s32 @!p1 $0x2;
	s0 =	sand.u32 @!p1 $0x18000, s28  }
0x4f: {  	s23 =	simm.s32 @!p1 $0x80;
	_ =	swait.ge @!p1 [sflag:s1], $0x2000;
	s22 =	sshrl.u32 @!p1 s0, $0x2  }
0x50: {  	s0 =	simm.s32 $0x280;
	[sflag:s1] =	ssyncset.done @!p1 $0x0;
	s22 =	sor.u32 @!p1 $0x9D00, s22  }
.LBB2_4:
0x51: {  	[sflag:s1] =	ssyncadd.s32 @!p1 $0xFFFFE000  }
0x52: {  	s28 =	sadd.s32 $0x8000, s28;
	s1 =	smov.u32 s30;
	s30 =	sadd.s32 $0x1, s30  }
0x53: {  	[tilespmem:s22], [sflag:$0x1] =	stream.indirect.gather @!p1 [hbm4b:s13+s23], $0x40, s29, s23, $0xb8;
	[tilespmem:$0x1DD00] =	vst v63  }
0x54: {  	p2 =	sne.s32 s30, $0x9D;
	s29 =	smov.u32 s0  }
0x55: {  	s22 =	sadd.s32 $0xFFFE8000, s28  }
0x56: {  	s22 =	sand.u32 $0x18000, s22;
	_ =	swait.ge [sflag:s18], $0x2000  }
0x57: {  	p1 =	sgt.u32 s1, $0x99;
	s22 =	sshrl.u32 s22, $0x2;
	[sflag:s18] =	ssyncset.done $0x0  }
.Ltmp1:
0x58: {  	s22 =	sor.u32 $0x9D00, s22;
	[sflag:s18] =	ssyncadd.s32 $0xFFFFE000;
	(pc) =	sbr.rel @p2 .LBB2_4-.Ltmp1, $4  }
0x59: {  	[spmem:s2] =	stream.indirect.scatter.add.f32 [tilespmem:s22], [sflag:$0x2], $0x40, s31, s20, $0xb8;
	[tilespmem:$0x1DD00] =	vst v63  }
0x5a: {  	s1 =	simm.s32 @!p1 $0x2;
	s22 =	sand.u32 @!p1 $0x18000, s28;
	s31 =	sadd.s32 $0x80, s31  }
0x5b: {  	s0 =	sadd.s32 $0x80, s0;
	s22 =	sshrl.u32 @!p1 s22, $0x2;
	_ =	swait.ge @!p1 [sflag:s1], $0x2000  }
0x5c: {  	s23 =	simm.s32 @!p1 $0x80;
	s22 =	sor.u32 @!p1 $0x9D00, s22;
	[sflag:s1] =	ssyncset.done @!p1 $0x0  }
0x5d: {  	[sflag:s1] =	ssyncadd.s32 @!p1 $0xFFFFE000  }
0x5e: {  	[tilespmem:s22], [sflag:$0x1] =	stream.indirect.gather @!p1 [hbm4b:s13+s23], $0x40, s29, s23, $0xb8;
	[tilespmem:$0x1DD00] =	vst v63  }
0x5f: {  	_ =	swait.ge [sflag:s19], $0x2000  }
0x60: {  	[sflag:s19] =	ssyncset.done $0x0  }
0x61: {  	[sflag:s19] =	ssyncadd.s32 $0xFFFFE000  }
0x62: {  	_ =	swait.ge [sflag:s19], $0x2000  }
0x63: {  	[sflag:s19] =	ssyncset.done $0x0  }
0x64: {  	[sflag:s19] =	ssyncadd.s32 $0xFFFFE000  }
0x65: {  	_ =	swait.ge [sflag:s19], $0x2000  }
0x66: {  	[sflag:s19] =	ssyncset.done $0x0  }
0x67: {  	[sflag:s19] =	ssyncadd.s32 $0xFFFFE000  }
0x68: {  	s0 =	stileid.u32;
	_ =	swait.ge [sflag:s19], $0x2000  }
0x69: {  	s31 =	sshrl.u32 s8, $0x3;
	s26 =	sadd.s32 $0x1, s26;
	[sflag:s19] =	ssyncset.done $0x0  }
0x6a: {  	s0 =	sshll.u32 s0, $0x6;
	p1 =	sne.s32 s26, s14;
	[sflag:s19] =	ssyncadd.s32 $0xFFFFE000  }
.Ltmp2:
0x6b: {  	s0 =	sor.u32 $0x1C03, s0;
	[bflag:$0x0] =	sbarrier.arrive $0xFFFF;
	(pc) =	sbr.rel @p1 .LBB2_1-.Ltmp2, $4  }
0x6c: {  	[hbm:s15], [sflag:s0] =	dma.local [spmem:s31], $0x1400  }
0x6d: {  	_ =	swait.ge [sflag:s25], $0x1400  }
0x6e: {  	[sflag:s25] =	ssyncset.done $0x0  }
0x6f: {  	[sflag:s25] =	ssyncadd.s32 $0xFFFFEC00  }
0x70: {  	_ =	sfence.sel $0x180000  }
0x71: {  	[bflag:$0x0] =	sbarrier.arrive $0xFFFF  }
0x72: {  	_ =	strace $0x90000047  }
0x73: {  	s0 =	stileid.u32;
	[bflag:$0x2] =	sbarrier.arrive $0xFFFF  }
0x74: {  	p0 =	sne.s32 s0, $0x0;
	s0 =	rddreg [dreg:$0x3]  }
0x75: {  	s0 =	sadd.s32 @!p0 $0x100000, s0  }
0x76: {  	[sflag:s0] =	ssyncadd.tile.s32 @!p0 $0x1;
	_ =	shalt  }
.Lfunc_end2:
_tile_overlayer_lowered:
.L_overlay_start_2:
0x77: {  	(tag) =	ssettag $0x2  }
0x78: {  	s0 =	rddreg [dreg:$0x0];
	s2 =	stileid.u32  }
0x79: {  	s1 =	rddreg [dreg:$0x1];
	p0 =	sne.s32 s2, $0x0  }
0x7a: {  	s3 =	rddreg [dreg:$0x2];
	[bflag:$0x3] =	sbarrier.arrive $0xFFFF;
	s2 =	simm.s32 @!p0 $0x1C03  }
0x7b: {  	[timem:s3], [sflag:s2] =	dma.local @!p0 [hbm:s0], s1  }
0x7c: {  	s0 =	simm.s32 @!p0 $0x3  }
0x7d: {  	_ =	swait.ge @!p0 [sflag:s0], s1  }
0x7e: {  	s1 =	ssub.s32 @!p0 $0x0, s1;
	[sflag:s0] =	ssyncset.done @!p0 $0x0  }
0x7f: {  	[sflag:s0] =	ssyncadd.s32 @!p0 s1  }
0x80: {  	[bflag:$0x3] =	sbarrier.arrive $0xFFFF  }
0x81: {  	_ =	shalt  }

</sc_bundles>
